<compile_context>
chip_gen: v7x
topology: tpu7x:2x2x1
jax: 0.10.2.dev20260603
libtpu: 0.0.44.dev20260713+nightly
codegen_flags: <defaults>
</compile_context>

<pallas_src>
import functools

import jax
import jax.numpy as jnp
from jax import lax
from jax.experimental import pallas as pl
from jax.experimental.pallas import tpu as pltpu
from jax.experimental.pallas import tpu_sc as plsc

N_NODES = 10000
D = 128
OUT_DIM = 32
NUM_LAYERS = 3
BN_EPS = 1e-5

NC = 2
NS = 16
NW = NC * NS

NPAD = 10112
ROWS_PER_TILE = NPAD // NS

E_CHUNK = 128
N_EDGES = 320000
EPW_CHUNKS = 80
NSTAGE = 1
STAGE_CHUNKS = EPW_CHUNKS // NSTAGE
EPW = EPW_CHUNKS * E_CHUNK
EPAD = EPW * NW

_sc_mesh = plsc.VectorSubcoreMesh(core_axis_name="c", subcore_axis_name="s")


@functools.partial(
    pl.kernel,
    mesh=_sc_mesh,
    out_type=(jax.ShapeDtypeStruct((NC, NPAD, D), jnp.float32),
              jax.ShapeDtypeStruct((EPAD, D), jnp.float32)),
    scratch_types=[
        pltpu.VMEM((STAGE_CHUNKS, E_CHUNK), jnp.int32),
        pltpu.VMEM((2 * E_CHUNK, D), jnp.float32),
        pltpu.VMEM_SHARED((NPAD, D), jnp.float32),
        pltpu.SemaphoreType.DMA,
        pltpu.SemaphoreType.DMA,
    ],
)
def _sc_segment_sum(src_hbm, dst_hbm, h_hbm, zeros_hbm, out_hbm, msg_hbm,
                    idx_v, rows_v, sp_buf, gsem, gsem2):
    cid = lax.axis_index("c")
    sid = lax.axis_index("s")
    wid = sid * NC + cid
    chunk_base = wid * EPW_CHUNKS
    row_base = sid * ROWS_PER_TILE
    rows_sl = pl.ds(row_base, ROWS_PER_TILE)

    hstage = pltpu.async_copy(h_hbm.at[rows_sl], sp_buf.at[rows_sl], gsem)

    for stage in range(NSTAGE):
        sbase = chunk_base + stage * STAGE_CHUNKS
        pltpu.sync_copy(src_hbm.at[pl.ds(sbase, STAGE_CHUNKS)], idx_v)
        hstage.wait()
        plsc.subcore_barrier()

        half = (rows_v.at[pl.ds(0, E_CHUNK)], rows_v.at[pl.ds(E_CHUNK, E_CHUNK)])
        sem = (gsem, gsem2)

        def _wait_gather(b):
            pltpu.make_async_copy(sp_buf.at[pl.ds(0, E_CHUNK)], half[b],
                                  sem[b]).wait()

        def _issue_gather(j, b):
            pltpu.async_copy(sp_buf.at[idx_v.at[j]], half[b], sem[b])

        def _write_msg(j, b):
            pltpu.sync_copy(half[b],
                            msg_hbm.at[pl.ds((sbase + j) * E_CHUNK, E_CHUNK)])

        _issue_gather(0, 0)
        _issue_gather(1, 1)

        def gather_pair(g, carry):
            j = 2 * g
            for b in range(2):
                _wait_gather(b)
                _write_msg(j + b, b)
                _issue_gather(j + b + 2, b)
            return carry

        lax.fori_loop(0, STAGE_CHUNKS // 2 - 1, gather_pair, 0)
        for b in range(2):
            _wait_gather(b)
            _write_msg(STAGE_CHUNKS - 2 + b, b)

    plsc.subcore_barrier()
    @pl.when((cid == 0) != (sid < NS // 2))
    def _zero():
        pltpu.sync_copy(zeros_hbm, sp_buf.at[rows_sl])
    plsc.subcore_barrier()

    for stage in range(NSTAGE):
        sbase = chunk_base + stage * STAGE_CHUNKS
        pltpu.sync_copy(dst_hbm.at[pl.ds(sbase, STAGE_CHUNKS)], idx_v)

        half = (rows_v.at[pl.ds(0, E_CHUNK)], rows_v.at[pl.ds(E_CHUNK, E_CHUNK)])
        sem = (gsem, gsem2)

        def _wait_read(b):
            pltpu.make_async_copy(msg_hbm.at[pl.ds(0, E_CHUNK)], half[b],
                                  sem[b]).wait()

        def _issue_read(j, b):
            pltpu.async_copy(
                msg_hbm.at[pl.ds((sbase + j) * E_CHUNK, E_CHUNK)], half[b],
                sem[b])

        def _scatter(j, b):
            pltpu.sync_copy(half[b], sp_buf.at[idx_v.at[j]], add=True)

        _issue_read(0, 0)
        _issue_read(1, 1)

        def scatter_pair(g, carry):
            j = 2 * g
            for b in range(2):
                _wait_read(b)
                _scatter(j + b, b)
                _issue_read(j + b + 2, b)
            return carry

        lax.fori_loop(0, STAGE_CHUNKS // 2 - 1, scatter_pair, 0)
        for b in range(2):
            _wait_read(b)
            _scatter(STAGE_CHUNKS - 2 + b, b)

    plsc.subcore_barrier()
    pltpu.sync_copy(sp_buf.at[rows_sl], out_hbm.at[cid, rows_sl])


def _mlp_body(p0_ref, p1_ref, w1_ref, b1_ref, w2_ref, b2_ref,
              sc_ref, sh_ref, out_ref):
    agg = p0_ref[...] + p1_ref[...]
    h1 = jnp.maximum(
        jnp.dot(agg, w1_ref[...], preferred_element_type=jnp.float32)
        + b1_ref[...], 0.0)
    h2 = (jnp.dot(h1, w2_ref[...], preferred_element_type=jnp.float32)
          + b2_ref[...])
    out_ref[...] = jnp.maximum(h2 * sc_ref[...] + sh_ref[...], 0.0)


def _mlp_final_body(p0_ref, p1_ref, w1_ref, b1_ref, w2_ref, b2_ref,
                    sc_ref, sh_ref, wc_ref, bc_ref, out_ref, cls_ref):
    _mlp_body(p0_ref, p1_ref, w1_ref, b1_ref, w2_ref, b2_ref,
              sc_ref, sh_ref, out_ref)
    cls_ref[...] = (jnp.dot(out_ref[...], wc_ref[...],
                            preferred_element_type=jnp.float32) + bc_ref[...])


_BLK = 2528
_row_spec = pl.BlockSpec((_BLK, D), lambda i: (i, 0))
_w_spec = pl.BlockSpec((D, D), lambda i: (0, 0))
_v_spec = pl.BlockSpec((1, D), lambda i: (0, 0))


def _tc_mlp(p0, p1, w1, b1, w2, b2, scale, shift):
    return pl.pallas_call(
        _mlp_body,
        grid=(NPAD // _BLK,),
        in_specs=[_row_spec, _row_spec, _w_spec, _v_spec,
                  _w_spec, _v_spec, _v_spec, _v_spec],
        out_specs=_row_spec,
        out_shape=jax.ShapeDtypeStruct((NPAD, D), jnp.float32),
    )(p0, p1, w1, b1, w2, b2, scale, shift)


def _tc_mlp_final(p0, p1, w1, b1, w2, b2, scale, shift, wc, bc):
    return pl.pallas_call(
        _mlp_final_body,
        grid=(NPAD // _BLK,),
        in_specs=[_row_spec, _row_spec, _w_spec, _v_spec,
                  _w_spec, _v_spec, _v_spec, _v_spec, _w_spec, _v_spec],
        out_specs=(_row_spec, _row_spec),
        out_shape=(jax.ShapeDtypeStruct((NPAD, D), jnp.float32),
                   jax.ShapeDtypeStruct((NPAD, D), jnp.float32)),
    )(p0, p1, w1, b1, w2, b2, scale, shift, wc, bc)


def kernel(x, edge_index, params):
    ei = edge_index.astype(jnp.int32)
    pad_e = EPAD - N_EDGES
    src = jnp.concatenate(
        [ei[0], jnp.full((pad_e,), N_NODES, dtype=jnp.int32)]
    ).reshape(EPAD // E_CHUNK, E_CHUNK)
    dst = jnp.concatenate(
        [ei[1], jnp.full((pad_e,), N_NODES, dtype=jnp.int32)]
    ).reshape(EPAD // E_CHUNK, E_CHUNK)

    h = jnp.zeros((NPAD, D), jnp.float32).at[:N_NODES].set(x)
    zeros = jnp.zeros((ROWS_PER_TILE, D), jnp.float32)

    for i in range(NUM_LAYERS):
        cp = params[f'conv{i}']
        bn = params[f'bn{i}']
        scale = (bn['gamma'] * lax.rsqrt(bn['var'] + BN_EPS)).reshape(1, D)
        shift = (bn['beta'] - bn['mean'] * scale[0]).reshape(1, D)
        b1 = cp['b1'].reshape(1, D)
        b2 = cp['b2'].reshape(1, D)

        parts, _ = _sc_segment_sum(src, dst, h, zeros)
        if i < NUM_LAYERS - 1:
            h = _tc_mlp(parts[0], parts[1], cp['W1'], b1,
                        cp['W2'], b2, scale, shift)
        else:
            wc = jnp.zeros((D, D), jnp.float32).at[:, :OUT_DIM].set(
                params['Wc'])
            bc = jnp.zeros((1, D), jnp.float32).at[0, :OUT_DIM].set(
                params['bc'])
            h, cls = _tc_mlp_final(parts[0], parts[1], cp['W1'], b1,
                                   cp['W2'], b2, scale, shift, wc, bc)
    return cls[:N_NODES, :OUT_DIM]

# --- scband reference (transcript-rebuilt; emitter-appended) ---
"""Pipeline reference for scband-cell-graph-gin-84172769067903 (READ-ONLY COPY).

The authoritative reference and input builder live on the scoring server;
editing this copy changes nothing except your own understanding.
"""

import jax, jax.numpy as jnp
import numpy as np

N_NODES = 10000
N_EDGES = 320000
IN_DIM = 128
HID = 128
OUT_DIM = 32
NUM_LAYERS = 3
EPS = 0.0
BN_EPS = 1e-5


def _linear_init(key, fan_in, fan_out):
    kw, kb = jax.random.split(key)
    bound = 1.0 / np.sqrt(fan_in)
    W = jax.random.uniform(kw, (fan_in, fan_out), minval=-bound, maxval=bound, dtype=jnp.float32)
    b = jax.random.uniform(kb, (fan_out,), minval=-bound, maxval=bound, dtype=jnp.float32)
    return W, b


def setup_inputs(seed: int = 0) -> dict:
    key = jax.random.key(seed)
    k_x, k_e, k_p = jax.random.split(key, 3)
    x = jax.random.normal(k_x, (N_NODES, IN_DIM), dtype=jnp.float32)
    edge_index = jax.random.randint(k_e, (2, N_EDGES), 0, N_NODES, dtype=jnp.int64)

    params = {}
    keys = jax.random.split(k_p, 4 * NUM_LAYERS + 1)
    for i in range(NUM_LAYERS):
        in_d = IN_DIM if i == 0 else HID
        W1, b1 = _linear_init(keys[4 * i + 0], in_d, HID)
        W2, b2 = _linear_init(keys[4 * i + 1], HID, HID)
        gamma = jnp.ones((HID,), dtype=jnp.float32)
        beta = jnp.zeros((HID,), dtype=jnp.float32)
        mean = 0.1 * jax.random.normal(keys[4 * i + 2], (HID,), dtype=jnp.float32)
        var = jax.random.uniform(keys[4 * i + 3], (HID,), minval=0.5, maxval=1.5, dtype=jnp.float32)
        params[f'conv{i}'] = {'W1': W1, 'b1': b1, 'W2': W2, 'b2': b2}
        params[f'bn{i}'] = {'gamma': gamma, 'beta': beta, 'mean': mean, 'var': var}
    Wc, bc = _linear_init(keys[-1], HID, OUT_DIM)
    params['Wc'] = Wc
    params['bc'] = bc
    return {'x': x, 'edge_index': edge_index, 'params': params}


def _forward(x, params, edge_index):
    src = edge_index[0]
    dst = edge_index[1]
    h = x
    n = x.shape[0]
    for i in range(NUM_LAYERS):
        cp = params[f'conv{i}']
        bn = params[f'bn{i}']
        # GINConv: sum-aggregate neighbor messages (gather by src, scatter-add by dst)
        msg = jax.ops.segment_sum(h[src], dst, num_segments=n)
        agg = (1.0 + EPS) * h + msg
        # MLP: Linear -> ReLU -> Linear
        h1 = jnp.maximum(agg @ cp['W1'] + cp['b1'], 0.0)
        h = h1 @ cp['W2'] + cp['b2']
        # BatchNorm1d (eval mode: running stats)
        h = (h - bn['mean']) / jnp.sqrt(bn['var'] + BN_EPS) * bn['gamma'] + bn['beta']
        h = jnp.maximum(h, 0.0)
        # dropout: identity in eval mode
    return h @ params['Wc'] + params['bc']


def reference(x, edge_index, params):
    return _forward(x, params, edge_index)

if __name__ == "__main__":
    import jax
    _d = setup_inputs()
    print(jax.jit(kernel)(*tuple(_d.values())))

</pallas_src>

<mosaic_0001>
#map = affine_map<(d0, d1) -> (0, 0)>
#map1 = affine_map<(d0, d1) -> (0, 0, 0)>
module attributes {stable_mosaic.version = 14 : i64} {
  func.func @_sc_segment_sum(%arg0: i32, %arg1: i32, %arg2: memref<2560x128xi32, #tpu.memory_space<hbm>>, %arg3: memref<2560x128xi32, #tpu.memory_space<hbm>>, %arg4: memref<10112x128xf32, #tpu.memory_space<hbm>>, %arg5: memref<632x128xf32, #tpu.memory_space<hbm>>, %arg6: memref<2x10112x128xf32, #tpu.memory_space<hbm>>, %arg7: memref<327680x128xf32, #tpu.memory_space<hbm>>, %arg8: memref<80x128xi32, #tpu.memory_space<vmem>>, %arg9: memref<256x128xf32, #tpu.memory_space<vmem>>, %arg10: memref<10112x128xf32, #tpu.memory_space<vmem_shared>>, %arg11: memref<!tpu.dma_semaphore, #tpu.memory_space<semaphore_mem>>, %arg12: memref<!tpu.dma_semaphore, #tpu.memory_space<semaphore_mem>>) attributes {dimension_semantics = [#tpu.dimension_semantics<core_parallel>, #tpu.dimension_semantics<subcore_parallel>], iteration_bounds = array<i64: 2, 16>, scalar_prefetch = 0 : i64, scratch_operands = 5 : i64, tpu.core_type = #tpu.core_type<sc_vector_subcore>, window_params = [{transform_indices = #map}, {transform_indices = #map}, {transform_indices = #map}, {transform_indices = #map}, {transform_indices = #map1}, {transform_indices = #map}]} {
    %mul3A = arith.constant 2 : i32
    %mul3A_0 = arith.muli %arg1, %mul3A : i32
    %add3A = arith.addi %mul3A_0, %arg0 : i32
    %mul3A_1 = arith.constant 80 : i32
    %mul3A_2 = arith.muli %add3A, %mul3A_1 : i32
    %mul3A_3 = arith.constant 632 : i32
    %mul3A_4 = arith.muli %arg1, %mul3A_3 : i32
    %dma_start3A = arith.constant 0 : i32
    %dma_start3A_5 = tpu.memref_slice %arg10[%mul3A_4, %dma_start3A] : memref<10112x128xf32, #tpu.memory_space<vmem_shared>> -> memref<632x128xf32, #tpu.memory_space<vmem_shared>>
    %dma_start3A_6 = arith.constant 0 : i32
    %dma_start3A_7 = tpu.memref_slice %arg4[%mul3A_4, %dma_start3A_6] : memref<10112x128xf32, #tpu.memory_space<hbm>> -> memref<632x128xf32, #tpu.memory_space<hbm>>
    tpu.enqueue_dma source(%dma_start3A_7 : memref<632x128xf32, #tpu.memory_space<hbm>>) target(%dma_start3A_5 : memref<632x128xf32, #tpu.memory_space<vmem_shared>>) target_semaphore(%arg11 : memref<!tpu.dma_semaphore, #tpu.memory_space<semaphore_mem>>)
    %add3A_8 = arith.constant 0 : i32
    %add3A_9 = arith.addi %mul3A_2, %add3A_8 : i32
    "tpu.region"() ({
      %run_scoped3A_137 = tpu.sem_alloc : memref<!tpu.dma_semaphore, #tpu.memory_space<semaphore_mem>>
      %dma_start3A_138 = arith.constant 0 : i32
      %dma_start3A_139 = tpu.memref_slice %arg2[%add3A_9, %dma_start3A_138] : memref<2560x128xi32, #tpu.memory_space<hbm>> -> memref<80x128xi32, #tpu.memory_space<hbm>>
      %dma_start3A_140 = arith.constant 0 : i32
      %dma_start3A_141 = tpu.memref_slice %arg2[%add3A_9, %dma_start3A_140] : memref<2560x128xi32, #tpu.memory_space<hbm>> -> memref<80x128xi32, #tpu.memory_space<hbm>>
      tpu.enqueue_dma source(%dma_start3A_141 : memref<80x128xi32, #tpu.memory_space<hbm>>) target(%arg8 : memref<80x128xi32, #tpu.memory_space<vmem>>) target_semaphore(%run_scoped3A_137 : memref<!tpu.dma_semaphore, #tpu.memory_space<semaphore_mem>>)
      %dma_wait3A_142 = arith.constant 0 : i32
      %dma_wait3A_143 = tpu.memref_slice %arg2[%add3A_9, %dma_wait3A_142] : memref<2560x128xi32, #tpu.memory_space<hbm>> -> memref<80x128xi32, #tpu.memory_space<hbm>>
      %dma_wait3A_144 = arith.constant 0 : i32
      %dma_wait3A_145 = tpu.memref_slice %arg2[%add3A_9, %dma_wait3A_144] : memref<2560x128xi32, #tpu.memory_space<hbm>> -> memref<80x128xi32, #tpu.memory_space<hbm>>
      tpu.wait_dma2 semaphore(%run_scoped3A_137 : memref<!tpu.dma_semaphore, #tpu.memory_space<semaphore_mem>>) src(%dma_wait3A_145 : memref<80x128xi32, #tpu.memory_space<hbm>>) dst(%arg8 : memref<80x128xi32, #tpu.memory_space<vmem>>)
      tpu.yield
    }) : () -> ()
    %dma_wait3A = arith.constant 0 : i32
    %dma_wait3A_10 = tpu.memref_slice %arg10[%mul3A_4, %dma_wait3A] : memref<10112x128xf32, #tpu.memory_space<vmem_shared>> -> memref<632x128xf32, #tpu.memory_space<vmem_shared>>
    %dma_wait3A_11 = arith.constant 0 : i32
    %dma_wait3A_12 = tpu.memref_slice %arg4[%mul3A_4, %dma_wait3A_11] : memref<10112x128xf32, #tpu.memory_space<hbm>> -> memref<632x128xf32, #tpu.memory_space<hbm>>
    tpu.wait_dma2 semaphore(%arg11 : memref<!tpu.dma_semaphore, #tpu.memory_space<semaphore_mem>>) src(%dma_wait3A_12 : memref<632x128xf32, #tpu.memory_space<hbm>>) dst(%dma_wait3A_10 : memref<632x128xf32, #tpu.memory_space<vmem_shared>>)
    %barrier3A = arith.constant 0 : index
    tpu.barrier barrier_id(%barrier3A)
    %dma_start3A_13 = arith.constant 0 : i32
    %dma_start3A_14 = arith.constant 0 : i32
    %dma_start3A_15 = arith.constant 0 : i32
    %dma_start3A_16 = tpu.memref_slice %arg9[%dma_start3A_14, %dma_start3A_15] : memref<256x128xf32, #tpu.memory_space<vmem>> -> memref<128x128xf32, #tpu.memory_space<vmem>>
    %dma_start3A_17 = arith.constant 0 : i32
    %dma_start3A_18 = tpu.memref_slice %arg8[%dma_start3A_13, %dma_start3A_17] : memref<80x128xi32, #tpu.memory_space<vmem>> -> memref<1x128xi32, #tpu.memory_space<vmem>>
    %dma_start3A_19 = tpu.memref_squeeze %dma_start3A_18 : memref<1x128xi32, #tpu.memory_space<vmem>> -> memref<128xi32, #tpu.memory_space<vmem>>
    %dma_start3A_20 = arith.constant 0 : i32
    %dma_start3A_21 = arith.constant 0 : i32
    %dma_start3A_22 = tpu.memref_slice %arg10[%dma_start3A_20, %dma_start3A_21] : memref<10112x128xf32, #tpu.memory_space<vmem_shared>> -> memref<10112x128xf32, #tpu.memory_space<vmem_shared>>
    tpu.enqueue_indirect_dma source(%dma_start3A_22 : memref<10112x128xf32, #tpu.memory_space<vmem_shared>>) target(%dma_start3A_16 : memref<128x128xf32, #tpu.memory_space<vmem>>) offsets(%dma_start3A_19 : memref<128xi32, #tpu.memory_space<vmem>>) semaphore(%arg11 : memref<!tpu.dma_semaphore, #tpu.memory_space<semaphore_mem>>)
    %dma_start3A_23 = arith.constant 1 : i32
    %dma_start3A_24 = arith.constant 128 : i32
    %dma_start3A_25 = arith.constant 0 : i32
    %dma_start3A_26 = tpu.memref_slice %arg9[%dma_start3A_24, %dma_start3A_25] : memref<256x128xf32, #tpu.memory_space<vmem>> -> memref<128x128xf32, #tpu.memory_space<vmem>>
    %dma_start3A_27 = arith.constant 0 : i32
    %dma_start3A_28 = tpu.memref_slice %arg8[%dma_start3A_23, %dma_start3A_27] : memref<80x128xi32, #tpu.memory_space<vmem>> -> memref<1x128xi32, #tpu.memory_space<vmem>>
    %dma_start3A_29 = tpu.memref_squeeze %dma_start3A_28 : memref<1x128xi32, #tpu.memory_space<vmem>> -> memref<128xi32, #tpu.memory_space<vmem>>
    %dma_start3A_30 = arith.constant 0 : i32
    %dma_start3A_31 = arith.constant 0 : i32
    %dma_start3A_32 = tpu.memref_slice %arg10[%dma_start3A_30, %dma_start3A_31] : memref<10112x128xf32, #tpu.memory_space<vmem_shared>> -> memref<10112x128xf32, #tpu.memory_space<vmem_shared>>
    tpu.enqueue_indirect_dma source(%dma_start3A_32 : memref<10112x128xf32, #tpu.memory_space<vmem_shared>>) target(%dma_start3A_26 : memref<128x128xf32, #tpu.memory_space<vmem>>) offsets(%dma_start3A_29 : memref<128xi32, #tpu.memory_space<vmem>>) semaphore(%arg12 : memref<!tpu.dma_semaphore, #tpu.memory_space<semaphore_mem>>)
    %scan3A = arith.constant 0 : i32
    %scan3A_33 = arith.constant 0 : i32
    %scan3A_34 = arith.constant 39 : i32
    %scan3A_35 = arith.addi %scan3A_33, %scan3A_34 : i32
    %scan3A_36 = arith.constant 1 : i32
    scf.for %scan3A_137 = %scan3A_33 to %scan3A_35 step %scan3A_36  : i32 {
      %mul3A_138 = arith.constant 2 : i32
      %mul3A_139 = arith.muli %mul3A_138, %scan3A_137 : i32
      %dma_wait3A_140 = arith.constant 0 : i32
      %dma_wait3A_141 = arith.constant 0 : i32
      %dma_wait3A_142 = tpu.memref_slice %arg9[%dma_wait3A_140, %dma_wait3A_141] : memref<256x128xf32, #tpu.memory_space<vmem>> -> memref<128x128xf32, #tpu.memory_space<vmem>>
      %dma_wait3A_143 = arith.constant 0 : i32
      %dma_wait3A_144 = arith.constant 0 : i32
      %dma_wait3A_145 = tpu.memref_slice %arg10[%dma_wait3A_143, %dma_wait3A_144] : memref<10112x128xf32, #tpu.memory_space<vmem_shared>> -> memref<128x128xf32, #tpu.memory_space<vmem_shared>>
      %dma_wait3A_146 = arith.constant 0 : i32
      %dma_wait3A_147 = arith.constant 0 : i32
      %dma_wait3A_148 = tpu.memref_slice %arg9[%dma_wait3A_146, %dma_wait3A_147] : memref<256x128xf32, #tpu.memory_space<vmem>> -> memref<128x128xf32, #tpu.memory_space<vmem>>
      %dma_wait3A_149 = arith.constant 0 : i32
      %dma_wait3A_150 = arith.constant 0 : i32
      %dma_wait3A_151 = tpu.memref_slice %arg10[%dma_wait3A_149, %dma_wait3A_150] : memref<10112x128xf32, #tpu.memory_space<vmem_shared>> -> memref<128x128xf32, #tpu.memory_space<vmem_shared>>
      tpu.wait_dma2 semaphore(%arg11 : memref<!tpu.dma_semaphore, #tpu.memory_space<semaphore_mem>>) src(%dma_wait3A_151 : memref<128x128xf32, #tpu.memory_space<vmem_shared>>) dst(%dma_wait3A_148 : memref<128x128xf32, #tpu.memory_space<vmem>>)
      %add3A_152 = arith.constant 0 : i32
      %add3A_153 = arith.addi %mul3A_139, %add3A_152 : i32
      %add3A_154 = arith.addi %add3A_9, %add3A_153 : i32
      %mul3A_155 = arith.constant 128 : i32
      %mul3A_156 = arith.muli %add3A_154, %mul3A_155 : i32
      "tpu.region"() ({
        %run_scoped3A_200 = tpu.sem_alloc : memref<!tpu.dma_semaphore, #tpu.memory_space<semaphore_mem>>
        %dma_start3A_201 = arith.constant 0 : i32
        %dma_start3A_202 = arith.constant 0 : i32
        %dma_start3A_203 = tpu.memref_slice %arg9[%dma_start3A_201, %dma_start3A_202] : memref<256x128xf32, #tpu.memory_space<vmem>> -> memref<128x128xf32, #tpu.memory_space<vmem>>
        %dma_start3A_204 = arith.constant 0 : i32
        %dma_start3A_205 = tpu.memref_slice %arg7[%mul3A_156, %dma_start3A_204] : memref<327680x128xf32, #tpu.memory_space<hbm>> -> memref<128x128xf32, #tpu.memory_space<hbm>>
        %dma_start3A_206 = arith.constant 0 : i32
        %dma_start3A_207 = tpu.memref_slice %arg7[%mul3A_156, %dma_start3A_206] : memref<327680x128xf32, #tpu.memory_space<hbm>> -> memref<128x128xf32, #tpu.memory_space<hbm>>
        %dma_start3A_208 = arith.constant 0 : i32
        %dma_start3A_209 = arith.constant 0 : i32
        %dma_start3A_210 = tpu.memref_slice %arg9[%dma_start3A_208, %dma_start3A_209] : memref<256x128xf32, #tpu.memory_space<vmem>> -> memref<128x128xf32, #tpu.memory_space<vmem>>
        tpu.enqueue_dma source(%dma_start3A_210 : memref<128x128xf32, #tpu.memory_space<vmem>>) target(%dma_start3A_207 : memref<128x128xf32, #tpu.memory_space<hbm>>) target_semaphore(%run_scoped3A_200 : memref<!tpu.dma_semaphore, #tpu.memory_space<semaphore_mem>>)
        %dma_wait3A_211 = arith.constant 0 : i32
        %dma_wait3A_212 = arith.constant 0 : i32
        %dma_wait3A_213 = tpu.memref_slice %arg9[%dma_wait3A_211, %dma_wait3A_212] : memref<256x128xf32, #tpu.memory_space<vmem>> -> memref<128x128xf32, #tpu.memory_space<vmem>>
        %dma_wait3A_214 = arith.constant 0 : i32
        %dma_wait3A_215 = tpu.memref_slice %arg7[%mul3A_156, %dma_wait3A_214] : memref<327680x128xf32, #tpu.memory_space<hbm>> -> memref<128x128xf32, #tpu.memory_space<hbm>>
        %dma_wait3A_216 = arith.constant 0 : i32
        %dma_wait3A_217 = tpu.memref_slice %arg7[%mul3A_156, %dma_wait3A_216] : memref<327680x128xf32, #tpu.memory_space<hbm>> -> memref<128x128xf32, #tpu.memory_space<hbm>>
        %dma_wait3A_218 = arith.constant 0 : i32
        %dma_wait3A_219 = arith.constant 0 : i32
        %dma_wait3A_220 = tpu.memref_slice %arg9[%dma_wait3A_218, %dma_wait3A_219] : memref<256x128xf32, #tpu.memory_space<vmem>> -> memref<128x128xf32, #tpu.memory_space<vmem>>
        tpu.wait_dma2 semaphore(%run_scoped3A_200 : memref<!tpu.dma_semaphore, #tpu.memory_space<semaphore_mem>>) src(%dma_wait3A_220 : memref<128x128xf32, #tpu.memory_space<vmem>>) dst(%dma_wait3A_217 : memref<128x128xf32, #tpu.memory_space<hbm>>)
        tpu.yield
      }) : () -> ()
      %add3A_157 = arith.constant 0 : i32
      %add3A_158 = arith.addi %mul3A_139, %add3A_157 : i32
      %add3A_159 = arith.constant 2 : i32
      %add3A_160 = arith.addi %add3A_158, %add3A_159 : i32
      %dma_start3A_161 = arith.constant 0 : i32
      %dma_start3A_162 = arith.constant 0 : i32
      %dma_start3A_163 = tpu.memref_slice %arg9[%dma_start3A_161, %dma_start3A_162] : memref<256x128xf32, #tpu.memory_space<vmem>> -> memref<128x128xf32, #tpu.memory_space<vmem>>
      %dma_start3A_164 = arith.constant 0 : i32
      %dma_start3A_165 = tpu.memref_slice %arg8[%add3A_160, %dma_start3A_164] : memref<80x128xi32, #tpu.memory_space<vmem>> -> memref<1x128xi32, #tpu.memory_space<vmem>>
      %dma_start3A_166 = tpu.memref_squeeze %dma_start3A_165 : memref<1x128xi32, #tpu.memory_space<vmem>> -> memref<128xi32, #tpu.memory_space<vmem>>
      %dma_start3A_167 = arith.constant 0 : i32
      %dma_start3A_168 = arith.constant 0 : i32
      %dma_start3A_169 = tpu.memref_slice %arg10[%dma_start3A_167, %dma_start3A_168] : memref<10112x128xf32, #tpu.memory_space<vmem_shared>> -> memref<10112x128xf32, #tpu.memory_space<vmem_shared>>
      tpu.enqueue_indirect_dma source(%dma_start3A_169 : memref<10112x128xf32, #tpu.memory_space<vmem_shared>>) target(%dma_start3A_163 : memref<128x128xf32, #tpu.memory_space<vmem>>) offsets(%dma_start3A_166 : memref<128xi32, #tpu.memory_space<vmem>>) semaphore(%arg11 : memref<!tpu.dma_semaphore, #tpu.memory_space<semaphore_mem>>)
      %dma_wait3A_170 = arith.constant 128 : i32
      %dma_wait3A_171 = arith.constant 0 : i32
      %dma_wait3A_172 = tpu.memref_slice %arg9[%dma_wait3A_170, %dma_wait3A_171] : memref<256x128xf32, #tpu.memory_space<vmem>> -> memref<128x128xf32, #tpu.memory_space<vmem>>
      %dma_wait3A_173 = arith.constant 0 : i32
      %dma_wait3A_174 = arith.constant 0 : i32
      %dma_wait3A_175 = tpu.memref_slice %arg10[%dma_wait3A_173, %dma_wait3A_174] : memref<10112x128xf32, #tpu.memory_space<vmem_shared>> -> memref<128x128xf32, #tpu.memory_space<vmem_shared>>
      %dma_wait3A_176 = arith.constant 128 : i32
      %dma_wait3A_177 = arith.constant 0 : i32
      %dma_wait3A_178 = tpu.memref_slice %arg9[%dma_wait3A_176, %dma_wait3A_177] : memref<256x128xf32, #tpu.memory_space<vmem>> -> memref<128x128xf32, #tpu.memory_space<vmem>>
      %dma_wait3A_179 = arith.constant 0 : i32
      %dma_wait3A_180 = arith.constant 0 : i32
      %dma_wait3A_181 = tpu.memref_slice %arg10[%dma_wait3A_179, %dma_wait3A_180] : memref<10112x128xf32, #tpu.memory_space<vmem_shared>> -> memref<128x128xf32, #tpu.memory_space<vmem_shared>>
      tpu.wait_dma2 semaphore(%arg12 : memref<!tpu.dma_semaphore, #tpu.memory_space<semaphore_mem>>) src(%dma_wait3A_181 : memref<128x128xf32, #tpu.memory_space<vmem_shared>>) dst(%dma_wait3A_178 : memref<128x128xf32, #tpu.memory_space<vmem>>)
      %add3A_182 = arith.constant 1 : i32
      %add3A_183 = arith.addi %mul3A_139, %add3A_182 : i32
      %add3A_184 = arith.addi %add3A_9, %add3A_183 : i32
      %mul3A_185 = arith.constant 128 : i32
      %mul3A_186 = arith.muli %add3A_184, %mul3A_185 : i32
      "tpu.region"() ({
        %run_scoped3A_200 = tpu.sem_alloc : memref<!tpu.dma_semaphore, #tpu.memory_space<semaphore_mem>>
        %dma_start3A_201 = arith.constant 128 : i32
        %dma_start3A_202 = arith.constant 0 : i32
        %dma_start3A_203 = tpu.memref_slice %arg9[%dma_start3A_201, %dma_start3A_202] : memref<256x128xf32, #tpu.memory_space<vmem>> -> memref<128x128xf32, #tpu.memory_space<vmem>>
        %dma_start3A_204 = arith.constant 0 : i32
        %dma_start3A_205 = tpu.memref_slice %arg7[%mul3A_186, %dma_start3A_204] : memref<327680x128xf32, #tpu.memory_space<hbm>> -> memref<128x128xf32, #tpu.memory_space<hbm>>
        %dma_start3A_206 = arith.constant 0 : i32
        %dma_start3A_207 = tpu.memref_slice %arg7[%mul3A_186, %dma_start3A_206] : memref<327680x128xf32, #tpu.memory_space<hbm>> -> memref<128x128xf32, #tpu.memory_space<hbm>>
        %dma_start3A_208 = arith.constant 128 : i32
        %dma_start3A_209 = arith.constant 0 : i32
        %dma_start3A_210 = tpu.memref_slice %arg9[%dma_start3A_208, %dma_start3A_209] : memref<256x128xf32, #tpu.memory_space<vmem>> -> memref<128x128xf32, #tpu.memory_space<vmem>>
        tpu.enqueue_dma source(%dma_start3A_210 : memref<128x128xf32, #tpu.memory_space<vmem>>) target(%dma_start3A_207 : memref<128x128xf32, #tpu.memory_space<hbm>>) target_semaphore(%run_scoped3A_200 : memref<!tpu.dma_semaphore, #tpu.memory_space<semaphore_mem>>)
        %dma_wait3A_211 = arith.constant 128 : i32
        %dma_wait3A_212 = arith.constant 0 : i32
        %dma_wait3A_213 = tpu.memref_slice %arg9[%dma_wait3A_211, %dma_wait3A_212] : memref<256x128xf32, #tpu.memory_space<vmem>> -> memref<128x128xf32, #tpu.memory_space<vmem>>
        %dma_wait3A_214 = arith.constant 0 : i32
        %dma_wait3A_215 = tpu.memref_slice %arg7[%mul3A_186, %dma_wait3A_214] : memref<327680x128xf32, #tpu.memory_space<hbm>> -> memref<128x128xf32, #tpu.memory_space<hbm>>
        %dma_wait3A_216 = arith.constant 0 : i32
        %dma_wait3A_217 = tpu.memref_slice %arg7[%mul3A_186, %dma_wait3A_216] : memref<327680x128xf32, #tpu.memory_space<hbm>> -> memref<128x128xf32, #tpu.memory_space<hbm>>
        %dma_wait3A_218 = arith.constant 128 : i32
        %dma_wait3A_219 = arith.constant 0 : i32
        %dma_wait3A_220 = tpu.memref_slice %arg9[%dma_wait3A_218, %dma_wait3A_219] : memref<256x128xf32, #tpu.memory_space<vmem>> -> memref<128x128xf32, #tpu.memory_space<vmem>>
        tpu.wait_dma2 semaphore(%run_scoped3A_200 : memref<!tpu.dma_semaphore, #tpu.memory_space<semaphore_mem>>) src(%dma_wait3A_220 : memref<128x128xf32, #tpu.memory_space<vmem>>) dst(%dma_wait3A_217 : memref<128x128xf32, #tpu.memory_space<hbm>>)
        tpu.yield
      }) : () -> ()
      %add3A_187 = arith.constant 1 : i32
      %add3A_188 = arith.addi %mul3A_139, %add3A_187 : i32
      %add3A_189 = arith.constant 2 : i32
      %add3A_190 = arith.addi %add3A_188, %add3A_189 : i32
      %dma_start3A_191 = arith.constant 128 : i32
      %dma_start3A_192 = arith.constant 0 : i32
      %dma_start3A_193 = tpu.memref_slice %arg9[%dma_start3A_191, %dma_start3A_192] : memref<256x128xf32, #tpu.memory_space<vmem>> -> memref<128x128xf32, #tpu.memory_space<vmem>>
      %dma_start3A_194 = arith.constant 0 : i32
      %dma_start3A_195 = tpu.memref_slice %arg8[%add3A_190, %dma_start3A_194] : memref<80x128xi32, #tpu.memory_space<vmem>> -> memref<1x128xi32, #tpu.memory_space<vmem>>
      %dma_start3A_196 = tpu.memref_squeeze %dma_start3A_195 : memref<1x128xi32, #tpu.memory_space<vmem>> -> memref<128xi32, #tpu.memory_space<vmem>>
      %dma_start3A_197 = arith.constant 0 : i32
      %dma_start3A_198 = arith.constant 0 : i32
      %dma_start3A_199 = tpu.memref_slice %arg10[%dma_start3A_197, %dma_start3A_198] : memref<10112x128xf32, #tpu.memory_space<vmem_shared>> -> memref<10112x128xf32, #tpu.memory_space<vmem_shared>>
      tpu.enqueue_indirect_dma source(%dma_start3A_199 : memref<10112x128xf32, #tpu.memory_space<vmem_shared>>) target(%dma_start3A_193 : memref<128x128xf32, #tpu.memory_space<vmem>>) offsets(%dma_start3A_196 : memref<128xi32, #tpu.memory_space<vmem>>) semaphore(%arg12 : memref<!tpu.dma_semaphore, #tpu.memory_space<semaphore_mem>>)
    }
    %scan3A_37 = arith.constant 39 : i32
    %dma_wait3A_38 = arith.constant 0 : i32
    %dma_wait3A_39 = arith.constant 0 : i32
    %dma_wait3A_40 = tpu.memref_slice %arg9[%dma_wait3A_38, %dma_wait3A_39] : memref<256x128xf32, #tpu.memory_space<vmem>> -> memref<128x128xf32, #tpu.memory_space<vmem>>
    %dma_wait3A_41 = arith.constant 0 : i32
    %dma_wait3A_42 = arith.constant 0 : i32
    %dma_wait3A_43 = tpu.memref_slice %arg10[%dma_wait3A_41, %dma_wait3A_42] : memref<10112x128xf32, #tpu.memory_space<vmem_shared>> -> memref<128x128xf32, #tpu.memory_space<vmem_shared>>
    %dma_wait3A_44 = arith.constant 0 : i32
    %dma_wait3A_45 = arith.constant 0 : i32
    %dma_wait3A_46 = tpu.memref_slice %arg9[%dma_wait3A_44, %dma_wait3A_45] : memref<256x128xf32, #tpu.memory_space<vmem>> -> memref<128x128xf32, #tpu.memory_space<vmem>>
    %dma_wait3A_47 = arith.constant 0 : i32
    %dma_wait3A_48 = arith.constant 0 : i32
    %dma_wait3A_49 = tpu.memref_slice %arg10[%dma_wait3A_47, %dma_wait3A_48] : memref<10112x128xf32, #tpu.memory_space<vmem_shared>> -> memref<128x128xf32, #tpu.memory_space<vmem_shared>>
    tpu.wait_dma2 semaphore(%arg11 : memref<!tpu.dma_semaphore, #tpu.memory_space<semaphore_mem>>) src(%dma_wait3A_49 : memref<128x128xf32, #tpu.memory_space<vmem_shared>>) dst(%dma_wait3A_46 : memref<128x128xf32, #tpu.memory_space<vmem>>)
    %add3A_50 = arith.constant 78 : i32
    %add3A_51 = arith.addi %add3A_9, %add3A_50 : i32
    %mul3A_52 = arith.constant 128 : i32
    %mul3A_53 = arith.muli %add3A_51, %mul3A_52 : i32
    "tpu.region"() ({
      %run_scoped3A_137 = tpu.sem_alloc : memref<!tpu.dma_semaphore, #tpu.memory_space<semaphore_mem>>
      %dma_start3A_138 = arith.constant 0 : i32
      %dma_start3A_139 = arith.constant 0 : i32
      %dma_start3A_140 = tpu.memref_slice %arg9[%dma_start3A_138, %dma_start3A_139] : memref<256x128xf32, #tpu.memory_space<vmem>> -> memref<128x128xf32, #tpu.memory_space<vmem>>
      %dma_start3A_141 = arith.constant 0 : i32
      %dma_start3A_142 = tpu.memref_slice %arg7[%mul3A_53, %dma_start3A_141] : memref<327680x128xf32, #tpu.memory_space<hbm>> -> memref<128x128xf32, #tpu.memory_space<hbm>>
      %dma_start3A_143 = arith.constant 0 : i32
      %dma_start3A_144 = tpu.memref_slice %arg7[%mul3A_53, %dma_start3A_143] : memref<327680x128xf32, #tpu.memory_space<hbm>> -> memref<128x128xf32, #tpu.memory_space<hbm>>
      %dma_start3A_145 = arith.constant 0 : i32
      %dma_start3A_146 = arith.constant 0 : i32
      %dma_start3A_147 = tpu.memref_slice %arg9[%dma_start3A_145, %dma_start3A_146] : memref<256x128xf32, #tpu.memory_space<vmem>> -> memref<128x128xf32, #tpu.memory_space<vmem>>
      tpu.enqueue_dma source(%dma_start3A_147 : memref<128x128xf32, #tpu.memory_space<vmem>>) target(%dma_start3A_144 : memref<128x128xf32, #tpu.memory_space<hbm>>) target_semaphore(%run_scoped3A_137 : memref<!tpu.dma_semaphore, #tpu.memory_space<semaphore_mem>>)
      %dma_wait3A_148 = arith.constant 0 : i32
      %dma_wait3A_149 = arith.constant 0 : i32
      %dma_wait3A_150 = tpu.memref_slice %arg9[%dma_wait3A_148, %dma_wait3A_149] : memref<256x128xf32, #tpu.memory_space<vmem>> -> memref<128x128xf32, #tpu.memory_space<vmem>>
      %dma_wait3A_151 = arith.constant 0 : i32
      %dma_wait3A_152 = tpu.memref_slice %arg7[%mul3A_53, %dma_wait3A_151] : memref<327680x128xf32, #tpu.memory_space<hbm>> -> memref<128x128xf32, #tpu.memory_space<hbm>>
      %dma_wait3A_153 = arith.constant 0 : i32
      %dma_wait3A_154 = tpu.memref_slice %arg7[%mul3A_53, %dma_wait3A_153] : memref<327680x128xf32, #tpu.memory_space<hbm>> -> memref<128x128xf32, #tpu.memory_space<hbm>>
      %dma_wait3A_155 = arith.constant 0 : i32
      %dma_wait3A_156 = arith.constant 0 : i32
      %dma_wait3A_157 = tpu.memref_slice %arg9[%dma_wait3A_155, %dma_wait3A_156] : memref<256x128xf32, #tpu.memory_space<vmem>> -> memref<128x128xf32, #tpu.memory_space<vmem>>
      tpu.wait_dma2 semaphore(%run_scoped3A_137 : memref<!tpu.dma_semaphore, #tpu.memory_space<semaphore_mem>>) src(%dma_wait3A_157 : memref<128x128xf32, #tpu.memory_space<vmem>>) dst(%dma_wait3A_154 : memref<128x128xf32, #tpu.memory_space<hbm>>)
      tpu.yield
    }) : () -> ()
    %dma_wait3A_54 = arith.constant 128 : i32
    %dma_wait3A_55 = arith.constant 0 : i32
    %dma_wait3A_56 = tpu.memref_slice %arg9[%dma_wait3A_54, %dma_wait3A_55] : memref<256x128xf32, #tpu.memory_space<vmem>> -> memref<128x128xf32, #tpu.memory_space<vmem>>
    %dma_wait3A_57 = arith.constant 0 : i32
    %dma_wait3A_58 = arith.constant 0 : i32
    %dma_wait3A_59 = tpu.memref_slice %arg10[%dma_wait3A_57, %dma_wait3A_58] : memref<10112x128xf32, #tpu.memory_space<vmem_shared>> -> memref<128x128xf32, #tpu.memory_space<vmem_shared>>
    %dma_wait3A_60 = arith.constant 128 : i32
    %dma_wait3A_61 = arith.constant 0 : i32
    %dma_wait3A_62 = tpu.memref_slice %arg9[%dma_wait3A_60, %dma_wait3A_61] : memref<256x128xf32, #tpu.memory_space<vmem>> -> memref<128x128xf32, #tpu.memory_space<vmem>>
    %dma_wait3A_63 = arith.constant 0 : i32
    %dma_wait3A_64 = arith.constant 0 : i32
    %dma_wait3A_65 = tpu.memref_slice %arg10[%dma_wait3A_63, %dma_wait3A_64] : memref<10112x128xf32, #tpu.memory_space<vmem_shared>> -> memref<128x128xf32, #tpu.memory_space<vmem_shared>>
    tpu.wait_dma2 semaphore(%arg12 : memref<!tpu.dma_semaphore, #tpu.memory_space<semaphore_mem>>) src(%dma_wait3A_65 : memref<128x128xf32, #tpu.memory_space<vmem_shared>>) dst(%dma_wait3A_62 : memref<128x128xf32, #tpu.memory_space<vmem>>)
    %add3A_66 = arith.constant 79 : i32
    %add3A_67 = arith.addi %add3A_9, %add3A_66 : i32
    %mul3A_68 = arith.constant 128 : i32
    %mul3A_69 = arith.muli %add3A_67, %mul3A_68 : i32
    "tpu.region"() ({
      %run_scoped3A_137 = tpu.sem_alloc : memref<!tpu.dma_semaphore, #tpu.memory_space<semaphore_mem>>
      %dma_start3A_138 = arith.constant 128 : i32
      %dma_start3A_139 = arith.constant 0 : i32
      %dma_start3A_140 = tpu.memref_slice %arg9[%dma_start3A_138, %dma_start3A_139] : memref<256x128xf32, #tpu.memory_space<vmem>> -> memref<128x128xf32, #tpu.memory_space<vmem>>
      %dma_start3A_141 = arith.constant 0 : i32
      %dma_start3A_142 = tpu.memref_slice %arg7[%mul3A_69, %dma_start3A_141] : memref<327680x128xf32, #tpu.memory_space<hbm>> -> memref<128x128xf32, #tpu.memory_space<hbm>>
      %dma_start3A_143 = arith.constant 0 : i32
      %dma_start3A_144 = tpu.memref_slice %arg7[%mul3A_69, %dma_start3A_143] : memref<327680x128xf32, #tpu.memory_space<hbm>> -> memref<128x128xf32, #tpu.memory_space<hbm>>
      %dma_start3A_145 = arith.constant 128 : i32
      %dma_start3A_146 = arith.constant 0 : i32
      %dma_start3A_147 = tpu.memref_slice %arg9[%dma_start3A_145, %dma_start3A_146] : memref<256x128xf32, #tpu.memory_space<vmem>> -> memref<128x128xf32, #tpu.memory_space<vmem>>
      tpu.enqueue_dma source(%dma_start3A_147 : memref<128x128xf32, #tpu.memory_space<vmem>>) target(%dma_start3A_144 : memref<128x128xf32, #tpu.memory_space<hbm>>) target_semaphore(%run_scoped3A_137 : memref<!tpu.dma_semaphore, #tpu.memory_space<semaphore_mem>>)
      %dma_wait3A_148 = arith.constant 128 : i32
      %dma_wait3A_149 = arith.constant 0 : i32
      %dma_wait3A_150 = tpu.memref_slice %arg9[%dma_wait3A_148, %dma_wait3A_149] : memref<256x128xf32, #tpu.memory_space<vmem>> -> memref<128x128xf32, #tpu.memory_space<vmem>>
      %dma_wait3A_151 = arith.constant 0 : i32
      %dma_wait3A_152 = tpu.memref_slice %arg7[%mul3A_69, %dma_wait3A_151] : memref<327680x128xf32, #tpu.memory_space<hbm>> -> memref<128x128xf32, #tpu.memory_space<hbm>>
      %dma_wait3A_153 = arith.constant 0 : i32
      %dma_wait3A_154 = tpu.memref_slice %arg7[%mul3A_69, %dma_wait3A_153] : memref<327680x128xf32, #tpu.memory_space<hbm>> -> memref<128x128xf32, #tpu.memory_space<hbm>>
      %dma_wait3A_155 = arith.constant 128 : i32
      %dma_wait3A_156 = arith.constant 0 : i32
      %dma_wait3A_157 = tpu.memref_slice %arg9[%dma_wait3A_155, %dma_wait3A_156] : memref<256x128xf32, #tpu.memory_space<vmem>> -> memref<128x128xf32, #tpu.memory_space<vmem>>
      tpu.wait_dma2 semaphore(%run_scoped3A_137 : memref<!tpu.dma_semaphore, #tpu.memory_space<semaphore_mem>>) src(%dma_wait3A_157 : memref<128x128xf32, #tpu.memory_space<vmem>>) dst(%dma_wait3A_154 : memref<128x128xf32, #tpu.memory_space<hbm>>)
      tpu.yield
    }) : () -> ()
    %barrier3A_70 = arith.constant 0 : index
    tpu.barrier barrier_id(%barrier3A_70)
    %eq3A = arith.constant 0 : i32
    %eq3A_71 = arith.cmpi eq, %arg0, %eq3A : i32
    %lt3A = arith.constant 8 : i32
    %lt3A_72 = arith.cmpi slt, %arg1, %lt3A : i32
    %ne3A = arith.xori %eq3A_71, %lt3A_72 : i1
    %convert_element_type3A = arith.extui %ne3A : i1 to i32
    %cond3A = arith.constant 0 : i32
    %cond3A_73 = arith.cmpi ne, %convert_element_type3A, %cond3A : i32
    scf.if %cond3A_73 {
      "tpu.region"() ({
        %run_scoped3A_137 = tpu.sem_alloc : memref<!tpu.dma_semaphore, #tpu.memory_space<semaphore_mem>>
        %dma_start3A_138 = arith.constant 0 : i32
        %dma_start3A_139 = tpu.memref_slice %arg10[%mul3A_4, %dma_start3A_138] : memref<10112x128xf32, #tpu.memory_space<vmem_shared>> -> memref<632x128xf32, #tpu.memory_space<vmem_shared>>
        tpu.enqueue_dma source(%arg5 : memref<632x128xf32, #tpu.memory_space<hbm>>) target(%dma_start3A_139 : memref<632x128xf32, #tpu.memory_space<vmem_shared>>) target_semaphore(%run_scoped3A_137 : memref<!tpu.dma_semaphore, #tpu.memory_space<semaphore_mem>>)
        %dma_wait3A_140 = arith.constant 0 : i32
        %dma_wait3A_141 = tpu.memref_slice %arg10[%mul3A_4, %dma_wait3A_140] : memref<10112x128xf32, #tpu.memory_space<vmem_shared>> -> memref<632x128xf32, #tpu.memory_space<vmem_shared>>
        tpu.wait_dma2 semaphore(%run_scoped3A_137 : memref<!tpu.dma_semaphore, #tpu.memory_space<semaphore_mem>>) src(%arg5 : memref<632x128xf32, #tpu.memory_space<hbm>>) dst(%dma_wait3A_141 : memref<632x128xf32, #tpu.memory_space<vmem_shared>>)
        tpu.yield
      }) : () -> ()
    } else {
    }
    %barrier3A_74 = arith.constant 0 : index
    tpu.barrier barrier_id(%barrier3A_74)
    %add3A_75 = arith.constant 0 : i32
    %add3A_76 = arith.addi %mul3A_2, %add3A_75 : i32
    "tpu.region"() ({
      %run_scoped3A_137 = tpu.sem_alloc : memref<!tpu.dma_semaphore, #tpu.memory_space<semaphore_mem>>
      %dma_start3A_138 = arith.constant 0 : i32
      %dma_start3A_139 = tpu.memref_slice %arg3[%add3A_76, %dma_start3A_138] : memref<2560x128xi32, #tpu.memory_space<hbm>> -> memref<80x128xi32, #tpu.memory_space<hbm>>
      %dma_start3A_140 = arith.constant 0 : i32
      %dma_start3A_141 = tpu.memref_slice %arg3[%add3A_76, %dma_start3A_140] : memref<2560x128xi32, #tpu.memory_space<hbm>> -> memref<80x128xi32, #tpu.memory_space<hbm>>
      tpu.enqueue_dma source(%dma_start3A_141 : memref<80x128xi32, #tpu.memory_space<hbm>>) target(%arg8 : memref<80x128xi32, #tpu.memory_space<vmem>>) target_semaphore(%run_scoped3A_137 : memref<!tpu.dma_semaphore, #tpu.memory_space<semaphore_mem>>)
      %dma_wait3A_142 = arith.constant 0 : i32
      %dma_wait3A_143 = tpu.memref_slice %arg3[%add3A_76, %dma_wait3A_142] : memref<2560x128xi32, #tpu.memory_space<hbm>> -> memref<80x128xi32, #tpu.memory_space<hbm>>
      %dma_wait3A_144 = arith.constant 0 : i32
      %dma_wait3A_145 = tpu.memref_slice %arg3[%add3A_76, %dma_wait3A_144] : memref<2560x128xi32, #tpu.memory_space<hbm>> -> memref<80x128xi32, #tpu.memory_space<hbm>>
      tpu.wait_dma2 semaphore(%run_scoped3A_137 : memref<!tpu.dma_semaphore, #tpu.memory_space<semaphore_mem>>) src(%dma_wait3A_145 : memref<80x128xi32, #tpu.memory_space<hbm>>) dst(%arg8 : memref<80x128xi32, #tpu.memory_space<vmem>>)
      tpu.yield
    }) : () -> ()
    %add3A_77 = arith.constant 0 : i32
    %add3A_78 = arith.addi %add3A_76, %add3A_77 : i32
    %mul3A_79 = arith.constant 128 : i32
    %mul3A_80 = arith.muli %add3A_78, %mul3A_79 : i32
    %dma_start3A_81 = arith.constant 0 : i32
    %dma_start3A_82 = arith.constant 0 : i32
    %dma_start3A_83 = tpu.memref_slice %arg9[%dma_start3A_81, %dma_start3A_82] : memref<256x128xf32, #tpu.memory_space<vmem>> -> memref<128x128xf32, #tpu.memory_space<vmem>>
    %dma_start3A_84 = arith.constant 0 : i32
    %dma_start3A_85 = tpu.memref_slice %arg7[%mul3A_80, %dma_start3A_84] : memref<327680x128xf32, #tpu.memory_space<hbm>> -> memref<128x128xf32, #tpu.memory_space<hbm>>
    %dma_start3A_86 = arith.constant 0 : i32
    %dma_start3A_87 = arith.constant 0 : i32
    %dma_start3A_88 = tpu.memref_slice %arg9[%dma_start3A_86, %dma_start3A_87] : memref<256x128xf32, #tpu.memory_space<vmem>> -> memref<128x128xf32, #tpu.memory_space<vmem>>
    %dma_start3A_89 = arith.constant 0 : i32
    %dma_start3A_90 = tpu.memref_slice %arg7[%mul3A_80, %dma_start3A_89] : memref<327680x128xf32, #tpu.memory_space<hbm>> -> memref<128x128xf32, #tpu.memory_space<hbm>>
    tpu.enqueue_dma source(%dma_start3A_90 : memref<128x128xf32, #tpu.memory_space<hbm>>) target(%dma_start3A_88 : memref<128x128xf32, #tpu.memory_space<vmem>>) target_semaphore(%arg11 : memref<!tpu.dma_semaphore, #tpu.memory_space<semaphore_mem>>)
    %add3A_91 = arith.constant 1 : i32
    %add3A_92 = arith.addi %add3A_76, %add3A_91 : i32
    %mul3A_93 = arith.constant 128 : i32
    %mul3A_94 = arith.muli %add3A_92, %mul3A_93 : i32
    %dma_start3A_95 = arith.constant 128 : i32
    %dma_start3A_96 = arith.constant 0 : i32
    %dma_start3A_97 = tpu.memref_slice %arg9[%dma_start3A_95, %dma_start3A_96] : memref<256x128xf32, #tpu.memory_space<vmem>> -> memref<128x128xf32, #tpu.memory_space<vmem>>
    %dma_start3A_98 = arith.constant 0 : i32
    %dma_start3A_99 = tpu.memref_slice %arg7[%mul3A_94, %dma_start3A_98] : memref<327680x128xf32, #tpu.memory_space<hbm>> -> memref<128x128xf32, #tpu.memory_space<hbm>>
    %dma_start3A_100 = arith.constant 128 : i32
    %dma_start3A_101 = arith.constant 0 : i32
    %dma_start3A_102 = tpu.memref_slice %arg9[%dma_start3A_100, %dma_start3A_101] : memref<256x128xf32, #tpu.memory_space<vmem>> -> memref<128x128xf32, #tpu.memory_space<vmem>>
    %dma_start3A_103 = arith.constant 0 : i32
    %dma_start3A_104 = tpu.memref_slice %arg7[%mul3A_94, %dma_start3A_103] : memref<327680x128xf32, #tpu.memory_space<hbm>> -> memref<128x128xf32, #tpu.memory_space<hbm>>
    tpu.enqueue_dma source(%dma_start3A_104 : memref<128x128xf32, #tpu.memory_space<hbm>>) target(%dma_start3A_102 : memref<128x128xf32, #tpu.memory_space<vmem>>) target_semaphore(%arg12 : memref<!tpu.dma_semaphore, #tpu.memory_space<semaphore_mem>>)
    %scan3A_105 = arith.constant 0 : i32
    %scan3A_106 = arith.constant 0 : i32
    %scan3A_107 = arith.constant 39 : i32
    %scan3A_108 = arith.addi %scan3A_106, %scan3A_107 : i32
    %scan3A_109 = arith.constant 1 : i32
    scf.for %scan3A_137 = %scan3A_106 to %scan3A_108 step %scan3A_109  : i32 {
      %mul3A_138 = arith.constant 2 : i32
      %mul3A_139 = arith.muli %mul3A_138, %scan3A_137 : i32
      %dma_wait3A_140 = arith.constant 0 : i32
      %dma_wait3A_141 = arith.constant 0 : i32
      %dma_wait3A_142 = tpu.memref_slice %arg9[%dma_wait3A_140, %dma_wait3A_141] : memref<256x128xf32, #tpu.memory_space<vmem>> -> memref<128x128xf32, #tpu.memory_space<vmem>>
      %dma_wait3A_143 = arith.constant 0 : i32
      %dma_wait3A_144 = arith.constant 0 : i32
      %dma_wait3A_145 = tpu.memref_slice %arg7[%dma_wait3A_143, %dma_wait3A_144] : memref<327680x128xf32, #tpu.memory_space<hbm>> -> memref<128x128xf32, #tpu.memory_space<hbm>>
      %dma_wait3A_146 = arith.constant 0 : i32
      %dma_wait3A_147 = arith.constant 0 : i32
      %dma_wait3A_148 = tpu.memref_slice %arg9[%dma_wait3A_146, %dma_wait3A_147] : memref<256x128xf32, #tpu.memory_space<vmem>> -> memref<128x128xf32, #tpu.memory_space<vmem>>
      %dma_wait3A_149 = arith.constant 0 : i32
      %dma_wait3A_150 = arith.constant 0 : i32
      %dma_wait3A_151 = tpu.memref_slice %arg7[%dma_wait3A_149, %dma_wait3A_150] : memref<327680x128xf32, #tpu.memory_space<hbm>> -> memref<128x128xf32, #tpu.memory_space<hbm>>
      tpu.wait_dma2 semaphore(%arg11 : memref<!tpu.dma_semaphore, #tpu.memory_space<semaphore_mem>>) src(%dma_wait3A_151 : memref<128x128xf32, #tpu.memory_space<hbm>>) dst(%dma_wait3A_148 : memref<128x128xf32, #tpu.memory_space<vmem>>)
      %add3A_152 = arith.constant 0 : i32
      %add3A_153 = arith.addi %mul3A_139, %add3A_152 : i32
      "tpu.region"() ({
        %run_scoped3A_202 = tpu.sem_alloc : memref<!tpu.dma_semaphore, #tpu.memory_space<semaphore_mem>>
        %dma_start3A_203 = arith.constant 0 : i32
        %dma_start3A_204 = arith.constant 0 : i32
        %dma_start3A_205 = tpu.memref_slice %arg9[%dma_start3A_203, %dma_start3A_204] : memref<256x128xf32, #tpu.memory_space<vmem>> -> memref<128x128xf32, #tpu.memory_space<vmem>>
        %dma_start3A_206 = arith.constant 0 : i32
        %dma_start3A_207 = tpu.memref_slice %arg8[%add3A_153, %dma_start3A_206] : memref<80x128xi32, #tpu.memory_space<vmem>> -> memref<1x128xi32, #tpu.memory_space<vmem>>
        %dma_start3A_208 = tpu.memref_squeeze %dma_start3A_207 : memref<1x128xi32, #tpu.memory_space<vmem>> -> memref<128xi32, #tpu.memory_space<vmem>>
        %dma_start3A_209 = arith.constant 0 : i32
        %dma_start3A_210 = arith.constant 0 : i32
        %dma_start3A_211 = tpu.memref_slice %arg10[%dma_start3A_209, %dma_start3A_210] : memref<10112x128xf32, #tpu.memory_space<vmem_shared>> -> memref<10112x128xf32, #tpu.memory_space<vmem_shared>>
        tpu.enqueue_indirect_dma source(%dma_start3A_205 : memref<128x128xf32, #tpu.memory_space<vmem>>) target(%dma_start3A_211 : memref<10112x128xf32, #tpu.memory_space<vmem_shared>>) offsets(%dma_start3A_208 : memref<128xi32, #tpu.memory_space<vmem>>) semaphore(%run_scoped3A_202 : memref<!tpu.dma_semaphore, #tpu.memory_space<semaphore_mem>>) {add = true}
        %dma_wait3A_212 = arith.constant 0 : i32
        %dma_wait3A_213 = arith.constant 0 : i32
        %dma_wait3A_214 = tpu.memref_slice %arg9[%dma_wait3A_212, %dma_wait3A_213] : memref<256x128xf32, #tpu.memory_space<vmem>> -> memref<128x128xf32, #tpu.memory_space<vmem>>
        %dma_wait3A_215 = arith.constant 0 : i32
        %dma_wait3A_216 = tpu.memref_slice %arg8[%add3A_153, %dma_wait3A_215] : memref<80x128xi32, #tpu.memory_space<vmem>> -> memref<1x128xi32, #tpu.memory_space<vmem>>
        %dma_wait3A_217 = tpu.memref_squeeze %dma_wait3A_216 : memref<1x128xi32, #tpu.memory_space<vmem>> -> memref<128xi32, #tpu.memory_space<vmem>>
        %dma_wait3A_218 = arith.constant 0 : i32
        %dma_wait3A_219 = arith.constant 0 : i32
        %dma_wait3A_220 = tpu.memref_slice %arg10[%dma_wait3A_218, %dma_wait3A_219] : memref<10112x128xf32, #tpu.memory_space<vmem_shared>> -> memref<10112x128xf32, #tpu.memory_space<vmem_shared>>
        tpu.wait_indirect_dma semaphore(%run_scoped3A_202 : memref<!tpu.dma_semaphore, #tpu.memory_space<semaphore_mem>>) src(%dma_wait3A_214 : memref<128x128xf32, #tpu.memory_space<vmem>>) dst(%dma_wait3A_220 : memref<10112x128xf32, #tpu.memory_space<vmem_shared>>)
        tpu.yield
      }) : () -> ()
      %add3A_154 = arith.constant 0 : i32
      %add3A_155 = arith.addi %mul3A_139, %add3A_154 : i32
      %add3A_156 = arith.constant 2 : i32
      %add3A_157 = arith.addi %add3A_155, %add3A_156 : i32
      %add3A_158 = arith.addi %add3A_76, %add3A_157 : i32
      %mul3A_159 = arith.constant 128 : i32
      %mul3A_160 = arith.muli %add3A_158, %mul3A_159 : i32
      %dma_start3A_161 = arith.constant 0 : i32
      %dma_start3A_162 = arith.constant 0 : i32
      %dma_start3A_163 = tpu.memref_slice %arg9[%dma_start3A_161, %dma_start3A_162] : memref<256x128xf32, #tpu.memory_space<vmem>> -> memref<128x128xf32, #tpu.memory_space<vmem>>
      %dma_start3A_164 = arith.constant 0 : i32
      %dma_start3A_165 = tpu.memref_slice %arg7[%mul3A_160, %dma_start3A_164] : memref<327680x128xf32, #tpu.memory_space<hbm>> -> memref<128x128xf32, #tpu.memory_space<hbm>>
      %dma_start3A_166 = arith.constant 0 : i32
      %dma_start3A_167 = arith.constant 0 : i32
      %dma_start3A_168 = tpu.memref_slice %arg9[%dma_start3A_166, %dma_start3A_167] : memref<256x128xf32, #tpu.memory_space<vmem>> -> memref<128x128xf32, #tpu.memory_space<vmem>>
      %dma_start3A_169 = arith.constant 0 : i32
      %dma_start3A_170 = tpu.memref_slice %arg7[%mul3A_160, %dma_start3A_169] : memref<327680x128xf32, #tpu.memory_space<hbm>> -> memref<128x128xf32, #tpu.memory_space<hbm>>
      tpu.enqueue_dma source(%dma_start3A_170 : memref<128x128xf32, #tpu.memory_space<hbm>>) target(%dma_start3A_168 : memref<128x128xf32, #tpu.memory_space<vmem>>) target_semaphore(%arg11 : memref<!tpu.dma_semaphore, #tpu.memory_space<semaphore_mem>>)
      %dma_wait3A_171 = arith.constant 128 : i32
      %dma_wait3A_172 = arith.constant 0 : i32
      %dma_wait3A_173 = tpu.memref_slice %arg9[%dma_wait3A_171, %dma_wait3A_172] : memref<256x128xf32, #tpu.memory_space<vmem>> -> memref<128x128xf32, #tpu.memory_space<vmem>>
      %dma_wait3A_174 = arith.constant 0 : i32
      %dma_wait3A_175 = arith.constant 0 : i32
      %dma_wait3A_176 = tpu.memref_slice %arg7[%dma_wait3A_174, %dma_wait3A_175] : memref<327680x128xf32, #tpu.memory_space<hbm>> -> memref<128x128xf32, #tpu.memory_space<hbm>>
      %dma_wait3A_177 = arith.constant 128 : i32
      %dma_wait3A_178 = arith.constant 0 : i32
      %dma_wait3A_179 = tpu.memref_slice %arg9[%dma_wait3A_177, %dma_wait3A_178] : memref<256x128xf32, #tpu.memory_space<vmem>> -> memref<128x128xf32, #tpu.memory_space<vmem>>
      %dma_wait3A_180 = arith.constant 0 : i32
      %dma_wait3A_181 = arith.constant 0 : i32
      %dma_wait3A_182 = tpu.memref_slice %arg7[%dma_wait3A_180, %dma_wait3A_181] : memref<327680x128xf32, #tpu.memory_space<hbm>> -> memref<128x128xf32, #tpu.memory_space<hbm>>
      tpu.wait_dma2 semaphore(%arg12 : memref<!tpu.dma_semaphore, #tpu.memory_space<semaphore_mem>>) src(%dma_wait3A_182 : memref<128x128xf32, #tpu.memory_space<hbm>>) dst(%dma_wait3A_179 : memref<128x128xf32, #tpu.memory_space<vmem>>)
      %add3A_183 = arith.constant 1 : i32
      %add3A_184 = arith.addi %mul3A_139, %add3A_183 : i32
      "tpu.region"() ({
        %run_scoped3A_202 = tpu.sem_alloc : memref<!tpu.dma_semaphore, #tpu.memory_space<semaphore_mem>>
        %dma_start3A_203 = arith.constant 128 : i32
        %dma_start3A_204 = arith.constant 0 : i32
        %dma_start3A_205 = tpu.memref_slice %arg9[%dma_start3A_203, %dma_start3A_204] : memref<256x128xf32, #tpu.memory_space<vmem>> -> memref<128x128xf32, #tpu.memory_space<vmem>>
        %dma_start3A_206 = arith.constant 0 : i32
        %dma_start3A_207 = tpu.memref_slice %arg8[%add3A_184, %dma_start3A_206] : memref<80x128xi32, #tpu.memory_space<vmem>> -> memref<1x128xi32, #tpu.memory_space<vmem>>
        %dma_start3A_208 = tpu.memref_squeeze %dma_start3A_207 : memref<1x128xi32, #tpu.memory_space<vmem>> -> memref<128xi32, #tpu.memory_space<vmem>>
        %dma_start3A_209 = arith.constant 0 : i32
        %dma_start3A_210 = arith.constant 0 : i32
        %dma_start3A_211 = tpu.memref_slice %arg10[%dma_start3A_209, %dma_start3A_210] : memref<10112x128xf32, #tpu.memory_space<vmem_shared>> -> memref<10112x128xf32, #tpu.memory_space<vmem_shared>>
        tpu.enqueue_indirect_dma source(%dma_start3A_205 : memref<128x128xf32, #tpu.memory_space<vmem>>) target(%dma_start3A_211 : memref<10112x128xf32, #tpu.memory_space<vmem_shared>>) offsets(%dma_start3A_208 : memref<128xi32, #tpu.memory_space<vmem>>) semaphore(%run_scoped3A_202 : memref<!tpu.dma_semaphore, #tpu.memory_space<semaphore_mem>>) {add = true}
        %dma_wait3A_212 = arith.constant 128 : i32
        %dma_wait3A_213 = arith.constant 0 : i32
        %dma_wait3A_214 = tpu.memref_slice %arg9[%dma_wait3A_212, %dma_wait3A_213] : memref<256x128xf32, #tpu.memory_space<vmem>> -> memref<128x128xf32, #tpu.memory_space<vmem>>
        %dma_wait3A_215 = arith.constant 0 : i32
        %dma_wait3A_216 = tpu.memref_slice %arg8[%add3A_184, %dma_wait3A_215] : memref<80x128xi32, #tpu.memory_space<vmem>> -> memref<1x128xi32, #tpu.memory_space<vmem>>
        %dma_wait3A_217 = tpu.memref_squeeze %dma_wait3A_216 : memref<1x128xi32, #tpu.memory_space<vmem>> -> memref<128xi32, #tpu.memory_space<vmem>>
        %dma_wait3A_218 = arith.constant 0 : i32
        %dma_wait3A_219 = arith.constant 0 : i32
        %dma_wait3A_220 = tpu.memref_slice %arg10[%dma_wait3A_218, %dma_wait3A_219] : memref<10112x128xf32, #tpu.memory_space<vmem_shared>> -> memref<10112x128xf32, #tpu.memory_space<vmem_shared>>
        tpu.wait_indirect_dma semaphore(%run_scoped3A_202 : memref<!tpu.dma_semaphore, #tpu.memory_space<semaphore_mem>>) src(%dma_wait3A_214 : memref<128x128xf32, #tpu.memory_space<vmem>>) dst(%dma_wait3A_220 : memref<10112x128xf32, #tpu.memory_space<vmem_shared>>)
        tpu.yield
      }) : () -> ()
      %add3A_185 = arith.constant 1 : i32
      %add3A_186 = arith.addi %mul3A_139, %add3A_185 : i32
      %add3A_187 = arith.constant 2 : i32
      %add3A_188 = arith.addi %add3A_186, %add3A_187 : i32
      %add3A_189 = arith.addi %add3A_76, %add3A_188 : i32
      %mul3A_190 = arith.constant 128 : i32
      %mul3A_191 = arith.muli %add3A_189, %mul3A_190 : i32
      %dma_start3A_192 = arith.constant 128 : i32
      %dma_start3A_193 = arith.constant 0 : i32
      %dma_start3A_194 = tpu.memref_slice %arg9[%dma_start3A_192, %dma_start3A_193] : memref<256x128xf32, #tpu.memory_space<vmem>> -> memref<128x128xf32, #tpu.memory_space<vmem>>
      %dma_start3A_195 = arith.constant 0 : i32
      %dma_start3A_196 = tpu.memref_slice %arg7[%mul3A_191, %dma_start3A_195] : memref<327680x128xf32, #tpu.memory_space<hbm>> -> memref<128x128xf32, #tpu.memory_space<hbm>>
      %dma_start3A_197 = arith.constant 128 : i32
      %dma_start3A_198 = arith.constant 0 : i32
      %dma_start3A_199 = tpu.memref_slice %arg9[%dma_start3A_197, %dma_start3A_198] : memref<256x128xf32, #tpu.memory_space<vmem>> -> memref<128x128xf32, #tpu.memory_space<vmem>>
      %dma_start3A_200 = arith.constant 0 : i32
      %dma_start3A_201 = tpu.memref_slice %arg7[%mul3A_191, %dma_start3A_200] : memref<327680x128xf32, #tpu.memory_space<hbm>> -> memref<128x128xf32, #tpu.memory_space<hbm>>
      tpu.enqueue_dma source(%dma_start3A_201 : memref<128x128xf32, #tpu.memory_space<hbm>>) target(%dma_start3A_199 : memref<128x128xf32, #tpu.memory_space<vmem>>) target_semaphore(%arg12 : memref<!tpu.dma_semaphore, #tpu.memory_space<semaphore_mem>>)
    }
    %scan3A_110 = arith.constant 39 : i32
    %dma_wait3A_111 = arith.constant 0 : i32
    %dma_wait3A_112 = arith.constant 0 : i32
    %dma_wait3A_113 = tpu.memref_slice %arg9[%dma_wait3A_111, %dma_wait3A_112] : memref<256x128xf32, #tpu.memory_space<vmem>> -> memref<128x128xf32, #tpu.memory_space<vmem>>
    %dma_wait3A_114 = arith.constant 0 : i32
    %dma_wait3A_115 = arith.constant 0 : i32
    %dma_wait3A_116 = tpu.memref_slice %arg7[%dma_wait3A_114, %dma_wait3A_115] : memref<327680x128xf32, #tpu.memory_space<hbm>> -> memref<128x128xf32, #tpu.memory_space<hbm>>
    %dma_wait3A_117 = arith.constant 0 : i32
    %dma_wait3A_118 = arith.constant 0 : i32
    %dma_wait3A_119 = tpu.memref_slice %arg9[%dma_wait3A_117, %dma_wait3A_118] : memref<256x128xf32, #tpu.memory_space<vmem>> -> memref<128x128xf32, #tpu.memory_space<vmem>>
    %dma_wait3A_120 = arith.constant 0 : i32
    %dma_wait3A_121 = arith.constant 0 : i32
    %dma_wait3A_122 = tpu.memref_slice %arg7[%dma_wait3A_120, %dma_wait3A_121] : memref<327680x128xf32, #tpu.memory_space<hbm>> -> memref<128x128xf32, #tpu.memory_space<hbm>>
    tpu.wait_dma2 semaphore(%arg11 : memref<!tpu.dma_semaphore, #tpu.memory_space<semaphore_mem>>) src(%dma_wait3A_122 : memref<128x128xf32, #tpu.memory_space<hbm>>) dst(%dma_wait3A_119 : memref<128x128xf32, #tpu.memory_space<vmem>>)
    %run_scoped3A = arith.constant 78 : i32
    "tpu.region"() ({
      %run_scoped3A_137 = tpu.sem_alloc : memref<!tpu.dma_semaphore, #tpu.memory_space<semaphore_mem>>
      %dma_start3A_138 = arith.constant 0 : i32
      %dma_start3A_139 = arith.constant 0 : i32
      %dma_start3A_140 = tpu.memref_slice %arg9[%dma_start3A_138, %dma_start3A_139] : memref<256x128xf32, #tpu.memory_space<vmem>> -> memref<128x128xf32, #tpu.memory_space<vmem>>
      %dma_start3A_141 = arith.constant 0 : i32
      %dma_start3A_142 = tpu.memref_slice %arg8[%run_scoped3A, %dma_start3A_141] : memref<80x128xi32, #tpu.memory_space<vmem>> -> memref<1x128xi32, #tpu.memory_space<vmem>>
      %dma_start3A_143 = tpu.memref_squeeze %dma_start3A_142 : memref<1x128xi32, #tpu.memory_space<vmem>> -> memref<128xi32, #tpu.memory_space<vmem>>
      %dma_start3A_144 = arith.constant 0 : i32
      %dma_start3A_145 = arith.constant 0 : i32
      %dma_start3A_146 = tpu.memref_slice %arg10[%dma_start3A_144, %dma_start3A_145] : memref<10112x128xf32, #tpu.memory_space<vmem_shared>> -> memref<10112x128xf32, #tpu.memory_space<vmem_shared>>
      tpu.enqueue_indirect_dma source(%dma_start3A_140 : memref<128x128xf32, #tpu.memory_space<vmem>>) target(%dma_start3A_146 : memref<10112x128xf32, #tpu.memory_space<vmem_shared>>) offsets(%dma_start3A_143 : memref<128xi32, #tpu.memory_space<vmem>>) semaphore(%run_scoped3A_137 : memref<!tpu.dma_semaphore, #tpu.memory_space<semaphore_mem>>) {add = true}
      %dma_wait3A_147 = arith.constant 0 : i32
      %dma_wait3A_148 = arith.constant 0 : i32
      %dma_wait3A_149 = tpu.memref_slice %arg9[%dma_wait3A_147, %dma_wait3A_148] : memref<256x128xf32, #tpu.memory_space<vmem>> -> memref<128x128xf32, #tpu.memory_space<vmem>>
      %dma_wait3A_150 = arith.constant 0 : i32
      %dma_wait3A_151 = tpu.memref_slice %arg8[%run_scoped3A, %dma_wait3A_150] : memref<80x128xi32, #tpu.memory_space<vmem>> -> memref<1x128xi32, #tpu.memory_space<vmem>>
      %dma_wait3A_152 = tpu.memref_squeeze %dma_wait3A_151 : memref<1x128xi32, #tpu.memory_space<vmem>> -> memref<128xi32, #tpu.memory_space<vmem>>
      %dma_wait3A_153 = arith.constant 0 : i32
      %dma_wait3A_154 = arith.constant 0 : i32
      %dma_wait3A_155 = tpu.memref_slice %arg10[%dma_wait3A_153, %dma_wait3A_154] : memref<10112x128xf32, #tpu.memory_space<vmem_shared>> -> memref<10112x128xf32, #tpu.memory_space<vmem_shared>>
      tpu.wait_indirect_dma semaphore(%run_scoped3A_137 : memref<!tpu.dma_semaphore, #tpu.memory_space<semaphore_mem>>) src(%dma_wait3A_149 : memref<128x128xf32, #tpu.memory_space<vmem>>) dst(%dma_wait3A_155 : memref<10112x128xf32, #tpu.memory_space<vmem_shared>>)
      tpu.yield
    }) : () -> ()
    %dma_wait3A_123 = arith.constant 128 : i32
    %dma_wait3A_124 = arith.constant 0 : i32
    %dma_wait3A_125 = tpu.memref_slice %arg9[%dma_wait3A_123, %dma_wait3A_124] : memref<256x128xf32, #tpu.memory_space<vmem>> -> memref<128x128xf32, #tpu.memory_space<vmem>>
    %dma_wait3A_126 = arith.constant 0 : i32
    %dma_wait3A_127 = arith.constant 0 : i32
    %dma_wait3A_128 = tpu.memref_slice %arg7[%dma_wait3A_126, %dma_wait3A_127] : memref<327680x128xf32, #tpu.memory_space<hbm>> -> memref<128x128xf32, #tpu.memory_space<hbm>>
    %dma_wait3A_129 = arith.constant 128 : i32
    %dma_wait3A_130 = arith.constant 0 : i32
    %dma_wait3A_131 = tpu.memref_slice %arg9[%dma_wait3A_129, %dma_wait3A_130] : memref<256x128xf32, #tpu.memory_space<vmem>> -> memref<128x128xf32, #tpu.memory_space<vmem>>
    %dma_wait3A_132 = arith.constant 0 : i32
    %dma_wait3A_133 = arith.constant 0 : i32
    %dma_wait3A_134 = tpu.memref_slice %arg7[%dma_wait3A_132, %dma_wait3A_133] : memref<327680x128xf32, #tpu.memory_space<hbm>> -> memref<128x128xf32, #tpu.memory_space<hbm>>
    tpu.wait_dma2 semaphore(%arg12 : memref<!tpu.dma_semaphore, #tpu.memory_space<semaphore_mem>>) src(%dma_wait3A_134 : memref<128x128xf32, #tpu.memory_space<hbm>>) dst(%dma_wait3A_131 : memref<128x128xf32, #tpu.memory_space<vmem>>)
    %run_scoped3A_135 = arith.constant 79 : i32
    "tpu.region"() ({
      %run_scoped3A_137 = tpu.sem_alloc : memref<!tpu.dma_semaphore, #tpu.memory_space<semaphore_mem>>
      %dma_start3A_138 = arith.constant 128 : i32
      %dma_start3A_139 = arith.constant 0 : i32
      %dma_start3A_140 = tpu.memref_slice %arg9[%dma_start3A_138, %dma_start3A_139] : memref<256x128xf32, #tpu.memory_space<vmem>> -> memref<128x128xf32, #tpu.memory_space<vmem>>
      %dma_start3A_141 = arith.constant 0 : i32
      %dma_start3A_142 = tpu.memref_slice %arg8[%run_scoped3A_135, %dma_start3A_141] : memref<80x128xi32, #tpu.memory_space<vmem>> -> memref<1x128xi32, #tpu.memory_space<vmem>>
      %dma_start3A_143 = tpu.memref_squeeze %dma_start3A_142 : memref<1x128xi32, #tpu.memory_space<vmem>> -> memref<128xi32, #tpu.memory_space<vmem>>
      %dma_start3A_144 = arith.constant 0 : i32
      %dma_start3A_145 = arith.constant 0 : i32
      %dma_start3A_146 = tpu.memref_slice %arg10[%dma_start3A_144, %dma_start3A_145] : memref<10112x128xf32, #tpu.memory_space<vmem_shared>> -> memref<10112x128xf32, #tpu.memory_space<vmem_shared>>
      tpu.enqueue_indirect_dma source(%dma_start3A_140 : memref<128x128xf32, #tpu.memory_space<vmem>>) target(%dma_start3A_146 : memref<10112x128xf32, #tpu.memory_space<vmem_shared>>) offsets(%dma_start3A_143 : memref<128xi32, #tpu.memory_space<vmem>>) semaphore(%run_scoped3A_137 : memref<!tpu.dma_semaphore, #tpu.memory_space<semaphore_mem>>) {add = true}
      %dma_wait3A_147 = arith.constant 128 : i32
      %dma_wait3A_148 = arith.constant 0 : i32
      %dma_wait3A_149 = tpu.memref_slice %arg9[%dma_wait3A_147, %dma_wait3A_148] : memref<256x128xf32, #tpu.memory_space<vmem>> -> memref<128x128xf32, #tpu.memory_space<vmem>>
      %dma_wait3A_150 = arith.constant 0 : i32
      %dma_wait3A_151 = tpu.memref_slice %arg8[%run_scoped3A_135, %dma_wait3A_150] : memref<80x128xi32, #tpu.memory_space<vmem>> -> memref<1x128xi32, #tpu.memory_space<vmem>>
      %dma_wait3A_152 = tpu.memref_squeeze %dma_wait3A_151 : memref<1x128xi32, #tpu.memory_space<vmem>> -> memref<128xi32, #tpu.memory_space<vmem>>
      %dma_wait3A_153 = arith.constant 0 : i32
      %dma_wait3A_154 = arith.constant 0 : i32
      %dma_wait3A_155 = tpu.memref_slice %arg10[%dma_wait3A_153, %dma_wait3A_154] : memref<10112x128xf32, #tpu.memory_space<vmem_shared>> -> memref<10112x128xf32, #tpu.memory_space<vmem_shared>>
      tpu.wait_indirect_dma semaphore(%run_scoped3A_137 : memref<!tpu.dma_semaphore, #tpu.memory_space<semaphore_mem>>) src(%dma_wait3A_149 : memref<128x128xf32, #tpu.memory_space<vmem>>) dst(%dma_wait3A_155 : memref<10112x128xf32, #tpu.memory_space<vmem_shared>>)
      tpu.yield
    }) : () -> ()
    %barrier3A_136 = arith.constant 0 : index
    tpu.barrier barrier_id(%barrier3A_136)
    "tpu.region"() ({
      %run_scoped3A_137 = tpu.sem_alloc : memref<!tpu.dma_semaphore, #tpu.memory_space<semaphore_mem>>
      %dma_start3A_138 = arith.constant 0 : i32
      %dma_start3A_139 = tpu.memref_slice %arg6[%arg0, %mul3A_4, %dma_start3A_138] : memref<2x10112x128xf32, #tpu.memory_space<hbm>> -> memref<1x632x128xf32, #tpu.memory_space<hbm>>
      %dma_start3A_140 = tpu.memref_squeeze %dma_start3A_139 : memref<1x632x128xf32, #tpu.memory_space<hbm>> -> memref<632x128xf32, #tpu.memory_space<hbm>>
      %dma_start3A_141 = arith.constant 0 : i32
      %dma_start3A_142 = tpu.memref_slice %arg10[%mul3A_4, %dma_start3A_141] : memref<10112x128xf32, #tpu.memory_space<vmem_shared>> -> memref<632x128xf32, #tpu.memory_space<vmem_shared>>
      tpu.enqueue_dma source(%dma_start3A_142 : memref<632x128xf32, #tpu.memory_space<vmem_shared>>) target(%dma_start3A_140 : memref<632x128xf32, #tpu.memory_space<hbm>>) target_semaphore(%run_scoped3A_137 : memref<!tpu.dma_semaphore, #tpu.memory_space<semaphore_mem>>)
      %dma_wait3A_143 = arith.constant 0 : i32
      %dma_wait3A_144 = tpu.memref_slice %arg6[%arg0, %mul3A_4, %dma_wait3A_143] : memref<2x10112x128xf32, #tpu.memory_space<hbm>> -> memref<1x632x128xf32, #tpu.memory_space<hbm>>
      %dma_wait3A_145 = tpu.memref_squeeze %dma_wait3A_144 : memref<1x632x128xf32, #tpu.memory_space<hbm>> -> memref<632x128xf32, #tpu.memory_space<hbm>>
      %dma_wait3A_146 = arith.constant 0 : i32
      %dma_wait3A_147 = tpu.memref_slice %arg10[%mul3A_4, %dma_wait3A_146] : memref<10112x128xf32, #tpu.memory_space<vmem_shared>> -> memref<632x128xf32, #tpu.memory_space<vmem_shared>>
      tpu.wait_dma2 semaphore(%run_scoped3A_137 : memref<!tpu.dma_semaphore, #tpu.memory_space<semaphore_mem>>) src(%dma_wait3A_147 : memref<632x128xf32, #tpu.memory_space<vmem_shared>>) dst(%dma_wait3A_145 : memref<632x128xf32, #tpu.memory_space<hbm>>)
      tpu.yield
    }) : () -> ()
    return
  }
}

#map = affine_map<(d0, d1) -> (0, 0)>
#map1 = affine_map<(d0, d1) -> (0, 0, 0)>
module attributes {stable_mosaic.version = 14 : i64} {
  func.func @_sc_segment_sum(%arg0: i32, %arg1: i32, %arg2: memref<2560x128xi32, #tpu.memory_space<hbm>>, %arg3: memref<2560x128xi32, #tpu.memory_space<hbm>>, %arg4: memref<10112x128xf32, #tpu.memory_space<hbm>>, %arg5: memref<632x128xf32, #tpu.memory_space<hbm>>, %arg6: memref<2x10112x128xf32, #tpu.memory_space<hbm>>, %arg7: memref<327680x128xf32, #tpu.memory_space<hbm>>, %arg8: memref<80x128xi32, #tpu.memory_space<vmem>>, %arg9: memref<256x128xf32, #tpu.memory_space<vmem>>, %arg10: memref<10112x128xf32, #tpu.memory_space<vmem_shared>>, %arg11: memref<!tpu.dma_semaphore, #tpu.memory_space<semaphore_mem>>, %arg12: memref<!tpu.dma_semaphore, #tpu.memory_space<semaphore_mem>>) attributes {dimension_semantics = [#tpu.dimension_semantics<core_parallel>, #tpu.dimension_semantics<subcore_parallel>], iteration_bounds = array<i64: 2, 16>, scalar_prefetch = 0 : i64, scratch_operands = 5 : i64, tpu.core_type = #tpu.core_type<sc_vector_subcore>, window_params = [{transform_indices = #map}, {transform_indices = #map}, {transform_indices = #map}, {transform_indices = #map}, {transform_indices = #map1}, {transform_indices = #map}]} {
    %mul3A = arith.constant 2 : i32
    %mul3A_0 = arith.muli %arg1, %mul3A : i32
    %add3A = arith.addi %mul3A_0, %arg0 : i32
    %mul3A_1 = arith.constant 80 : i32
    %mul3A_2 = arith.muli %add3A, %mul3A_1 : i32
    %mul3A_3 = arith.constant 632 : i32
    %mul3A_4 = arith.muli %arg1, %mul3A_3 : i32
    %dma_start3A = arith.constant 0 : i32
    %dma_start3A_5 = tpu.memref_slice %arg10[%mul3A_4, %dma_start3A] : memref<10112x128xf32, #tpu.memory_space<vmem_shared>> -> memref<632x128xf32, #tpu.memory_space<vmem_shared>>
    %dma_start3A_6 = arith.constant 0 : i32
    %dma_start3A_7 = tpu.memref_slice %arg4[%mul3A_4, %dma_start3A_6] : memref<10112x128xf32, #tpu.memory_space<hbm>> -> memref<632x128xf32, #tpu.memory_space<hbm>>
    tpu.enqueue_dma source(%dma_start3A_7 : memref<632x128xf32, #tpu.memory_space<hbm>>) target(%dma_start3A_5 : memref<632x128xf32, #tpu.memory_space<vmem_shared>>) target_semaphore(%arg11 : memref<!tpu.dma_semaphore, #tpu.memory_space<semaphore_mem>>)
    %add3A_8 = arith.constant 0 : i32
    %add3A_9 = arith.addi %mul3A_2, %add3A_8 : i32
    "tpu.region"() ({
      %run_scoped3A_137 = tpu.sem_alloc : memref<!tpu.dma_semaphore, #tpu.memory_space<semaphore_mem>>
      %dma_start3A_138 = arith.constant 0 : i32
      %dma_start3A_139 = tpu.memref_slice %arg2[%add3A_9, %dma_start3A_138] : memref<2560x128xi32, #tpu.memory_space<hbm>> -> memref<80x128xi32, #tpu.memory_space<hbm>>
      %dma_start3A_140 = arith.constant 0 : i32
      %dma_start3A_141 = tpu.memref_slice %arg2[%add3A_9, %dma_start3A_140] : memref<2560x128xi32, #tpu.memory_space<hbm>> -> memref<80x128xi32, #tpu.memory_space<hbm>>
      tpu.enqueue_dma source(%dma_start3A_141 : memref<80x128xi32, #tpu.memory_space<hbm>>) target(%arg8 : memref<80x128xi32, #tpu.memory_space<vmem>>) target_semaphore(%run_scoped3A_137 : memref<!tpu.dma_semaphore, #tpu.memory_space<semaphore_mem>>)
      %dma_wait3A_142 = arith.constant 0 : i32
      %dma_wait3A_143 = tpu.memref_slice %arg2[%add3A_9, %dma_wait3A_142] : memref<2560x128xi32, #tpu.memory_space<hbm>> -> memref<80x128xi32, #tpu.memory_space<hbm>>
      %dma_wait3A_144 = arith.constant 0 : i32
      %dma_wait3A_145 = tpu.memref_slice %arg2[%add3A_9, %dma_wait3A_144] : memref<2560x128xi32, #tpu.memory_space<hbm>> -> memref<80x128xi32, #tpu.memory_space<hbm>>
      tpu.wait_dma2 semaphore(%run_scoped3A_137 : memref<!tpu.dma_semaphore, #tpu.memory_space<semaphore_mem>>) src(%dma_wait3A_145 : memref<80x128xi32, #tpu.memory_space<hbm>>) dst(%arg8 : memref<80x128xi32, #tpu.memory_space<vmem>>)
      tpu.yield
    }) : () -> ()
    %dma_wait3A = arith.constant 0 : i32
    %dma_wait3A_10 = tpu.memref_slice %arg10[%mul3A_4, %dma_wait3A] : memref<10112x128xf32, #tpu.memory_space<vmem_shared>> -> memref<632x128xf32, #tpu.memory_space<vmem_shared>>
    %dma_wait3A_11 = arith.constant 0 : i32
    %dma_wait3A_12 = tpu.memref_slice %arg4[%mul3A_4, %dma_wait3A_11] : memref<10112x128xf32, #tpu.memory_space<hbm>> -> memref<632x128xf32, #tpu.memory_space<hbm>>
    tpu.wait_dma2 semaphore(%arg11 : memref<!tpu.dma_semaphore, #tpu.memory_space<semaphore_mem>>) src(%dma_wait3A_12 : memref<632x128xf32, #tpu.memory_space<hbm>>) dst(%dma_wait3A_10 : memref<632x128xf32, #tpu.memory_space<vmem_shared>>)
    %barrier3A = arith.constant 0 : index
    tpu.barrier barrier_id(%barrier3A)
    %dma_start3A_13 = arith.constant 0 : i32
    %dma_start3A_14 = arith.constant 0 : i32
    %dma_start3A_15 = arith.constant 0 : i32
    %dma_start3A_16 = tpu.memref_slice %arg9[%dma_start3A_14, %dma_start3A_15] : memref<256x128xf32, #tpu.memory_space<vmem>> -> memref<128x128xf32, #tpu.memory_space<vmem>>
    %dma_start3A_17 = arith.constant 0 : i32
    %dma_start3A_18 = tpu.memref_slice %arg8[%dma_start3A_13, %dma_start3A_17] : memref<80x128xi32, #tpu.memory_space<vmem>> -> memref<1x128xi32, #tpu.memory_space<vmem>>
    %dma_start3A_19 = tpu.memref_squeeze %dma_start3A_18 : memref<1x128xi32, #tpu.memory_space<vmem>> -> memref<128xi32, #tpu.memory_space<vmem>>
    %dma_start3A_20 = arith.constant 0 : i32
    %dma_start3A_21 = arith.constant 0 : i32
    %dma_start3A_22 = tpu.memref_slice %arg10[%dma_start3A_20, %dma_start3A_21] : memref<10112x128xf32, #tpu.memory_space<vmem_shared>> -> memref<10112x128xf32, #tpu.memory_space<vmem_shared>>
    tpu.enqueue_indirect_dma source(%dma_start3A_22 : memref<10112x128xf32, #tpu.memory_space<vmem_shared>>) target(%dma_start3A_16 : memref<128x128xf32, #tpu.memory_space<vmem>>) offsets(%dma_start3A_19 : memref<128xi32, #tpu.memory_space<vmem>>) semaphore(%arg11 : memref<!tpu.dma_semaphore, #tpu.memory_space<semaphore_mem>>)
    %dma_start3A_23 = arith.constant 1 : i32
    %dma_start3A_24 = arith.constant 128 : i32
    %dma_start3A_25 = arith.constant 0 : i32
    %dma_start3A_26 = tpu.memref_slice %arg9[%dma_start3A_24, %dma_start3A_25] : memref<256x128xf32, #tpu.memory_space<vmem>> -> memref<128x128xf32, #tpu.memory_space<vmem>>
    %dma_start3A_27 = arith.constant 0 : i32
    %dma_start3A_28 = tpu.memref_slice %arg8[%dma_start3A_23, %dma_start3A_27] : memref<80x128xi32, #tpu.memory_space<vmem>> -> memref<1x128xi32, #tpu.memory_space<vmem>>
    %dma_start3A_29 = tpu.memref_squeeze %dma_start3A_28 : memref<1x128xi32, #tpu.memory_space<vmem>> -> memref<128xi32, #tpu.memory_space<vmem>>
    %dma_start3A_30 = arith.constant 0 : i32
    %dma_start3A_31 = arith.constant 0 : i32
    %dma_start3A_32 = tpu.memref_slice %arg10[%dma_start3A_30, %dma_start3A_31] : memref<10112x128xf32, #tpu.memory_space<vmem_shared>> -> memref<10112x128xf32, #tpu.memory_space<vmem_shared>>
    tpu.enqueue_indirect_dma source(%dma_start3A_32 : memref<10112x128xf32, #tpu.memory_space<vmem_shared>>) target(%dma_start3A_26 : memref<128x128xf32, #tpu.memory_space<vmem>>) offsets(%dma_start3A_29 : memref<128xi32, #tpu.memory_space<vmem>>) semaphore(%arg12 : memref<!tpu.dma_semaphore, #tpu.memory_space<semaphore_mem>>)
    %scan3A = arith.constant 0 : i32
    %scan3A_33 = arith.constant 0 : i32
    %scan3A_34 = arith.constant 39 : i32
    %scan3A_35 = arith.addi %scan3A_33, %scan3A_34 : i32
    %scan3A_36 = arith.constant 1 : i32
    scf.for %scan3A_137 = %scan3A_33 to %scan3A_35 step %scan3A_36  : i32 {
      %mul3A_138 = arith.constant 2 : i32
      %mul3A_139 = arith.muli %mul3A_138, %scan3A_137 : i32
      %dma_wait3A_140 = arith.constant 0 : i32
      %dma_wait3A_141 = arith.constant 0 : i32
      %dma_wait3A_142 = tpu.memref_slice %arg9[%dma_wait3A_140, %dma_wait3A_141] : memref<256x128xf32, #tpu.memory_space<vmem>> -> memref<128x128xf32, #tpu.memory_space<vmem>>
      %dma_wait3A_143 = arith.constant 0 : i32
      %dma_wait3A_144 = arith.constant 0 : i32
      %dma_wait3A_145 = tpu.memref_slice %arg10[%dma_wait3A_143, %dma_wait3A_144] : memref<10112x128xf32, #tpu.memory_space<vmem_shared>> -> memref<128x128xf32, #tpu.memory_space<vmem_shared>>
      %dma_wait3A_146 = arith.constant 0 : i32
      %dma_wait3A_147 = arith.constant 0 : i32
      %dma_wait3A_148 = tpu.memref_slice %arg9[%dma_wait3A_146, %dma_wait3A_147] : memref<256x128xf32, #tpu.memory_space<vmem>> -> memref<128x128xf32, #tpu.memory_space<vmem>>
      %dma_wait3A_149 = arith.constant 0 : i32
      %dma_wait3A_150 = arith.constant 0 : i32
      %dma_wait3A_151 = tpu.memref_slice %arg10[%dma_wait3A_149, %dma_wait3A_150] : memref<10112x128xf32, #tpu.memory_space<vmem_shared>> -> memref<128x128xf32, #tpu.memory_space<vmem_shared>>
      tpu.wait_dma2 semaphore(%arg11 : memref<!tpu.dma_semaphore, #tpu.memory_space<semaphore_mem>>) src(%dma_wait3A_151 : memref<128x128xf32, #tpu.memory_space<vmem_shared>>) dst(%dma_wait3A_148 : memref<128x128xf32, #tpu.memory_space<vmem>>)
      %add3A_152 = arith.constant 0 : i32
      %add3A_153 = arith.addi %mul3A_139, %add3A_152 : i32
      %add3A_154 = arith.addi %add3A_9, %add3A_153 : i32
      %mul3A_155 = arith.constant 128 : i32
      %mul3A_156 = arith.muli %add3A_154, %mul3A_155 : i32
      "tpu.region"() ({
        %run_scoped3A_200 = tpu.sem_alloc : memref<!tpu.dma_semaphore, #tpu.memory_space<semaphore_mem>>
        %dma_start3A_201 = arith.constant 0 : i32
        %dma_start3A_202 = arith.constant 0 : i32
        %dma_start3A_203 = tpu.memref_slice %arg9[%dma_start3A_201, %dma_start3A_202] : memref<256x128xf32, #tpu.memory_space<vmem>> -> memref<128x128xf32, #tpu.memory_space<vmem>>
        %dma_start3A_204 = arith.constant 0 : i32
        %dma_start3A_205 = tpu.memref_slice %arg7[%mul3A_156, %dma_start3A_204] : memref<327680x128xf32, #tpu.memory_space<hbm>> -> memref<128x128xf32, #tpu.memory_space<hbm>>
        %dma_start3A_206 = arith.constant 0 : i32
        %dma_start3A_207 = tpu.memref_slice %arg7[%mul3A_156, %dma_start3A_206] : memref<327680x128xf32, #tpu.memory_space<hbm>> -> memref<128x128xf32, #tpu.memory_space<hbm>>
        %dma_start3A_208 = arith.constant 0 : i32
        %dma_start3A_209 = arith.constant 0 : i32
        %dma_start3A_210 = tpu.memref_slice %arg9[%dma_start3A_208, %dma_start3A_209] : memref<256x128xf32, #tpu.memory_space<vmem>> -> memref<128x128xf32, #tpu.memory_space<vmem>>
        tpu.enqueue_dma source(%dma_start3A_210 : memref<128x128xf32, #tpu.memory_space<vmem>>) target(%dma_start3A_207 : memref<128x128xf32, #tpu.memory_space<hbm>>) target_semaphore(%run_scoped3A_200 : memref<!tpu.dma_semaphore, #tpu.memory_space<semaphore_mem>>)
        %dma_wait3A_211 = arith.constant 0 : i32
        %dma_wait3A_212 = arith.constant 0 : i32
        %dma_wait3A_213 = tpu.memref_slice %arg9[%dma_wait3A_211, %dma_wait3A_212] : memref<256x128xf32, #tpu.memory_space<vmem>> -> memref<128x128xf32, #tpu.memory_space<vmem>>
        %dma_wait3A_214 = arith.constant 0 : i32
        %dma_wait3A_215 = tpu.memref_slice %arg7[%mul3A_156, %dma_wait3A_214] : memref<327680x128xf32, #tpu.memory_space<hbm>> -> memref<128x128xf32, #tpu.memory_space<hbm>>
        %dma_wait3A_216 = arith.constant 0 : i32
        %dma_wait3A_217 = tpu.memref_slice %arg7[%mul3A_156, %dma_wait3A_216] : memref<327680x128xf32, #tpu.memory_space<hbm>> -> memref<128x128xf32, #tpu.memory_space<hbm>>
        %dma_wait3A_218 = arith.constant 0 : i32
        %dma_wait3A_219 = arith.constant 0 : i32
        %dma_wait3A_220 = tpu.memref_slice %arg9[%dma_wait3A_218, %dma_wait3A_219] : memref<256x128xf32, #tpu.memory_space<vmem>> -> memref<128x128xf32, #tpu.memory_space<vmem>>
        tpu.wait_dma2 semaphore(%run_scoped3A_200 : memref<!tpu.dma_semaphore, #tpu.memory_space<semaphore_mem>>) src(%dma_wait3A_220 : memref<128x128xf32, #tpu.memory_space<vmem>>) dst(%dma_wait3A_217 : memref<128x128xf32, #tpu.memory_space<hbm>>)
        tpu.yield
      }) : () -> ()
      %add3A_157 = arith.constant 0 : i32
      %add3A_158 = arith.addi %mul3A_139, %add3A_157 : i32
      %add3A_159 = arith.constant 2 : i32
      %add3A_160 = arith.addi %add3A_158, %add3A_159 : i32
      %dma_start3A_161 = arith.constant 0 : i32
      %dma_start3A_162 = arith.constant 0 : i32
      %dma_start3A_163 = tpu.memref_slice %arg9[%dma_start3A_161, %dma_start3A_162] : memref<256x128xf32, #tpu.memory_space<vmem>> -> memref<128x128xf32, #tpu.memory_space<vmem>>
      %dma_start3A_164 = arith.constant 0 : i32
      %dma_start3A_165 = tpu.memref_slice %arg8[%add3A_160, %dma_start3A_164] : memref<80x128xi32, #tpu.memory_space<vmem>> -> memref<1x128xi32, #tpu.memory_space<vmem>>
      %dma_start3A_166 = tpu.memref_squeeze %dma_start3A_165 : memref<1x128xi32, #tpu.memory_space<vmem>> -> memref<128xi32, #tpu.memory_space<vmem>>
      %dma_start3A_167 = arith.constant 0 : i32
      %dma_start3A_168 = arith.constant 0 : i32
      %dma_start3A_169 = tpu.memref_slice %arg10[%dma_start3A_167, %dma_start3A_168] : memref<10112x128xf32, #tpu.memory_space<vmem_shared>> -> memref<10112x128xf32, #tpu.memory_space<vmem_shared>>
      tpu.enqueue_indirect_dma source(%dma_start3A_169 : memref<10112x128xf32, #tpu.memory_space<vmem_shared>>) target(%dma_start3A_163 : memref<128x128xf32, #tpu.memory_space<vmem>>) offsets(%dma_start3A_166 : memref<128xi32, #tpu.memory_space<vmem>>) semaphore(%arg11 : memref<!tpu.dma_semaphore, #tpu.memory_space<semaphore_mem>>)
      %dma_wait3A_170 = arith.constant 128 : i32
      %dma_wait3A_171 = arith.constant 0 : i32
      %dma_wait3A_172 = tpu.memref_slice %arg9[%dma_wait3A_170, %dma_wait3A_171] : memref<256x128xf32, #tpu.memory_space<vmem>> -> memref<128x128xf32, #tpu.memory_space<vmem>>
      %dma_wait3A_173 = arith.constant 0 : i32
      %dma_wait3A_174 = arith.constant 0 : i32
      %dma_wait3A_175 = tpu.memref_slice %arg10[%dma_wait3A_173, %dma_wait3A_174] : memref<10112x128xf32, #tpu.memory_space<vmem_shared>> -> memref<128x128xf32, #tpu.memory_space<vmem_shared>>
      %dma_wait3A_176 = arith.constant 128 : i32
      %dma_wait3A_177 = arith.constant 0 : i32
      %dma_wait3A_178 = tpu.memref_slice %arg9[%dma_wait3A_176, %dma_wait3A_177] : memref<256x128xf32, #tpu.memory_space<vmem>> -> memref<128x128xf32, #tpu.memory_space<vmem>>
      %dma_wait3A_179 = arith.constant 0 : i32
      %dma_wait3A_180 = arith.constant 0 : i32
      %dma_wait3A_181 = tpu.memref_slice %arg10[%dma_wait3A_179, %dma_wait3A_180] : memref<10112x128xf32, #tpu.memory_space<vmem_shared>> -> memref<128x128xf32, #tpu.memory_space<vmem_shared>>
      tpu.wait_dma2 semaphore(%arg12 : memref<!tpu.dma_semaphore, #tpu.memory_space<semaphore_mem>>) src(%dma_wait3A_181 : memref<128x128xf32, #tpu.memory_space<vmem_shared>>) dst(%dma_wait3A_178 : memref<128x128xf32, #tpu.memory_space<vmem>>)
      %add3A_182 = arith.constant 1 : i32
      %add3A_183 = arith.addi %mul3A_139, %add3A_182 : i32
      %add3A_184 = arith.addi %add3A_9, %add3A_183 : i32
      %mul3A_185 = arith.constant 128 : i32
      %mul3A_186 = arith.muli %add3A_184, %mul3A_185 : i32
      "tpu.region"() ({
        %run_scoped3A_200 = tpu.sem_alloc : memref<!tpu.dma_semaphore, #tpu.memory_space<semaphore_mem>>
        %dma_start3A_201 = arith.constant 128 : i32
        %dma_start3A_202 = arith.constant 0 : i32
        %dma_start3A_203 = tpu.memref_slice %arg9[%dma_start3A_201, %dma_start3A_202] : memref<256x128xf32, #tpu.memory_space<vmem>> -> memref<128x128xf32, #tpu.memory_space<vmem>>
        %dma_start3A_204 = arith.constant 0 : i32
        %dma_start3A_205 = tpu.memref_slice %arg7[%mul3A_186, %dma_start3A_204] : memref<327680x128xf32, #tpu.memory_space<hbm>> -> memref<128x128xf32, #tpu.memory_space<hbm>>
        %dma_start3A_206 = arith.constant 0 : i32
        %dma_start3A_207 = tpu.memref_slice %arg7[%mul3A_186, %dma_start3A_206] : memref<327680x128xf32, #tpu.memory_space<hbm>> -> memref<128x128xf32, #tpu.memory_space<hbm>>
        %dma_start3A_208 = arith.constant 128 : i32
        %dma_start3A_209 = arith.constant 0 : i32
        %dma_start3A_210 = tpu.memref_slice %arg9[%dma_start3A_208, %dma_start3A_209] : memref<256x128xf32, #tpu.memory_space<vmem>> -> memref<128x128xf32, #tpu.memory_space<vmem>>
        tpu.enqueue_dma source(%dma_start3A_210 : memref<128x128xf32, #tpu.memory_space<vmem>>) target(%dma_start3A_207 : memref<128x128xf32, #tpu.memory_space<hbm>>) target_semaphore(%run_scoped3A_200 : memref<!tpu.dma_semaphore, #tpu.memory_space<semaphore_mem>>)
        %dma_wait3A_211 = arith.constant 128 : i32
        %dma_wait3A_212 = arith.constant 0 : i32
        %dma_wait3A_213 = tpu.memref_slice %arg9[%dma_wait3A_211, %dma_wait3A_212] : memref<256x128xf32, #tpu.memory_space<vmem>> -> memref<128x128xf32, #tpu.memory_space<vmem>>
        %dma_wait3A_214 = arith.constant 0 : i32
        %dma_wait3A_215 = tpu.memref_slice %arg7[%mul3A_186, %dma_wait3A_214] : memref<327680x128xf32, #tpu.memory_space<hbm>> -> memref<128x128xf32, #tpu.memory_space<hbm>>
        %dma_wait3A_216 = arith.constant 0 : i32
        %dma_wait3A_217 = tpu.memref_slice %arg7[%mul3A_186, %dma_wait3A_216] : memref<327680x128xf32, #tpu.memory_space<hbm>> -> memref<128x128xf32, #tpu.memory_space<hbm>>
        %dma_wait3A_218 = arith.constant 128 : i32
        %dma_wait3A_219 = arith.constant 0 : i32
        %dma_wait3A_220 = tpu.memref_slice %arg9[%dma_wait3A_218, %dma_wait3A_219] : memref<256x128xf32, #tpu.memory_space<vmem>> -> memref<128x128xf32, #tpu.memory_space<vmem>>
        tpu.wait_dma2 semaphore(%run_scoped3A_200 : memref<!tpu.dma_semaphore, #tpu.memory_space<semaphore_mem>>) src(%dma_wait3A_220 : memref<128x128xf32, #tpu.memory_space<vmem>>) dst(%dma_wait3A_217 : memref<128x128xf32, #tpu.memory_space<hbm>>)
        tpu.yield
      }) : () -> ()
      %add3A_187 = arith.constant 1 : i32
      %add3A_188 = arith.addi %mul3A_139, %add3A_187 : i32
      %add3A_189 = arith.constant 2 : i32
      %add3A_190 = arith.addi %add3A_188, %add3A_189 : i32
      %dma_start3A_191 = arith.constant 128 : i32
      %dma_start3A_192 = arith.constant 0 : i32
      %dma_start3A_193 = tpu.memref_slice %arg9[%dma_start3A_191, %dma_start3A_192] : memref<256x128xf32, #tpu.memory_space<vmem>> -> memref<128x128xf32, #tpu.memory_space<vmem>>
      %dma_start3A_194 = arith.constant 0 : i32
      %dma_start3A_195 = tpu.memref_slice %arg8[%add3A_190, %dma_start3A_194] : memref<80x128xi32, #tpu.memory_space<vmem>> -> memref<1x128xi32, #tpu.memory_space<vmem>>
      %dma_start3A_196 = tpu.memref_squeeze %dma_start3A_195 : memref<1x128xi32, #tpu.memory_space<vmem>> -> memref<128xi32, #tpu.memory_space<vmem>>
      %dma_start3A_197 = arith.constant 0 : i32
      %dma_start3A_198 = arith.constant 0 : i32
      %dma_start3A_199 = tpu.memref_slice %arg10[%dma_start3A_197, %dma_start3A_198] : memref<10112x128xf32, #tpu.memory_space<vmem_shared>> -> memref<10112x128xf32, #tpu.memory_space<vmem_shared>>
      tpu.enqueue_indirect_dma source(%dma_start3A_199 : memref<10112x128xf32, #tpu.memory_space<vmem_shared>>) target(%dma_start3A_193 : memref<128x128xf32, #tpu.memory_space<vmem>>) offsets(%dma_start3A_196 : memref<128xi32, #tpu.memory_space<vmem>>) semaphore(%arg12 : memref<!tpu.dma_semaphore, #tpu.memory_space<semaphore_mem>>)
    }
    %scan3A_37 = arith.constant 39 : i32
    %dma_wait3A_38 = arith.constant 0 : i32
    %dma_wait3A_39 = arith.constant 0 : i32
    %dma_wait3A_40 = tpu.memref_slice %arg9[%dma_wait3A_38, %dma_wait3A_39] : memref<256x128xf32, #tpu.memory_space<vmem>> -> memref<128x128xf32, #tpu.memory_space<vmem>>
    %dma_wait3A_41 = arith.constant 0 : i32
    %dma_wait3A_42 = arith.constant 0 : i32
    %dma_wait3A_43 = tpu.memref_slice %arg10[%dma_wait3A_41, %dma_wait3A_42] : memref<10112x128xf32, #tpu.memory_space<vmem_shared>> -> memref<128x128xf32, #tpu.memory_space<vmem_shared>>
    %dma_wait3A_44 = arith.constant 0 : i32
    %dma_wait3A_45 = arith.constant 0 : i32
    %dma_wait3A_46 = tpu.memref_slice %arg9[%dma_wait3A_44, %dma_wait3A_45] : memref<256x128xf32, #tpu.memory_space<vmem>> -> memref<128x128xf32, #tpu.memory_space<vmem>>
    %dma_wait3A_47 = arith.constant 0 : i32
    %dma_wait3A_48 = arith.constant 0 : i32
    %dma_wait3A_49 = tpu.memref_slice %arg10[%dma_wait3A_47, %dma_wait3A_48] : memref<10112x128xf32, #tpu.memory_space<vmem_shared>> -> memref<128x128xf32, #tpu.memory_space<vmem_shared>>
    tpu.wait_dma2 semaphore(%arg11 : memref<!tpu.dma_semaphore, #tpu.memory_space<semaphore_mem>>) src(%dma_wait3A_49 : memref<128x128xf32, #tpu.memory_space<vmem_shared>>) dst(%dma_wait3A_46 : memref<128x128xf32, #tpu.memory_space<vmem>>)
    %add3A_50 = arith.constant 78 : i32
    %add3A_51 = arith.addi %add3A_9, %add3A_50 : i32
    %mul3A_52 = arith.constant 128 : i32
    %mul3A_53 = arith.muli %add3A_51, %mul3A_52 : i32
    "tpu.region"() ({
      %run_scoped3A_137 = tpu.sem_alloc : memref<!tpu.dma_semaphore, #tpu.memory_space<semaphore_mem>>
      %dma_start3A_138 = arith.constant 0 : i32
      %dma_start3A_139 = arith.constant 0 : i32
      %dma_start3A_140 = tpu.memref_slice %arg9[%dma_start3A_138, %dma_start3A_139] : memref<256x128xf32, #tpu.memory_space<vmem>> -> memref<128x128xf32, #tpu.memory_space<vmem>>
      %dma_start3A_141 = arith.constant 0 : i32
      %dma_start3A_142 = tpu.memref_slice %arg7[%mul3A_53, %dma_start3A_141] : memref<327680x128xf32, #tpu.memory_space<hbm>> -> memref<128x128xf32, #tpu.memory_space<hbm>>
      %dma_start3A_143 = arith.constant 0 : i32
      %dma_start3A_144 = tpu.memref_slice %arg7[%mul3A_53, %dma_start3A_143] : memref<327680x128xf32, #tpu.memory_space<hbm>> -> memref<128x128xf32, #tpu.memory_space<hbm>>
      %dma_start3A_145 = arith.constant 0 : i32
      %dma_start3A_146 = arith.constant 0 : i32
      %dma_start3A_147 = tpu.memref_slice %arg9[%dma_start3A_145, %dma_start3A_146] : memref<256x128xf32, #tpu.memory_space<vmem>> -> memref<128x128xf32, #tpu.memory_space<vmem>>
      tpu.enqueue_dma source(%dma_start3A_147 : memref<128x128xf32, #tpu.memory_space<vmem>>) target(%dma_start3A_144 : memref<128x128xf32, #tpu.memory_space<hbm>>) target_semaphore(%run_scoped3A_137 : memref<!tpu.dma_semaphore, #tpu.memory_space<semaphore_mem>>)
      %dma_wait3A_148 = arith.constant 0 : i32
      %dma_wait3A_149 = arith.constant 0 : i32
      %dma_wait3A_150 = tpu.memref_slice %arg9[%dma_wait3A_148, %dma_wait3A_149] : memref<256x128xf32, #tpu.memory_space<vmem>> -> memref<128x128xf32, #tpu.memory_space<vmem>>
      %dma_wait3A_151 = arith.constant 0 : i32
      %dma_wait3A_152 = tpu.memref_slice %arg7[%mul3A_53, %dma_wait3A_151] : memref<327680x128xf32, #tpu.memory_space<hbm>> -> memref<128x128xf32, #tpu.memory_space<hbm>>
      %dma_wait3A_153 = arith.constant 0 : i32
      %dma_wait3A_154 = tpu.memref_slice %arg7[%mul3A_53, %dma_wait3A_153] : memref<327680x128xf32, #tpu.memory_space<hbm>> -> memref<128x128xf32, #tpu.memory_space<hbm>>
      %dma_wait3A_155 = arith.constant 0 : i32
      %dma_wait3A_156 = arith.constant 0 : i32
      %dma_wait3A_157 = tpu.memref_slice %arg9[%dma_wait3A_155, %dma_wait3A_156] : memref<256x128xf32, #tpu.memory_space<vmem>> -> memref<128x128xf32, #tpu.memory_space<vmem>>
      tpu.wait_dma2 semaphore(%run_scoped3A_137 : memref<!tpu.dma_semaphore, #tpu.memory_space<semaphore_mem>>) src(%dma_wait3A_157 : memref<128x128xf32, #tpu.memory_space<vmem>>) dst(%dma_wait3A_154 : memref<128x128xf32, #tpu.memory_space<hbm>>)
      tpu.yield
    }) : () -> ()
    %dma_wait3A_54 = arith.constant 128 : i32
    %dma_wait3A_55 = arith.constant 0 : i32
    %dma_wait3A_56 = tpu.memref_slice %arg9[%dma_wait3A_54, %dma_wait3A_55] : memref<256x128xf32, #tpu.memory_space<vmem>> -> memref<128x128xf32, #tpu.memory_space<vmem>>
    %dma_wait3A_57 = arith.constant 0 : i32
    %dma_wait3A_58 = arith.constant 0 : i32
    %dma_wait3A_59 = tpu.memref_slice %arg10[%dma_wait3A_57, %dma_wait3A_58] : memref<10112x128xf32, #tpu.memory_space<vmem_shared>> -> memref<128x128xf32, #tpu.memory_space<vmem_shared>>
    %dma_wait3A_60 = arith.constant 128 : i32
    %dma_wait3A_61 = arith.constant 0 : i32
    %dma_wait3A_62 = tpu.memref_slice %arg9[%dma_wait3A_60, %dma_wait3A_61] : memref<256x128xf32, #tpu.memory_space<vmem>> -> memref<128x128xf32, #tpu.memory_space<vmem>>
    %dma_wait3A_63 = arith.constant 0 : i32
    %dma_wait3A_64 = arith.constant 0 : i32
    %dma_wait3A_65 = tpu.memref_slice %arg10[%dma_wait3A_63, %dma_wait3A_64] : memref<10112x128xf32, #tpu.memory_space<vmem_shared>> -> memref<128x128xf32, #tpu.memory_space<vmem_shared>>
    tpu.wait_dma2 semaphore(%arg12 : memref<!tpu.dma_semaphore, #tpu.memory_space<semaphore_mem>>) src(%dma_wait3A_65 : memref<128x128xf32, #tpu.memory_space<vmem_shared>>) dst(%dma_wait3A_62 : memref<128x128xf32, #tpu.memory_space<vmem>>)
    %add3A_66 = arith.constant 79 : i32
    %add3A_67 = arith.addi %add3A_9, %add3A_66 : i32
    %mul3A_68 = arith.constant 128 : i32
    %mul3A_69 = arith.muli %add3A_67, %mul3A_68 : i32
    "tpu.region"() ({
      %run_scoped3A_137 = tpu.sem_alloc : memref<!tpu.dma_semaphore, #tpu.memory_space<semaphore_mem>>
      %dma_start3A_138 = arith.constant 128 : i32
      %dma_start3A_139 = arith.constant 0 : i32
      %dma_start3A_140 = tpu.memref_slice %arg9[%dma_start3A_138, %dma_start3A_139] : memref<256x128xf32, #tpu.memory_space<vmem>> -> memref<128x128xf32, #tpu.memory_space<vmem>>
      %dma_start3A_141 = arith.constant 0 : i32
      %dma_start3A_142 = tpu.memref_slice %arg7[%mul3A_69, %dma_start3A_141] : memref<327680x128xf32, #tpu.memory_space<hbm>> -> memref<128x128xf32, #tpu.memory_space<hbm>>
      %dma_start3A_143 = arith.constant 0 : i32
      %dma_start3A_144 = tpu.memref_slice %arg7[%mul3A_69, %dma_start3A_143] : memref<327680x128xf32, #tpu.memory_space<hbm>> -> memref<128x128xf32, #tpu.memory_space<hbm>>
      %dma_start3A_145 = arith.constant 128 : i32
      %dma_start3A_146 = arith.constant 0 : i32
      %dma_start3A_147 = tpu.memref_slice %arg9[%dma_start3A_145, %dma_start3A_146] : memref<256x128xf32, #tpu.memory_space<vmem>> -> memref<128x128xf32, #tpu.memory_space<vmem>>
      tpu.enqueue_dma source(%dma_start3A_147 : memref<128x128xf32, #tpu.memory_space<vmem>>) target(%dma_start3A_144 : memref<128x128xf32, #tpu.memory_space<hbm>>) target_semaphore(%run_scoped3A_137 : memref<!tpu.dma_semaphore, #tpu.memory_space<semaphore_mem>>)
      %dma_wait3A_148 = arith.constant 128 : i32
      %dma_wait3A_149 = arith.constant 0 : i32
      %dma_wait3A_150 = tpu.memref_slice %arg9[%dma_wait3A_148, %dma_wait3A_149] : memref<256x128xf32, #tpu.memory_space<vmem>> -> memref<128x128xf32, #tpu.memory_space<vmem>>
      %dma_wait3A_151 = arith.constant 0 : i32
      %dma_wait3A_152 = tpu.memref_slice %arg7[%mul3A_69, %dma_wait3A_151] : memref<327680x128xf32, #tpu.memory_space<hbm>> -> memref<128x128xf32, #tpu.memory_space<hbm>>
      %dma_wait3A_153 = arith.constant 0 : i32
      %dma_wait3A_154 = tpu.memref_slice %arg7[%mul3A_69, %dma_wait3A_153] : memref<327680x128xf32, #tpu.memory_space<hbm>> -> memref<128x128xf32, #tpu.memory_space<hbm>>
      %dma_wait3A_155 = arith.constant 128 : i32
      %dma_wait3A_156 = arith.constant 0 : i32
      %dma_wait3A_157 = tpu.memref_slice %arg9[%dma_wait3A_155, %dma_wait3A_156] : memref<256x128xf32, #tpu.memory_space<vmem>> -> memref<128x128xf32, #tpu.memory_space<vmem>>
      tpu.wait_dma2 semaphore(%run_scoped3A_137 : memref<!tpu.dma_semaphore, #tpu.memory_space<semaphore_mem>>) src(%dma_wait3A_157 : memref<128x128xf32, #tpu.memory_space<vmem>>) dst(%dma_wait3A_154 : memref<128x128xf32, #tpu.memory_space<hbm>>)
      tpu.yield
    }) : () -> ()
    %barrier3A_70 = arith.constant 0 : index
    tpu.barrier barrier_id(%barrier3A_70)
    %eq3A = arith.constant 0 : i32
    %eq3A_71 = arith.cmpi eq, %arg0, %eq3A : i32
    %lt3A = arith.constant 8 : i32
    %lt3A_72 = arith.cmpi slt, %arg1, %lt3A : i32
    %ne3A = arith.xori %eq3A_71, %lt3A_72 : i1
    %convert_element_type3A = arith.extui %ne3A : i1 to i32
    %cond3A = arith.constant 0 : i32
    %cond3A_73 = arith.cmpi ne, %convert_element_type3A, %cond3A : i32
    scf.if %cond3A_73 {
      "tpu.region"() ({
        %run_scoped3A_137 = tpu.sem_alloc : memref<!tpu.dma_semaphore, #tpu.memory_space<semaphore_mem>>
        %dma_start3A_138 = arith.constant 0 : i32
        %dma_start3A_139 = tpu.memref_slice %arg10[%mul3A_4, %dma_start3A_138] : memref<10112x128xf32, #tpu.memory_space<vmem_shared>> -> memref<632x128xf32, #tpu.memory_space<vmem_shared>>
        tpu.enqueue_dma source(%arg5 : memref<632x128xf32, #tpu.memory_space<hbm>>) target(%dma_start3A_139 : memref<632x128xf32, #tpu.memory_space<vmem_shared>>) target_semaphore(%run_scoped3A_137 : memref<!tpu.dma_semaphore, #tpu.memory_space<semaphore_mem>>)
        %dma_wait3A_140 = arith.constant 0 : i32
        %dma_wait3A_141 = tpu.memref_slice %arg10[%mul3A_4, %dma_wait3A_140] : memref<10112x128xf32, #tpu.memory_space<vmem_shared>> -> memref<632x128xf32, #tpu.memory_space<vmem_shared>>
        tpu.wait_dma2 semaphore(%run_scoped3A_137 : memref<!tpu.dma_semaphore, #tpu.memory_space<semaphore_mem>>) src(%arg5 : memref<632x128xf32, #tpu.memory_space<hbm>>) dst(%dma_wait3A_141 : memref<632x128xf32, #tpu.memory_space<vmem_shared>>)
        tpu.yield
      }) : () -> ()
    } else {
    }
    %barrier3A_74 = arith.constant 0 : index
    tpu.barrier barrier_id(%barrier3A_74)
    %add3A_75 = arith.constant 0 : i32
    %add3A_76 = arith.addi %mul3A_2, %add3A_75 : i32
    "tpu.region"() ({
      %run_scoped3A_137 = tpu.sem_alloc : memref<!tpu.dma_semaphore, #tpu.memory_space<semaphore_mem>>
      %dma_start3A_138 = arith.constant 0 : i32
      %dma_start3A_139 = tpu.memref_slice %arg3[%add3A_76, %dma_start3A_138] : memref<2560x128xi32, #tpu.memory_space<hbm>> -> memref<80x128xi32, #tpu.memory_space<hbm>>
      %dma_start3A_140 = arith.constant 0 : i32
      %dma_start3A_141 = tpu.memref_slice %arg3[%add3A_76, %dma_start3A_140] : memref<2560x128xi32, #tpu.memory_space<hbm>> -> memref<80x128xi32, #tpu.memory_space<hbm>>
      tpu.enqueue_dma source(%dma_start3A_141 : memref<80x128xi32, #tpu.memory_space<hbm>>) target(%arg8 : memref<80x128xi32, #tpu.memory_space<vmem>>) target_semaphore(%run_scoped3A_137 : memref<!tpu.dma_semaphore, #tpu.memory_space<semaphore_mem>>)
      %dma_wait3A_142 = arith.constant 0 : i32
      %dma_wait3A_143 = tpu.memref_slice %arg3[%add3A_76, %dma_wait3A_142] : memref<2560x128xi32, #tpu.memory_space<hbm>> -> memref<80x128xi32, #tpu.memory_space<hbm>>
      %dma_wait3A_144 = arith.constant 0 : i32
      %dma_wait3A_145 = tpu.memref_slice %arg3[%add3A_76, %dma_wait3A_144] : memref<2560x128xi32, #tpu.memory_space<hbm>> -> memref<80x128xi32, #tpu.memory_space<hbm>>
      tpu.wait_dma2 semaphore(%run_scoped3A_137 : memref<!tpu.dma_semaphore, #tpu.memory_space<semaphore_mem>>) src(%dma_wait3A_145 : memref<80x128xi32, #tpu.memory_space<hbm>>) dst(%arg8 : memref<80x128xi32, #tpu.memory_space<vmem>>)
      tpu.yield
    }) : () -> ()
    %add3A_77 = arith.constant 0 : i32
    %add3A_78 = arith.addi %add3A_76, %add3A_77 : i32
    %mul3A_79 = arith.constant 128 : i32
    %mul3A_80 = arith.muli %add3A_78, %mul3A_79 : i32
    %dma_start3A_81 = arith.constant 0 : i32
    %dma_start3A_82 = arith.constant 0 : i32
    %dma_start3A_83 = tpu.memref_slice %arg9[%dma_start3A_81, %dma_start3A_82] : memref<256x128xf32, #tpu.memory_space<vmem>> -> memref<128x128xf32, #tpu.memory_space<vmem>>
    %dma_start3A_84 = arith.constant 0 : i32
    %dma_start3A_85 = tpu.memref_slice %arg7[%mul3A_80, %dma_start3A_84] : memref<327680x128xf32, #tpu.memory_space<hbm>> -> memref<128x128xf32, #tpu.memory_space<hbm>>
    %dma_start3A_86 = arith.constant 0 : i32
    %dma_start3A_87 = arith.constant 0 : i32
    %dma_start3A_88 = tpu.memref_slice %arg9[%dma_start3A_86, %dma_start3A_87] : memref<256x128xf32, #tpu.memory_space<vmem>> -> memref<128x128xf32, #tpu.memory_space<vmem>>
    %dma_start3A_89 = arith.constant 0 : i32
    %dma_start3A_90 = tpu.memref_slice %arg7[%mul3A_80, %dma_start3A_89] : memref<327680x128xf32, #tpu.memory_space<hbm>> -> memref<128x128xf32, #tpu.memory_space<hbm>>
    tpu.enqueue_dma source(%dma_start3A_90 : memref<128x128xf32, #tpu.memory_space<hbm>>) target(%dma_start3A_88 : memref<128x128xf32, #tpu.memory_space<vmem>>) target_semaphore(%arg11 : memref<!tpu.dma_semaphore, #tpu.memory_space<semaphore_mem>>)
    %add3A_91 = arith.constant 1 : i32
    %add3A_92 = arith.addi %add3A_76, %add3A_91 : i32
    %mul3A_93 = arith.constant 128 : i32
    %mul3A_94 = arith.muli %add3A_92, %mul3A_93 : i32
    %dma_start3A_95 = arith.constant 128 : i32
    %dma_start3A_96 = arith.constant 0 : i32
    %dma_start3A_97 = tpu.memref_slice %arg9[%dma_start3A_95, %dma_start3A_96] : memref<256x128xf32, #tpu.memory_space<vmem>> -> memref<128x128xf32, #tpu.memory_space<vmem>>
    %dma_start3A_98 = arith.constant 0 : i32
    %dma_start3A_99 = tpu.memref_slice %arg7[%mul3A_94, %dma_start3A_98] : memref<327680x128xf32, #tpu.memory_space<hbm>> -> memref<128x128xf32, #tpu.memory_space<hbm>>
    %dma_start3A_100 = arith.constant 128 : i32
    %dma_start3A_101 = arith.constant 0 : i32
    %dma_start3A_102 = tpu.memref_slice %arg9[%dma_start3A_100, %dma_start3A_101] : memref<256x128xf32, #tpu.memory_space<vmem>> -> memref<128x128xf32, #tpu.memory_space<vmem>>
    %dma_start3A_103 = arith.constant 0 : i32
    %dma_start3A_104 = tpu.memref_slice %arg7[%mul3A_94, %dma_start3A_103] : memref<327680x128xf32, #tpu.memory_space<hbm>> -> memref<128x128xf32, #tpu.memory_space<hbm>>
    tpu.enqueue_dma source(%dma_start3A_104 : memref<128x128xf32, #tpu.memory_space<hbm>>) target(%dma_start3A_102 : memref<128x128xf32, #tpu.memory_space<vmem>>) target_semaphore(%arg12 : memref<!tpu.dma_semaphore, #tpu.memory_space<semaphore_mem>>)
    %scan3A_105 = arith.constant 0 : i32
    %scan3A_106 = arith.constant 0 : i32
    %scan3A_107 = arith.constant 39 : i32
    %scan3A_108 = arith.addi %scan3A_106, %scan3A_107 : i32
    %scan3A_109 = arith.constant 1 : i32
    scf.for %scan3A_137 = %scan3A_106 to %scan3A_108 step %scan3A_109  : i32 {
      %mul3A_138 = arith.constant 2 : i32
      %mul3A_139 = arith.muli %mul3A_138, %scan3A_137 : i32
      %dma_wait3A_140 = arith.constant 0 : i32
      %dma_wait3A_141 = arith.constant 0 : i32
      %dma_wait3A_142 = tpu.memref_slice %arg9[%dma_wait3A_140, %dma_wait3A_141] : memref<256x128xf32, #tpu.memory_space<vmem>> -> memref<128x128xf32, #tpu.memory_space<vmem>>
      %dma_wait3A_143 = arith.constant 0 : i32
      %dma_wait3A_144 = arith.constant 0 : i32
      %dma_wait3A_145 = tpu.memref_slice %arg7[%dma_wait3A_143, %dma_wait3A_144] : memref<327680x128xf32, #tpu.memory_space<hbm>> -> memref<128x128xf32, #tpu.memory_space<hbm>>
      %dma_wait3A_146 = arith.constant 0 : i32
      %dma_wait3A_147 = arith.constant 0 : i32
      %dma_wait3A_148 = tpu.memref_slice %arg9[%dma_wait3A_146, %dma_wait3A_147] : memref<256x128xf32, #tpu.memory_space<vmem>> -> memref<128x128xf32, #tpu.memory_space<vmem>>
      %dma_wait3A_149 = arith.constant 0 : i32
      %dma_wait3A_150 = arith.constant 0 : i32
      %dma_wait3A_151 = tpu.memref_slice %arg7[%dma_wait3A_149, %dma_wait3A_150] : memref<327680x128xf32, #tpu.memory_space<hbm>> -> memref<128x128xf32, #tpu.memory_space<hbm>>
      tpu.wait_dma2 semaphore(%arg11 : memref<!tpu.dma_semaphore, #tpu.memory_space<semaphore_mem>>) src(%dma_wait3A_151 : memref<128x128xf32, #tpu.memory_space<hbm>>) dst(%dma_wait3A_148 : memref<128x128xf32, #tpu.memory_space<vmem>>)
      %add3A_152 = arith.constant 0 : i32
      %add3A_153 = arith.addi %mul3A_139, %add3A_152 : i32
      "tpu.region"() ({
        %run_scoped3A_202 = tpu.sem_alloc : memref<!tpu.dma_semaphore, #tpu.memory_space<semaphore_mem>>
        %dma_start3A_203 = arith.constant 0 : i32
        %dma_start3A_204 = arith.constant 0 : i32
        %dma_start3A_205 = tpu.memref_slice %arg9[%dma_start3A_203, %dma_start3A_204] : memref<256x128xf32, #tpu.memory_space<vmem>> -> memref<128x128xf32, #tpu.memory_space<vmem>>
        %dma_start3A_206 = arith.constant 0 : i32
        %dma_start3A_207 = tpu.memref_slice %arg8[%add3A_153, %dma_start3A_206] : memref<80x128xi32, #tpu.memory_space<vmem>> -> memref<1x128xi32, #tpu.memory_space<vmem>>
        %dma_start3A_208 = tpu.memref_squeeze %dma_start3A_207 : memref<1x128xi32, #tpu.memory_space<vmem>> -> memref<128xi32, #tpu.memory_space<vmem>>
        %dma_start3A_209 = arith.constant 0 : i32
        %dma_start3A_210 = arith.constant 0 : i32
        %dma_start3A_211 = tpu.memref_slice %arg10[%dma_start3A_209, %dma_start3A_210] : memref<10112x128xf32, #tpu.memory_space<vmem_shared>> -> memref<10112x128xf32, #tpu.memory_space<vmem_shared>>
        tpu.enqueue_indirect_dma source(%dma_start3A_205 : memref<128x128xf32, #tpu.memory_space<vmem>>) target(%dma_start3A_211 : memref<10112x128xf32, #tpu.memory_space<vmem_shared>>) offsets(%dma_start3A_208 : memref<128xi32, #tpu.memory_space<vmem>>) semaphore(%run_scoped3A_202 : memref<!tpu.dma_semaphore, #tpu.memory_space<semaphore_mem>>) {add = true}
        %dma_wait3A_212 = arith.constant 0 : i32
        %dma_wait3A_213 = arith.constant 0 : i32
        %dma_wait3A_214 = tpu.memref_slice %arg9[%dma_wait3A_212, %dma_wait3A_213] : memref<256x128xf32, #tpu.memory_space<vmem>> -> memref<128x128xf32, #tpu.memory_space<vmem>>
        %dma_wait3A_215 = arith.constant 0 : i32
        %dma_wait3A_216 = tpu.memref_slice %arg8[%add3A_153, %dma_wait3A_215] : memref<80x128xi32, #tpu.memory_space<vmem>> -> memref<1x128xi32, #tpu.memory_space<vmem>>
        %dma_wait3A_217 = tpu.memref_squeeze %dma_wait3A_216 : memref<1x128xi32, #tpu.memory_space<vmem>> -> memref<128xi32, #tpu.memory_space<vmem>>
        %dma_wait3A_218 = arith.constant 0 : i32
        %dma_wait3A_219 = arith.constant 0 : i32
        %dma_wait3A_220 = tpu.memref_slice %arg10[%dma_wait3A_218, %dma_wait3A_219] : memref<10112x128xf32, #tpu.memory_space<vmem_shared>> -> memref<10112x128xf32, #tpu.memory_space<vmem_shared>>
        tpu.wait_indirect_dma semaphore(%run_scoped3A_202 : memref<!tpu.dma_semaphore, #tpu.memory_space<semaphore_mem>>) src(%dma_wait3A_214 : memref<128x128xf32, #tpu.memory_space<vmem>>) dst(%dma_wait3A_220 : memref<10112x128xf32, #tpu.memory_space<vmem_shared>>)
        tpu.yield
      }) : () -> ()
      %add3A_154 = arith.constant 0 : i32
      %add3A_155 = arith.addi %mul3A_139, %add3A_154 : i32
      %add3A_156 = arith.constant 2 : i32
      %add3A_157 = arith.addi %add3A_155, %add3A_156 : i32
      %add3A_158 = arith.addi %add3A_76, %add3A_157 : i32
      %mul3A_159 = arith.constant 128 : i32
      %mul3A_160 = arith.muli %add3A_158, %mul3A_159 : i32
      %dma_start3A_161 = arith.constant 0 : i32
      %dma_start3A_162 = arith.constant 0 : i32
      %dma_start3A_163 = tpu.memref_slice %arg9[%dma_start3A_161, %dma_start3A_162] : memref<256x128xf32, #tpu.memory_space<vmem>> -> memref<128x128xf32, #tpu.memory_space<vmem>>
      %dma_start3A_164 = arith.constant 0 : i32
      %dma_start3A_165 = tpu.memref_slice %arg7[%mul3A_160, %dma_start3A_164] : memref<327680x128xf32, #tpu.memory_space<hbm>> -> memref<128x128xf32, #tpu.memory_space<hbm>>
      %dma_start3A_166 = arith.constant 0 : i32
      %dma_start3A_167 = arith.constant 0 : i32
      %dma_start3A_168 = tpu.memref_slice %arg9[%dma_start3A_166, %dma_start3A_167] : memref<256x128xf32, #tpu.memory_space<vmem>> -> memref<128x128xf32, #tpu.memory_space<vmem>>
      %dma_start3A_169 = arith.constant 0 : i32
      %dma_start3A_170 = tpu.memref_slice %arg7[%mul3A_160, %dma_start3A_169] : memref<327680x128xf32, #tpu.memory_space<hbm>> -> memref<128x128xf32, #tpu.memory_space<hbm>>
      tpu.enqueue_dma source(%dma_start3A_170 : memref<128x128xf32, #tpu.memory_space<hbm>>) target(%dma_start3A_168 : memref<128x128xf32, #tpu.memory_space<vmem>>) target_semaphore(%arg11 : memref<!tpu.dma_semaphore, #tpu.memory_space<semaphore_mem>>)
      %dma_wait3A_171 = arith.constant 128 : i32
      %dma_wait3A_172 = arith.constant 0 : i32
      %dma_wait3A_173 = tpu.memref_slice %arg9[%dma_wait3A_171, %dma_wait3A_172] : memref<256x128xf32, #tpu.memory_space<vmem>> -> memref<128x128xf32, #tpu.memory_space<vmem>>
      %dma_wait3A_174 = arith.constant 0 : i32
      %dma_wait3A_175 = arith.constant 0 : i32
      %dma_wait3A_176 = tpu.memref_slice %arg7[%dma_wait3A_174, %dma_wait3A_175] : memref<327680x128xf32, #tpu.memory_space<hbm>> -> memref<128x128xf32, #tpu.memory_space<hbm>>
      %dma_wait3A_177 = arith.constant 128 : i32
      %dma_wait3A_178 = arith.constant 0 : i32
      %dma_wait3A_179 = tpu.memref_slice %arg9[%dma_wait3A_177, %dma_wait3A_178] : memref<256x128xf32, #tpu.memory_space<vmem>> -> memref<128x128xf32, #tpu.memory_space<vmem>>
      %dma_wait3A_180 = arith.constant 0 : i32
      %dma_wait3A_181 = arith.constant 0 : i32
      %dma_wait3A_182 = tpu.memref_slice %arg7[%dma_wait3A_180, %dma_wait3A_181] : memref<327680x128xf32, #tpu.memory_space<hbm>> -> memref<128x128xf32, #tpu.memory_space<hbm>>
      tpu.wait_dma2 semaphore(%arg12 : memref<!tpu.dma_semaphore, #tpu.memory_space<semaphore_mem>>) src(%dma_wait3A_182 : memref<128x128xf32, #tpu.memory_space<hbm>>) dst(%dma_wait3A_179 : memref<128x128xf32, #tpu.memory_space<vmem>>)
      %add3A_183 = arith.constant 1 : i32
      %add3A_184 = arith.addi %mul3A_139, %add3A_183 : i32
      "tpu.region"() ({
        %run_scoped3A_202 = tpu.sem_alloc : memref<!tpu.dma_semaphore, #tpu.memory_space<semaphore_mem>>
        %dma_start3A_203 = arith.constant 128 : i32
        %dma_start3A_204 = arith.constant 0 : i32
        %dma_start3A_205 = tpu.memref_slice %arg9[%dma_start3A_203, %dma_start3A_204] : memref<256x128xf32, #tpu.memory_space<vmem>> -> memref<128x128xf32, #tpu.memory_space<vmem>>
        %dma_start3A_206 = arith.constant 0 : i32
        %dma_start3A_207 = tpu.memref_slice %arg8[%add3A_184, %dma_start3A_206] : memref<80x128xi32, #tpu.memory_space<vmem>> -> memref<1x128xi32, #tpu.memory_space<vmem>>
        %dma_start3A_208 = tpu.memref_squeeze %dma_start3A_207 : memref<1x128xi32, #tpu.memory_space<vmem>> -> memref<128xi32, #tpu.memory_space<vmem>>
        %dma_start3A_209 = arith.constant 0 : i32
        %dma_start3A_210 = arith.constant 0 : i32
        %dma_start3A_211 = tpu.memref_slice %arg10[%dma_start3A_209, %dma_start3A_210] : memref<10112x128xf32, #tpu.memory_space<vmem_shared>> -> memref<10112x128xf32, #tpu.memory_space<vmem_shared>>
        tpu.enqueue_indirect_dma source(%dma_start3A_205 : memref<128x128xf32, #tpu.memory_space<vmem>>) target(%dma_start3A_211 : memref<10112x128xf32, #tpu.memory_space<vmem_shared>>) offsets(%dma_start3A_208 : memref<128xi32, #tpu.memory_space<vmem>>) semaphore(%run_scoped3A_202 : memref<!tpu.dma_semaphore, #tpu.memory_space<semaphore_mem>>) {add = true}
        %dma_wait3A_212 = arith.constant 128 : i32
        %dma_wait3A_213 = arith.constant 0 : i32
        %dma_wait3A_214 = tpu.memref_slice %arg9[%dma_wait3A_212, %dma_wait3A_213] : memref<256x128xf32, #tpu.memory_space<vmem>> -> memref<128x128xf32, #tpu.memory_space<vmem>>
        %dma_wait3A_215 = arith.constant 0 : i32
        %dma_wait3A_216 = tpu.memref_slice %arg8[%add3A_184, %dma_wait3A_215] : memref<80x128xi32, #tpu.memory_space<vmem>> -> memref<1x128xi32, #tpu.memory_space<vmem>>
        %dma_wait3A_217 = tpu.memref_squeeze %dma_wait3A_216 : memref<1x128xi32, #tpu.memory_space<vmem>> -> memref<128xi32, #tpu.memory_space<vmem>>
        %dma_wait3A_218 = arith.constant 0 : i32
        %dma_wait3A_219 = arith.constant 0 : i32
        %dma_wait3A_220 = tpu.memref_slice %arg10[%dma_wait3A_218, %dma_wait3A_219] : memref<10112x128xf32, #tpu.memory_space<vmem_shared>> -> memref<10112x128xf32, #tpu.memory_space<vmem_shared>>
        tpu.wait_indirect_dma semaphore(%run_scoped3A_202 : memref<!tpu.dma_semaphore, #tpu.memory_space<semaphore_mem>>) src(%dma_wait3A_214 : memref<128x128xf32, #tpu.memory_space<vmem>>) dst(%dma_wait3A_220 : memref<10112x128xf32, #tpu.memory_space<vmem_shared>>)
        tpu.yield
      }) : () -> ()
      %add3A_185 = arith.constant 1 : i32
      %add3A_186 = arith.addi %mul3A_139, %add3A_185 : i32
      %add3A_187 = arith.constant 2 : i32
      %add3A_188 = arith.addi %add3A_186, %add3A_187 : i32
      %add3A_189 = arith.addi %add3A_76, %add3A_188 : i32
      %mul3A_190 = arith.constant 128 : i32
      %mul3A_191 = arith.muli %add3A_189, %mul3A_190 : i32
      %dma_start3A_192 = arith.constant 128 : i32
      %dma_start3A_193 = arith.constant 0 : i32
      %dma_start3A_194 = tpu.memref_slice %arg9[%dma_start3A_192, %dma_start3A_193] : memref<256x128xf32, #tpu.memory_space<vmem>> -> memref<128x128xf32, #tpu.memory_space<vmem>>
      %dma_start3A_195 = arith.constant 0 : i32
      %dma_start3A_196 = tpu.memref_slice %arg7[%mul3A_191, %dma_start3A_195] : memref<327680x128xf32, #tpu.memory_space<hbm>> -> memref<128x128xf32, #tpu.memory_space<hbm>>
      %dma_start3A_197 = arith.constant 128 : i32
      %dma_start3A_198 = arith.constant 0 : i32
      %dma_start3A_199 = tpu.memref_slice %arg9[%dma_start3A_197, %dma_start3A_198] : memref<256x128xf32, #tpu.memory_space<vmem>> -> memref<128x128xf32, #tpu.memory_space<vmem>>
      %dma_start3A_200 = arith.constant 0 : i32
      %dma_start3A_201 = tpu.memref_slice %arg7[%mul3A_191, %dma_start3A_200] : memref<327680x128xf32, #tpu.memory_space<hbm>> -> memref<128x128xf32, #tpu.memory_space<hbm>>
      tpu.enqueue_dma source(%dma_start3A_201 : memref<128x128xf32, #tpu.memory_space<hbm>>) target(%dma_start3A_199 : memref<128x128xf32, #tpu.memory_space<vmem>>) target_semaphore(%arg12 : memref<!tpu.dma_semaphore, #tpu.memory_space<semaphore_mem>>)
    }
    %scan3A_110 = arith.constant 39 : i32
    %dma_wait3A_111 = arith.constant 0 : i32
    %dma_wait3A_112 = arith.constant 0 : i32
    %dma_wait3A_113 = tpu.memref_slice %arg9[%dma_wait3A_111, %dma_wait3A_112] : memref<256x128xf32, #tpu.memory_space<vmem>> -> memref<128x128xf32, #tpu.memory_space<vmem>>
    %dma_wait3A_114 = arith.constant 0 : i32
    %dma_wait3A_115 = arith.constant 0 : i32
    %dma_wait3A_116 = tpu.memref_slice %arg7[%dma_wait3A_114, %dma_wait3A_115] : memref<327680x128xf32, #tpu.memory_space<hbm>> -> memref<128x128xf32, #tpu.memory_space<hbm>>
    %dma_wait3A_117 = arith.constant 0 : i32
    %dma_wait3A_118 = arith.constant 0 : i32
    %dma_wait3A_119 = tpu.memref_slice %arg9[%dma_wait3A_117, %dma_wait3A_118] : memref<256x128xf32, #tpu.memory_space<vmem>> -> memref<128x128xf32, #tpu.memory_space<vmem>>
    %dma_wait3A_120 = arith.constant 0 : i32
    %dma_wait3A_121 = arith.constant 0 : i32
    %dma_wait3A_122 = tpu.memref_slice %arg7[%dma_wait3A_120, %dma_wait3A_121] : memref<327680x128xf32, #tpu.memory_space<hbm>> -> memref<128x128xf32, #tpu.memory_space<hbm>>
    tpu.wait_dma2 semaphore(%arg11 : memref<!tpu.dma_semaphore, #tpu.memory_space<semaphore_mem>>) src(%dma_wait3A_122 : memref<128x128xf32, #tpu.memory_space<hbm>>) dst(%dma_wait3A_119 : memref<128x128xf32, #tpu.memory_space<vmem>>)
    %run_scoped3A = arith.constant 78 : i32
    "tpu.region"() ({
      %run_scoped3A_137 = tpu.sem_alloc : memref<!tpu.dma_semaphore, #tpu.memory_space<semaphore_mem>>
      %dma_start3A_138 = arith.constant 0 : i32
      %dma_start3A_139 = arith.constant 0 : i32
      %dma_start3A_140 = tpu.memref_slice %arg9[%dma_start3A_138, %dma_start3A_139] : memref<256x128xf32, #tpu.memory_space<vmem>> -> memref<128x128xf32, #tpu.memory_space<vmem>>
      %dma_start3A_141 = arith.constant 0 : i32
      %dma_start3A_142 = tpu.memref_slice %arg8[%run_scoped3A, %dma_start3A_141] : memref<80x128xi32, #tpu.memory_space<vmem>> -> memref<1x128xi32, #tpu.memory_space<vmem>>
      %dma_start3A_143 = tpu.memref_squeeze %dma_start3A_142 : memref<1x128xi32, #tpu.memory_space<vmem>> -> memref<128xi32, #tpu.memory_space<vmem>>
      %dma_start3A_144 = arith.constant 0 : i32
      %dma_start3A_145 = arith.constant 0 : i32
      %dma_start3A_146 = tpu.memref_slice %arg10[%dma_start3A_144, %dma_start3A_145] : memref<10112x128xf32, #tpu.memory_space<vmem_shared>> -> memref<10112x128xf32, #tpu.memory_space<vmem_shared>>
      tpu.enqueue_indirect_dma source(%dma_start3A_140 : memref<128x128xf32, #tpu.memory_space<vmem>>) target(%dma_start3A_146 : memref<10112x128xf32, #tpu.memory_space<vmem_shared>>) offsets(%dma_start3A_143 : memref<128xi32, #tpu.memory_space<vmem>>) semaphore(%run_scoped3A_137 : memref<!tpu.dma_semaphore, #tpu.memory_space<semaphore_mem>>) {add = true}
      %dma_wait3A_147 = arith.constant 0 : i32
      %dma_wait3A_148 = arith.constant 0 : i32
      %dma_wait3A_149 = tpu.memref_slice %arg9[%dma_wait3A_147, %dma_wait3A_148] : memref<256x128xf32, #tpu.memory_space<vmem>> -> memref<128x128xf32, #tpu.memory_space<vmem>>
      %dma_wait3A_150 = arith.constant 0 : i32
      %dma_wait3A_151 = tpu.memref_slice %arg8[%run_scoped3A, %dma_wait3A_150] : memref<80x128xi32, #tpu.memory_space<vmem>> -> memref<1x128xi32, #tpu.memory_space<vmem>>
      %dma_wait3A_152 = tpu.memref_squeeze %dma_wait3A_151 : memref<1x128xi32, #tpu.memory_space<vmem>> -> memref<128xi32, #tpu.memory_space<vmem>>
      %dma_wait3A_153 = arith.constant 0 : i32
      %dma_wait3A_154 = arith.constant 0 : i32
      %dma_wait3A_155 = tpu.memref_slice %arg10[%dma_wait3A_153, %dma_wait3A_154] : memref<10112x128xf32, #tpu.memory_space<vmem_shared>> -> memref<10112x128xf32, #tpu.memory_space<vmem_shared>>
      tpu.wait_indirect_dma semaphore(%run_scoped3A_137 : memref<!tpu.dma_semaphore, #tpu.memory_space<semaphore_mem>>) src(%dma_wait3A_149 : memref<128x128xf32, #tpu.memory_space<vmem>>) dst(%dma_wait3A_155 : memref<10112x128xf32, #tpu.memory_space<vmem_shared>>)
      tpu.yield
    }) : () -> ()
    %dma_wait3A_123 = arith.constant 128 : i32
    %dma_wait3A_124 = arith.constant 0 : i32
    %dma_wait3A_125 = tpu.memref_slice %arg9[%dma_wait3A_123, %dma_wait3A_124] : memref<256x128xf32, #tpu.memory_space<vmem>> -> memref<128x128xf32, #tpu.memory_space<vmem>>
    %dma_wait3A_126 = arith.constant 0 : i32
    %dma_wait3A_127 = arith.constant 0 : i32
    %dma_wait3A_128 = tpu.memref_slice %arg7[%dma_wait3A_126, %dma_wait3A_127] : memref<327680x128xf32, #tpu.memory_space<hbm>> -> memref<128x128xf32, #tpu.memory_space<hbm>>
    %dma_wait3A_129 = arith.constant 128 : i32
    %dma_wait3A_130 = arith.constant 0 : i32
    %dma_wait3A_131 = tpu.memref_slice %arg9[%dma_wait3A_129, %dma_wait3A_130] : memref<256x128xf32, #tpu.memory_space<vmem>> -> memref<128x128xf32, #tpu.memory_space<vmem>>
    %dma_wait3A_132 = arith.constant 0 : i32
    %dma_wait3A_133 = arith.constant 0 : i32
    %dma_wait3A_134 = tpu.memref_slice %arg7[%dma_wait3A_132, %dma_wait3A_133] : memref<327680x128xf32, #tpu.memory_space<hbm>> -> memref<128x128xf32, #tpu.memory_space<hbm>>
    tpu.wait_dma2 semaphore(%arg12 : memref<!tpu.dma_semaphore, #tpu.memory_space<semaphore_mem>>) src(%dma_wait3A_134 : memref<128x128xf32, #tpu.memory_space<hbm>>) dst(%dma_wait3A_131 : memref<128x128xf32, #tpu.memory_space<vmem>>)
    %run_scoped3A_135 = arith.constant 79 : i32
    "tpu.region"() ({
      %run_scoped3A_137 = tpu.sem_alloc : memref<!tpu.dma_semaphore, #tpu.memory_space<semaphore_mem>>
      %dma_start3A_138 = arith.constant 128 : i32
      %dma_start3A_139 = arith.constant 0 : i32
      %dma_start3A_140 = tpu.memref_slice %arg9[%dma_start3A_138, %dma_start3A_139] : memref<256x128xf32, #tpu.memory_space<vmem>> -> memref<128x128xf32, #tpu.memory_space<vmem>>
      %dma_start3A_141 = arith.constant 0 : i32
      %dma_start3A_142 = tpu.memref_slice %arg8[%run_scoped3A_135, %dma_start3A_141] : memref<80x128xi32, #tpu.memory_space<vmem>> -> memref<1x128xi32, #tpu.memory_space<vmem>>
      %dma_start3A_143 = tpu.memref_squeeze %dma_start3A_142 : memref<1x128xi32, #tpu.memory_space<vmem>> -> memref<128xi32, #tpu.memory_space<vmem>>
      %dma_start3A_144 = arith.constant 0 : i32
      %dma_start3A_145 = arith.constant 0 : i32
      %dma_start3A_146 = tpu.memref_slice %arg10[%dma_start3A_144, %dma_start3A_145] : memref<10112x128xf32, #tpu.memory_space<vmem_shared>> -> memref<10112x128xf32, #tpu.memory_space<vmem_shared>>
      tpu.enqueue_indirect_dma source(%dma_start3A_140 : memref<128x128xf32, #tpu.memory_space<vmem>>) target(%dma_start3A_146 : memref<10112x128xf32, #tpu.memory_space<vmem_shared>>) offsets(%dma_start3A_143 : memref<128xi32, #tpu.memory_space<vmem>>) semaphore(%run_scoped3A_137 : memref<!tpu.dma_semaphore, #tpu.memory_space<semaphore_mem>>) {add = true}
      %dma_wait3A_147 = arith.constant 128 : i32
      %dma_wait3A_148 = arith.constant 0 : i32
      %dma_wait3A_149 = tpu.memref_slice %arg9[%dma_wait3A_147, %dma_wait3A_148] : memref<256x128xf32, #tpu.memory_space<vmem>> -> memref<128x128xf32, #tpu.memory_space<vmem>>
      %dma_wait3A_150 = arith.constant 0 : i32
      %dma_wait3A_151 = tpu.memref_slice %arg8[%run_scoped3A_135, %dma_wait3A_150] : memref<80x128xi32, #tpu.memory_space<vmem>> -> memref<1x128xi32, #tpu.memory_space<vmem>>
      %dma_wait3A_152 = tpu.memref_squeeze %dma_wait3A_151 : memref<1x128xi32, #tpu.memory_space<vmem>> -> memref<128xi32, #tpu.memory_space<vmem>>
      %dma_wait3A_153 = arith.constant 0 : i32
      %dma_wait3A_154 = arith.constant 0 : i32
      %dma_wait3A_155 = tpu.memref_slice %arg10[%dma_wait3A_153, %dma_wait3A_154] : memref<10112x128xf32, #tpu.memory_space<vmem_shared>> -> memref<10112x128xf32, #tpu.memory_space<vmem_shared>>
      tpu.wait_indirect_dma semaphore(%run_scoped3A_137 : memref<!tpu.dma_semaphore, #tpu.memory_space<semaphore_mem>>) src(%dma_wait3A_149 : memref<128x128xf32, #tpu.memory_space<vmem>>) dst(%dma_wait3A_155 : memref<10112x128xf32, #tpu.memory_space<vmem_shared>>)
      tpu.yield
    }) : () -> ()
    %barrier3A_136 = arith.constant 0 : index
    tpu.barrier barrier_id(%barrier3A_136)
    "tpu.region"() ({
      %run_scoped3A_137 = tpu.sem_alloc : memref<!tpu.dma_semaphore, #tpu.memory_space<semaphore_mem>>
      %dma_start3A_138 = arith.constant 0 : i32
      %dma_start3A_139 = tpu.memref_slice %arg6[%arg0, %mul3A_4, %dma_start3A_138] : memref<2x10112x128xf32, #tpu.memory_space<hbm>> -> memref<1x632x128xf32, #tpu.memory_space<hbm>>
      %dma_start3A_140 = tpu.memref_squeeze %dma_start3A_139 : memref<1x632x128xf32, #tpu.memory_space<hbm>> -> memref<632x128xf32, #tpu.memory_space<hbm>>
      %dma_start3A_141 = arith.constant 0 : i32
      %dma_start3A_142 = tpu.memref_slice %arg10[%mul3A_4, %dma_start3A_141] : memref<10112x128xf32, #tpu.memory_space<vmem_shared>> -> memref<632x128xf32, #tpu.memory_space<vmem_shared>>
      tpu.enqueue_dma source(%dma_start3A_142 : memref<632x128xf32, #tpu.memory_space<vmem_shared>>) target(%dma_start3A_140 : memref<632x128xf32, #tpu.memory_space<hbm>>) target_semaphore(%run_scoped3A_137 : memref<!tpu.dma_semaphore, #tpu.memory_space<semaphore_mem>>)
      %dma_wait3A_143 = arith.constant 0 : i32
      %dma_wait3A_144 = tpu.memref_slice %arg6[%arg0, %mul3A_4, %dma_wait3A_143] : memref<2x10112x128xf32, #tpu.memory_space<hbm>> -> memref<1x632x128xf32, #tpu.memory_space<hbm>>
      %dma_wait3A_145 = tpu.memref_squeeze %dma_wait3A_144 : memref<1x632x128xf32, #tpu.memory_space<hbm>> -> memref<632x128xf32, #tpu.memory_space<hbm>>
      %dma_wait3A_146 = arith.constant 0 : i32
      %dma_wait3A_147 = tpu.memref_slice %arg10[%mul3A_4, %dma_wait3A_146] : memref<10112x128xf32, #tpu.memory_space<vmem_shared>> -> memref<632x128xf32, #tpu.memory_space<vmem_shared>>
      tpu.wait_dma2 semaphore(%run_scoped3A_137 : memref<!tpu.dma_semaphore, #tpu.memory_space<semaphore_mem>>) src(%dma_wait3A_147 : memref<632x128xf32, #tpu.memory_space<vmem_shared>>) dst(%dma_wait3A_145 : memref<632x128xf32, #tpu.memory_space<hbm>>)
      tpu.yield
    }) : () -> ()
    return
  }
}

#map = affine_map<(d0, d1) -> (0, 0)>
#map1 = affine_map<(d0, d1) -> (0, 0, 0)>
module attributes {stable_mosaic.version = 14 : i64} {
  func.func @_sc_segment_sum(%arg0: i32, %arg1: i32, %arg2: memref<2560x128xi32, #tpu.memory_space<hbm>>, %arg3: memref<2560x128xi32, #tpu.memory_space<hbm>>, %arg4: memref<10112x128xf32, #tpu.memory_space<hbm>>, %arg5: memref<632x128xf32, #tpu.memory_space<hbm>>, %arg6: memref<2x10112x128xf32, #tpu.memory_space<hbm>>, %arg7: memref<327680x128xf32, #tpu.memory_space<hbm>>, %arg8: memref<80x128xi32, #tpu.memory_space<vmem>>, %arg9: memref<256x128xf32, #tpu.memory_space<vmem>>, %arg10: memref<10112x128xf32, #tpu.memory_space<vmem_shared>>, %arg11: memref<!tpu.dma_semaphore, #tpu.memory_space<semaphore_mem>>, %arg12: memref<!tpu.dma_semaphore, #tpu.memory_space<semaphore_mem>>) attributes {dimension_semantics = [#tpu.dimension_semantics<core_parallel>, #tpu.dimension_semantics<subcore_parallel>], iteration_bounds = array<i64: 2, 16>, scalar_prefetch = 0 : i64, scratch_operands = 5 : i64, tpu.core_type = #tpu.core_type<sc_vector_subcore>, window_params = [{transform_indices = #map}, {transform_indices = #map}, {transform_indices = #map}, {transform_indices = #map}, {transform_indices = #map1}, {transform_indices = #map}]} {
    %mul3A = arith.constant 2 : i32
    %mul3A_0 = arith.muli %arg1, %mul3A : i32
    %add3A = arith.addi %mul3A_0, %arg0 : i32
    %mul3A_1 = arith.constant 80 : i32
    %mul3A_2 = arith.muli %add3A, %mul3A_1 : i32
    %mul3A_3 = arith.constant 632 : i32
    %mul3A_4 = arith.muli %arg1, %mul3A_3 : i32
    %dma_start3A = arith.constant 0 : i32
    %dma_start3A_5 = tpu.memref_slice %arg10[%mul3A_4, %dma_start3A] : memref<10112x128xf32, #tpu.memory_space<vmem_shared>> -> memref<632x128xf32, #tpu.memory_space<vmem_shared>>
    %dma_start3A_6 = arith.constant 0 : i32
    %dma_start3A_7 = tpu.memref_slice %arg4[%mul3A_4, %dma_start3A_6] : memref<10112x128xf32, #tpu.memory_space<hbm>> -> memref<632x128xf32, #tpu.memory_space<hbm>>
    tpu.enqueue_dma source(%dma_start3A_7 : memref<632x128xf32, #tpu.memory_space<hbm>>) target(%dma_start3A_5 : memref<632x128xf32, #tpu.memory_space<vmem_shared>>) target_semaphore(%arg11 : memref<!tpu.dma_semaphore, #tpu.memory_space<semaphore_mem>>)
    %add3A_8 = arith.constant 0 : i32
    %add3A_9 = arith.addi %mul3A_2, %add3A_8 : i32
    "tpu.region"() ({
      %run_scoped3A_137 = tpu.sem_alloc : memref<!tpu.dma_semaphore, #tpu.memory_space<semaphore_mem>>
      %dma_start3A_138 = arith.constant 0 : i32
      %dma_start3A_139 = tpu.memref_slice %arg2[%add3A_9, %dma_start3A_138] : memref<2560x128xi32, #tpu.memory_space<hbm>> -> memref<80x128xi32, #tpu.memory_space<hbm>>
      %dma_start3A_140 = arith.constant 0 : i32
      %dma_start3A_141 = tpu.memref_slice %arg2[%add3A_9, %dma_start3A_140] : memref<2560x128xi32, #tpu.memory_space<hbm>> -> memref<80x128xi32, #tpu.memory_space<hbm>>
      tpu.enqueue_dma source(%dma_start3A_141 : memref<80x128xi32, #tpu.memory_space<hbm>>) target(%arg8 : memref<80x128xi32, #tpu.memory_space<vmem>>) target_semaphore(%run_scoped3A_137 : memref<!tpu.dma_semaphore, #tpu.memory_space<semaphore_mem>>)
      %dma_wait3A_142 = arith.constant 0 : i32
      %dma_wait3A_143 = tpu.memref_slice %arg2[%add3A_9, %dma_wait3A_142] : memref<2560x128xi32, #tpu.memory_space<hbm>> -> memref<80x128xi32, #tpu.memory_space<hbm>>
      %dma_wait3A_144 = arith.constant 0 : i32
      %dma_wait3A_145 = tpu.memref_slice %arg2[%add3A_9, %dma_wait3A_144] : memref<2560x128xi32, #tpu.memory_space<hbm>> -> memref<80x128xi32, #tpu.memory_space<hbm>>
      tpu.wait_dma2 semaphore(%run_scoped3A_137 : memref<!tpu.dma_semaphore, #tpu.memory_space<semaphore_mem>>) src(%dma_wait3A_145 : memref<80x128xi32, #tpu.memory_space<hbm>>) dst(%arg8 : memref<80x128xi32, #tpu.memory_space<vmem>>)
      tpu.yield
    }) : () -> ()
    %dma_wait3A = arith.constant 0 : i32
    %dma_wait3A_10 = tpu.memref_slice %arg10[%mul3A_4, %dma_wait3A] : memref<10112x128xf32, #tpu.memory_space<vmem_shared>> -> memref<632x128xf32, #tpu.memory_space<vmem_shared>>
    %dma_wait3A_11 = arith.constant 0 : i32
    %dma_wait3A_12 = tpu.memref_slice %arg4[%mul3A_4, %dma_wait3A_11] : memref<10112x128xf32, #tpu.memory_space<hbm>> -> memref<632x128xf32, #tpu.memory_space<hbm>>
    tpu.wait_dma2 semaphore(%arg11 : memref<!tpu.dma_semaphore, #tpu.memory_space<semaphore_mem>>) src(%dma_wait3A_12 : memref<632x128xf32, #tpu.memory_space<hbm>>) dst(%dma_wait3A_10 : memref<632x128xf32, #tpu.memory_space<vmem_shared>>)
    %barrier3A = arith.constant 0 : index
    tpu.barrier barrier_id(%barrier3A)
    %dma_start3A_13 = arith.constant 0 : i32
    %dma_start3A_14 = arith.constant 0 : i32
    %dma_start3A_15 = arith.constant 0 : i32
    %dma_start3A_16 = tpu.memref_slice %arg9[%dma_start3A_14, %dma_start3A_15] : memref<256x128xf32, #tpu.memory_space<vmem>> -> memref<128x128xf32, #tpu.memory_space<vmem>>
    %dma_start3A_17 = arith.constant 0 : i32
    %dma_start3A_18 = tpu.memref_slice %arg8[%dma_start3A_13, %dma_start3A_17] : memref<80x128xi32, #tpu.memory_space<vmem>> -> memref<1x128xi32, #tpu.memory_space<vmem>>
    %dma_start3A_19 = tpu.memref_squeeze %dma_start3A_18 : memref<1x128xi32, #tpu.memory_space<vmem>> -> memref<128xi32, #tpu.memory_space<vmem>>
    %dma_start3A_20 = arith.constant 0 : i32
    %dma_start3A_21 = arith.constant 0 : i32
    %dma_start3A_22 = tpu.memref_slice %arg10[%dma_start3A_20, %dma_start3A_21] : memref<10112x128xf32, #tpu.memory_space<vmem_shared>> -> memref<10112x128xf32, #tpu.memory_space<vmem_shared>>
    tpu.enqueue_indirect_dma source(%dma_start3A_22 : memref<10112x128xf32, #tpu.memory_space<vmem_shared>>) target(%dma_start3A_16 : memref<128x128xf32, #tpu.memory_space<vmem>>) offsets(%dma_start3A_19 : memref<128xi32, #tpu.memory_space<vmem>>) semaphore(%arg11 : memref<!tpu.dma_semaphore, #tpu.memory_space<semaphore_mem>>)
    %dma_start3A_23 = arith.constant 1 : i32
    %dma_start3A_24 = arith.constant 128 : i32
    %dma_start3A_25 = arith.constant 0 : i32
    %dma_start3A_26 = tpu.memref_slice %arg9[%dma_start3A_24, %dma_start3A_25] : memref<256x128xf32, #tpu.memory_space<vmem>> -> memref<128x128xf32, #tpu.memory_space<vmem>>
    %dma_start3A_27 = arith.constant 0 : i32
    %dma_start3A_28 = tpu.memref_slice %arg8[%dma_start3A_23, %dma_start3A_27] : memref<80x128xi32, #tpu.memory_space<vmem>> -> memref<1x128xi32, #tpu.memory_space<vmem>>
    %dma_start3A_29 = tpu.memref_squeeze %dma_start3A_28 : memref<1x128xi32, #tpu.memory_space<vmem>> -> memref<128xi32, #tpu.memory_space<vmem>>
    %dma_start3A_30 = arith.constant 0 : i32
    %dma_start3A_31 = arith.constant 0 : i32
    %dma_start3A_32 = tpu.memref_slice %arg10[%dma_start3A_30, %dma_start3A_31] : memref<10112x128xf32, #tpu.memory_space<vmem_shared>> -> memref<10112x128xf32, #tpu.memory_space<vmem_shared>>
    tpu.enqueue_indirect_dma source(%dma_start3A_32 : memref<10112x128xf32, #tpu.memory_space<vmem_shared>>) target(%dma_start3A_26 : memref<128x128xf32, #tpu.memory_space<vmem>>) offsets(%dma_start3A_29 : memref<128xi32, #tpu.memory_space<vmem>>) semaphore(%arg12 : memref<!tpu.dma_semaphore, #tpu.memory_space<semaphore_mem>>)
    %scan3A = arith.constant 0 : i32
    %scan3A_33 = arith.constant 0 : i32
    %scan3A_34 = arith.constant 39 : i32
    %scan3A_35 = arith.addi %scan3A_33, %scan3A_34 : i32
    %scan3A_36 = arith.constant 1 : i32
    scf.for %scan3A_137 = %scan3A_33 to %scan3A_35 step %scan3A_36  : i32 {
      %mul3A_138 = arith.constant 2 : i32
      %mul3A_139 = arith.muli %mul3A_138, %scan3A_137 : i32
      %dma_wait3A_140 = arith.constant 0 : i32
      %dma_wait3A_141 = arith.constant 0 : i32
      %dma_wait3A_142 = tpu.memref_slice %arg9[%dma_wait3A_140, %dma_wait3A_141] : memref<256x128xf32, #tpu.memory_space<vmem>> -> memref<128x128xf32, #tpu.memory_space<vmem>>
      %dma_wait3A_143 = arith.constant 0 : i32
      %dma_wait3A_144 = arith.constant 0 : i32
      %dma_wait3A_145 = tpu.memref_slice %arg10[%dma_wait3A_143, %dma_wait3A_144] : memref<10112x128xf32, #tpu.memory_space<vmem_shared>> -> memref<128x128xf32, #tpu.memory_space<vmem_shared>>
      %dma_wait3A_146 = arith.constant 0 : i32
      %dma_wait3A_147 = arith.constant 0 : i32
      %dma_wait3A_148 = tpu.memref_slice %arg9[%dma_wait3A_146, %dma_wait3A_147] : memref<256x128xf32, #tpu.memory_space<vmem>> -> memref<128x128xf32, #tpu.memory_space<vmem>>
      %dma_wait3A_149 = arith.constant 0 : i32
      %dma_wait3A_150 = arith.constant 0 : i32
      %dma_wait3A_151 = tpu.memref_slice %arg10[%dma_wait3A_149, %dma_wait3A_150] : memref<10112x128xf32, #tpu.memory_space<vmem_shared>> -> memref<128x128xf32, #tpu.memory_space<vmem_shared>>
      tpu.wait_dma2 semaphore(%arg11 : memref<!tpu.dma_semaphore, #tpu.memory_space<semaphore_mem>>) src(%dma_wait3A_151 : memref<128x128xf32, #tpu.memory_space<vmem_shared>>) dst(%dma_wait3A_148 : memref<128x128xf32, #tpu.memory_space<vmem>>)
      %add3A_152 = arith.constant 0 : i32
      %add3A_153 = arith.addi %mul3A_139, %add3A_152 : i32
      %add3A_154 = arith.addi %add3A_9, %add3A_153 : i32
      %mul3A_155 = arith.constant 128 : i32
      %mul3A_156 = arith.muli %add3A_154, %mul3A_155 : i32
      "tpu.region"() ({
        %run_scoped3A_200 = tpu.sem_alloc : memref<!tpu.dma_semaphore, #tpu.memory_space<semaphore_mem>>
        %dma_start3A_201 = arith.constant 0 : i32
        %dma_start3A_202 = arith.constant 0 : i32
        %dma_start3A_203 = tpu.memref_slice %arg9[%dma_start3A_201, %dma_start3A_202] : memref<256x128xf32, #tpu.memory_space<vmem>> -> memref<128x128xf32, #tpu.memory_space<vmem>>
        %dma_start3A_204 = arith.constant 0 : i32
        %dma_start3A_205 = tpu.memref_slice %arg7[%mul3A_156, %dma_start3A_204] : memref<327680x128xf32, #tpu.memory_space<hbm>> -> memref<128x128xf32, #tpu.memory_space<hbm>>
        %dma_start3A_206 = arith.constant 0 : i32
        %dma_start3A_207 = tpu.memref_slice %arg7[%mul3A_156, %dma_start3A_206] : memref<327680x128xf32, #tpu.memory_space<hbm>> -> memref<128x128xf32, #tpu.memory_space<hbm>>
        %dma_start3A_208 = arith.constant 0 : i32
        %dma_start3A_209 = arith.constant 0 : i32
        %dma_start3A_210 = tpu.memref_slice %arg9[%dma_start3A_208, %dma_start3A_209] : memref<256x128xf32, #tpu.memory_space<vmem>> -> memref<128x128xf32, #tpu.memory_space<vmem>>
        tpu.enqueue_dma source(%dma_start3A_210 : memref<128x128xf32, #tpu.memory_space<vmem>>) target(%dma_start3A_207 : memref<128x128xf32, #tpu.memory_space<hbm>>) target_semaphore(%run_scoped3A_200 : memref<!tpu.dma_semaphore, #tpu.memory_space<semaphore_mem>>)
        %dma_wait3A_211 = arith.constant 0 : i32
        %dma_wait3A_212 = arith.constant 0 : i32
        %dma_wait3A_213 = tpu.memref_slice %arg9[%dma_wait3A_211, %dma_wait3A_212] : memref<256x128xf32, #tpu.memory_space<vmem>> -> memref<128x128xf32, #tpu.memory_space<vmem>>
        %dma_wait3A_214 = arith.constant 0 : i32
        %dma_wait3A_215 = tpu.memref_slice %arg7[%mul3A_156, %dma_wait3A_214] : memref<327680x128xf32, #tpu.memory_space<hbm>> -> memref<128x128xf32, #tpu.memory_space<hbm>>
        %dma_wait3A_216 = arith.constant 0 : i32
        %dma_wait3A_217 = tpu.memref_slice %arg7[%mul3A_156, %dma_wait3A_216] : memref<327680x128xf32, #tpu.memory_space<hbm>> -> memref<128x128xf32, #tpu.memory_space<hbm>>
        %dma_wait3A_218 = arith.constant 0 : i32
        %dma_wait3A_219 = arith.constant 0 : i32
        %dma_wait3A_220 = tpu.memref_slice %arg9[%dma_wait3A_218, %dma_wait3A_219] : memref<256x128xf32, #tpu.memory_space<vmem>> -> memref<128x128xf32, #tpu.memory_space<vmem>>
        tpu.wait_dma2 semaphore(%run_scoped3A_200 : memref<!tpu.dma_semaphore, #tpu.memory_space<semaphore_mem>>) src(%dma_wait3A_220 : memref<128x128xf32, #tpu.memory_space<vmem>>) dst(%dma_wait3A_217 : memref<128x128xf32, #tpu.memory_space<hbm>>)
        tpu.yield
      }) : () -> ()
      %add3A_157 = arith.constant 0 : i32
      %add3A_158 = arith.addi %mul3A_139, %add3A_157 : i32
      %add3A_159 = arith.constant 2 : i32
      %add3A_160 = arith.addi %add3A_158, %add3A_159 : i32
      %dma_start3A_161 = arith.constant 0 : i32
      %dma_start3A_162 = arith.constant 0 : i32
      %dma_start3A_163 = tpu.memref_slice %arg9[%dma_start3A_161, %dma_start3A_162] : memref<256x128xf32, #tpu.memory_space<vmem>> -> memref<128x128xf32, #tpu.memory_space<vmem>>
      %dma_start3A_164 = arith.constant 0 : i32
      %dma_start3A_165 = tpu.memref_slice %arg8[%add3A_160, %dma_start3A_164] : memref<80x128xi32, #tpu.memory_space<vmem>> -> memref<1x128xi32, #tpu.memory_space<vmem>>
      %dma_start3A_166 = tpu.memref_squeeze %dma_start3A_165 : memref<1x128xi32, #tpu.memory_space<vmem>> -> memref<128xi32, #tpu.memory_space<vmem>>
      %dma_start3A_167 = arith.constant 0 : i32
      %dma_start3A_168 = arith.constant 0 : i32
      %dma_start3A_169 = tpu.memref_slice %arg10[%dma_start3A_167, %dma_start3A_168] : memref<10112x128xf32, #tpu.memory_space<vmem_shared>> -> memref<10112x128xf32, #tpu.memory_space<vmem_shared>>
      tpu.enqueue_indirect_dma source(%dma_start3A_169 : memref<10112x128xf32, #tpu.memory_space<vmem_shared>>) target(%dma_start3A_163 : memref<128x128xf32, #tpu.memory_space<vmem>>) offsets(%dma_start3A_166 : memref<128xi32, #tpu.memory_space<vmem>>) semaphore(%arg11 : memref<!tpu.dma_semaphore, #tpu.memory_space<semaphore_mem>>)
      %dma_wait3A_170 = arith.constant 128 : i32
      %dma_wait3A_171 = arith.constant 0 : i32
      %dma_wait3A_172 = tpu.memref_slice %arg9[%dma_wait3A_170, %dma_wait3A_171] : memref<256x128xf32, #tpu.memory_space<vmem>> -> memref<128x128xf32, #tpu.memory_space<vmem>>
      %dma_wait3A_173 = arith.constant 0 : i32
      %dma_wait3A_174 = arith.constant 0 : i32
      %dma_wait3A_175 = tpu.memref_slice %arg10[%dma_wait3A_173, %dma_wait3A_174] : memref<10112x128xf32, #tpu.memory_space<vmem_shared>> -> memref<128x128xf32, #tpu.memory_space<vmem_shared>>
      %dma_wait3A_176 = arith.constant 128 : i32
      %dma_wait3A_177 = arith.constant 0 : i32
      %dma_wait3A_178 = tpu.memref_slice %arg9[%dma_wait3A_176, %dma_wait3A_177] : memref<256x128xf32, #tpu.memory_space<vmem>> -> memref<128x128xf32, #tpu.memory_space<vmem>>
      %dma_wait3A_179 = arith.constant 0 : i32
      %dma_wait3A_180 = arith.constant 0 : i32
      %dma_wait3A_181 = tpu.memref_slice %arg10[%dma_wait3A_179, %dma_wait3A_180] : memref<10112x128xf32, #tpu.memory_space<vmem_shared>> -> memref<128x128xf32, #tpu.memory_space<vmem_shared>>
      tpu.wait_dma2 semaphore(%arg12 : memref<!tpu.dma_semaphore, #tpu.memory_space<semaphore_mem>>) src(%dma_wait3A_181 : memref<128x128xf32, #tpu.memory_space<vmem_shared>>) dst(%dma_wait3A_178 : memref<128x128xf32, #tpu.memory_space<vmem>>)
      %add3A_182 = arith.constant 1 : i32
      %add3A_183 = arith.addi %mul3A_139, %add3A_182 : i32
      %add3A_184 = arith.addi %add3A_9, %add3A_183 : i32
      %mul3A_185 = arith.constant 128 : i32
      %mul3A_186 = arith.muli %add3A_184, %mul3A_185 : i32
      "tpu.region"() ({
        %run_scoped3A_200 = tpu.sem_alloc : memref<!tpu.dma_semaphore, #tpu.memory_space<semaphore_mem>>
        %dma_start3A_201 = arith.constant 128 : i32
        %dma_start3A_202 = arith.constant 0 : i32
        %dma_start3A_203 = tpu.memref_slice %arg9[%dma_start3A_201, %dma_start3A_202] : memref<256x128xf32, #tpu.memory_space<vmem>> -> memref<128x128xf32, #tpu.memory_space<vmem>>
        %dma_start3A_204 = arith.constant 0 : i32
        %dma_start3A_205 = tpu.memref_slice %arg7[%mul3A_186, %dma_start3A_204] : memref<327680x128xf32, #tpu.memory_space<hbm>> -> memref<128x128xf32, #tpu.memory_space<hbm>>
        %dma_start3A_206 = arith.constant 0 : i32
        %dma_start3A_207 = tpu.memref_slice %arg7[%mul3A_186, %dma_start3A_206] : memref<327680x128xf32, #tpu.memory_space<hbm>> -> memref<128x128xf32, #tpu.memory_space<hbm>>
        %dma_start3A_208 = arith.constant 128 : i32
        %dma_start3A_209 = arith.constant 0 : i32
        %dma_start3A_210 = tpu.memref_slice %arg9[%dma_start3A_208, %dma_start3A_209] : memref<256x128xf32, #tpu.memory_space<vmem>> -> memref<128x128xf32, #tpu.memory_space<vmem>>
        tpu.enqueue_dma source(%dma_start3A_210 : memref<128x128xf32, #tpu.memory_space<vmem>>) target(%dma_start3A_207 : memref<128x128xf32, #tpu.memory_space<hbm>>) target_semaphore(%run_scoped3A_200 : memref<!tpu.dma_semaphore, #tpu.memory_space<semaphore_mem>>)
        %dma_wait3A_211 = arith.constant 128 : i32
        %dma_wait3A_212 = arith.constant 0 : i32
        %dma_wait3A_213 = tpu.memref_slice %arg9[%dma_wait3A_211, %dma_wait3A_212] : memref<256x128xf32, #tpu.memory_space<vmem>> -> memref<128x128xf32, #tpu.memory_space<vmem>>
        %dma_wait3A_214 = arith.constant 0 : i32
        %dma_wait3A_215 = tpu.memref_slice %arg7[%mul3A_186, %dma_wait3A_214] : memref<327680x128xf32, #tpu.memory_space<hbm>> -> memref<128x128xf32, #tpu.memory_space<hbm>>
        %dma_wait3A_216 = arith.constant 0 : i32
        %dma_wait3A_217 = tpu.memref_slice %arg7[%mul3A_186, %dma_wait3A_216] : memref<327680x128xf32, #tpu.memory_space<hbm>> -> memref<128x128xf32, #tpu.memory_space<hbm>>
        %dma_wait3A_218 = arith.constant 128 : i32
        %dma_wait3A_219 = arith.constant 0 : i32
        %dma_wait3A_220 = tpu.memref_slice %arg9[%dma_wait3A_218, %dma_wait3A_219] : memref<256x128xf32, #tpu.memory_space<vmem>> -> memref<128x128xf32, #tpu.memory_space<vmem>>
        tpu.wait_dma2 semaphore(%run_scoped3A_200 : memref<!tpu.dma_semaphore, #tpu.memory_space<semaphore_mem>>) src(%dma_wait3A_220 : memref<128x128xf32, #tpu.memory_space<vmem>>) dst(%dma_wait3A_217 : memref<128x128xf32, #tpu.memory_space<hbm>>)
        tpu.yield
      }) : () -> ()
      %add3A_187 = arith.constant 1 : i32
      %add3A_188 = arith.addi %mul3A_139, %add3A_187 : i32
      %add3A_189 = arith.constant 2 : i32
      %add3A_190 = arith.addi %add3A_188, %add3A_189 : i32
      %dma_start3A_191 = arith.constant 128 : i32
      %dma_start3A_192 = arith.constant 0 : i32
      %dma_start3A_193 = tpu.memref_slice %arg9[%dma_start3A_191, %dma_start3A_192] : memref<256x128xf32, #tpu.memory_space<vmem>> -> memref<128x128xf32, #tpu.memory_space<vmem>>
      %dma_start3A_194 = arith.constant 0 : i32
      %dma_start3A_195 = tpu.memref_slice %arg8[%add3A_190, %dma_start3A_194] : memref<80x128xi32, #tpu.memory_space<vmem>> -> memref<1x128xi32, #tpu.memory_space<vmem>>
      %dma_start3A_196 = tpu.memref_squeeze %dma_start3A_195 : memref<1x128xi32, #tpu.memory_space<vmem>> -> memref<128xi32, #tpu.memory_space<vmem>>
      %dma_start3A_197 = arith.constant 0 : i32
      %dma_start3A_198 = arith.constant 0 : i32
      %dma_start3A_199 = tpu.memref_slice %arg10[%dma_start3A_197, %dma_start3A_198] : memref<10112x128xf32, #tpu.memory_space<vmem_shared>> -> memref<10112x128xf32, #tpu.memory_space<vmem_shared>>
      tpu.enqueue_indirect_dma source(%dma_start3A_199 : memref<10112x128xf32, #tpu.memory_space<vmem_shared>>) target(%dma_start3A_193 : memref<128x128xf32, #tpu.memory_space<vmem>>) offsets(%dma_start3A_196 : memref<128xi32, #tpu.memory_space<vmem>>) semaphore(%arg12 : memref<!tpu.dma_semaphore, #tpu.memory_space<semaphore_mem>>)
    }
    %scan3A_37 = arith.constant 39 : i32
    %dma_wait3A_38 = arith.constant 0 : i32
    %dma_wait3A_39 = arith.constant 0 : i32
    %dma_wait3A_40 = tpu.memref_slice %arg9[%dma_wait3A_38, %dma_wait3A_39] : memref<256x128xf32, #tpu.memory_space<vmem>> -> memref<128x128xf32, #tpu.memory_space<vmem>>
    %dma_wait3A_41 = arith.constant 0 : i32
    %dma_wait3A_42 = arith.constant 0 : i32
    %dma_wait3A_43 = tpu.memref_slice %arg10[%dma_wait3A_41, %dma_wait3A_42] : memref<10112x128xf32, #tpu.memory_space<vmem_shared>> -> memref<128x128xf32, #tpu.memory_space<vmem_shared>>
    %dma_wait3A_44 = arith.constant 0 : i32
    %dma_wait3A_45 = arith.constant 0 : i32
    %dma_wait3A_46 = tpu.memref_slice %arg9[%dma_wait3A_44, %dma_wait3A_45] : memref<256x128xf32, #tpu.memory_space<vmem>> -> memref<128x128xf32, #tpu.memory_space<vmem>>
    %dma_wait3A_47 = arith.constant 0 : i32
    %dma_wait3A_48 = arith.constant 0 : i32
    %dma_wait3A_49 = tpu.memref_slice %arg10[%dma_wait3A_47, %dma_wait3A_48] : memref<10112x128xf32, #tpu.memory_space<vmem_shared>> -> memref<128x128xf32, #tpu.memory_space<vmem_shared>>
    tpu.wait_dma2 semaphore(%arg11 : memref<!tpu.dma_semaphore, #tpu.memory_space<semaphore_mem>>) src(%dma_wait3A_49 : memref<128x128xf32, #tpu.memory_space<vmem_shared>>) dst(%dma_wait3A_46 : memref<128x128xf32, #tpu.memory_space<vmem>>)
    %add3A_50 = arith.constant 78 : i32
    %add3A_51 = arith.addi %add3A_9, %add3A_50 : i32
    %mul3A_52 = arith.constant 128 : i32
    %mul3A_53 = arith.muli %add3A_51, %mul3A_52 : i32
    "tpu.region"() ({
      %run_scoped3A_137 = tpu.sem_alloc : memref<!tpu.dma_semaphore, #tpu.memory_space<semaphore_mem>>
      %dma_start3A_138 = arith.constant 0 : i32
      %dma_start3A_139 = arith.constant 0 : i32
      %dma_start3A_140 = tpu.memref_slice %arg9[%dma_start3A_138, %dma_start3A_139] : memref<256x128xf32, #tpu.memory_space<vmem>> -> memref<128x128xf32, #tpu.memory_space<vmem>>
      %dma_start3A_141 = arith.constant 0 : i32
      %dma_start3A_142 = tpu.memref_slice %arg7[%mul3A_53, %dma_start3A_141] : memref<327680x128xf32, #tpu.memory_space<hbm>> -> memref<128x128xf32, #tpu.memory_space<hbm>>
      %dma_start3A_143 = arith.constant 0 : i32
      %dma_start3A_144 = tpu.memref_slice %arg7[%mul3A_53, %dma_start3A_143] : memref<327680x128xf32, #tpu.memory_space<hbm>> -> memref<128x128xf32, #tpu.memory_space<hbm>>
      %dma_start3A_145 = arith.constant 0 : i32
      %dma_start3A_146 = arith.constant 0 : i32
      %dma_start3A_147 = tpu.memref_slice %arg9[%dma_start3A_145, %dma_start3A_146] : memref<256x128xf32, #tpu.memory_space<vmem>> -> memref<128x128xf32, #tpu.memory_space<vmem>>
      tpu.enqueue_dma source(%dma_start3A_147 : memref<128x128xf32, #tpu.memory_space<vmem>>) target(%dma_start3A_144 : memref<128x128xf32, #tpu.memory_space<hbm>>) target_semaphore(%run_scoped3A_137 : memref<!tpu.dma_semaphore, #tpu.memory_space<semaphore_mem>>)
      %dma_wait3A_148 = arith.constant 0 : i32
      %dma_wait3A_149 = arith.constant 0 : i32
      %dma_wait3A_150 = tpu.memref_slice %arg9[%dma_wait3A_148, %dma_wait3A_149] : memref<256x128xf32, #tpu.memory_space<vmem>> -> memref<128x128xf32, #tpu.memory_space<vmem>>
      %dma_wait3A_151 = arith.constant 0 : i32
      %dma_wait3A_152 = tpu.memref_slice %arg7[%mul3A_53, %dma_wait3A_151] : memref<327680x128xf32, #tpu.memory_space<hbm>> -> memref<128x128xf32, #tpu.memory_space<hbm>>
      %dma_wait3A_153 = arith.constant 0 : i32
      %dma_wait3A_154 = tpu.memref_slice %arg7[%mul3A_53, %dma_wait3A_153] : memref<327680x128xf32, #tpu.memory_space<hbm>> -> memref<128x128xf32, #tpu.memory_space<hbm>>
      %dma_wait3A_155 = arith.constant 0 : i32
      %dma_wait3A_156 = arith.constant 0 : i32
      %dma_wait3A_157 = tpu.memref_slice %arg9[%dma_wait3A_155, %dma_wait3A_156] : memref<256x128xf32, #tpu.memory_space<vmem>> -> memref<128x128xf32, #tpu.memory_space<vmem>>
      tpu.wait_dma2 semaphore(%run_scoped3A_137 : memref<!tpu.dma_semaphore, #tpu.memory_space<semaphore_mem>>) src(%dma_wait3A_157 : memref<128x128xf32, #tpu.memory_space<vmem>>) dst(%dma_wait3A_154 : memref<128x128xf32, #tpu.memory_space<hbm>>)
      tpu.yield
    }) : () -> ()
    %dma_wait3A_54 = arith.constant 128 : i32
    %dma_wait3A_55 = arith.constant 0 : i32
    %dma_wait3A_56 = tpu.memref_slice %arg9[%dma_wait3A_54, %dma_wait3A_55] : memref<256x128xf32, #tpu.memory_space<vmem>> -> memref<128x128xf32, #tpu.memory_space<vmem>>
    %dma_wait3A_57 = arith.constant 0 : i32
    %dma_wait3A_58 = arith.constant 0 : i32
    %dma_wait3A_59 = tpu.memref_slice %arg10[%dma_wait3A_57, %dma_wait3A_58] : memref<10112x128xf32, #tpu.memory_space<vmem_shared>> -> memref<128x128xf32, #tpu.memory_space<vmem_shared>>
    %dma_wait3A_60 = arith.constant 128 : i32
    %dma_wait3A_61 = arith.constant 0 : i32
    %dma_wait3A_62 = tpu.memref_slice %arg9[%dma_wait3A_60, %dma_wait3A_61] : memref<256x128xf32, #tpu.memory_space<vmem>> -> memref<128x128xf32, #tpu.memory_space<vmem>>
    %dma_wait3A_63 = arith.constant 0 : i32
    %dma_wait3A_64 = arith.constant 0 : i32
    %dma_wait3A_65 = tpu.memref_slice %arg10[%dma_wait3A_63, %dma_wait3A_64] : memref<10112x128xf32, #tpu.memory_space<vmem_shared>> -> memref<128x128xf32, #tpu.memory_space<vmem_shared>>
    tpu.wait_dma2 semaphore(%arg12 : memref<!tpu.dma_semaphore, #tpu.memory_space<semaphore_mem>>) src(%dma_wait3A_65 : memref<128x128xf32, #tpu.memory_space<vmem_shared>>) dst(%dma_wait3A_62 : memref<128x128xf32, #tpu.memory_space<vmem>>)
    %add3A_66 = arith.constant 79 : i32
    %add3A_67 = arith.addi %add3A_9, %add3A_66 : i32
    %mul3A_68 = arith.constant 128 : i32
    %mul3A_69 = arith.muli %add3A_67, %mul3A_68 : i32
    "tpu.region"() ({
      %run_scoped3A_137 = tpu.sem_alloc : memref<!tpu.dma_semaphore, #tpu.memory_space<semaphore_mem>>
      %dma_start3A_138 = arith.constant 128 : i32
      %dma_start3A_139 = arith.constant 0 : i32
      %dma_start3A_140 = tpu.memref_slice %arg9[%dma_start3A_138, %dma_start3A_139] : memref<256x128xf32, #tpu.memory_space<vmem>> -> memref<128x128xf32, #tpu.memory_space<vmem>>
      %dma_start3A_141 = arith.constant 0 : i32
      %dma_start3A_142 = tpu.memref_slice %arg7[%mul3A_69, %dma_start3A_141] : memref<327680x128xf32, #tpu.memory_space<hbm>> -> memref<128x128xf32, #tpu.memory_space<hbm>>
      %dma_start3A_143 = arith.constant 0 : i32
      %dma_start3A_144 = tpu.memref_slice %arg7[%mul3A_69, %dma_start3A_143] : memref<327680x128xf32, #tpu.memory_space<hbm>> -> memref<128x128xf32, #tpu.memory_space<hbm>>
      %dma_start3A_145 = arith.constant 128 : i32
      %dma_start3A_146 = arith.constant 0 : i32
      %dma_start3A_147 = tpu.memref_slice %arg9[%dma_start3A_145, %dma_start3A_146] : memref<256x128xf32, #tpu.memory_space<vmem>> -> memref<128x128xf32, #tpu.memory_space<vmem>>
      tpu.enqueue_dma source(%dma_start3A_147 : memref<128x128xf32, #tpu.memory_space<vmem>>) target(%dma_start3A_144 : memref<128x128xf32, #tpu.memory_space<hbm>>) target_semaphore(%run_scoped3A_137 : memref<!tpu.dma_semaphore, #tpu.memory_space<semaphore_mem>>)
      %dma_wait3A_148 = arith.constant 128 : i32
      %dma_wait3A_149 = arith.constant 0 : i32
      %dma_wait3A_150 = tpu.memref_slice %arg9[%dma_wait3A_148, %dma_wait3A_149] : memref<256x128xf32, #tpu.memory_space<vmem>> -> memref<128x128xf32, #tpu.memory_space<vmem>>
      %dma_wait3A_151 = arith.constant 0 : i32
      %dma_wait3A_152 = tpu.memref_slice %arg7[%mul3A_69, %dma_wait3A_151] : memref<327680x128xf32, #tpu.memory_space<hbm>> -> memref<128x128xf32, #tpu.memory_space<hbm>>
      %dma_wait3A_153 = arith.constant 0 : i32
      %dma_wait3A_154 = tpu.memref_slice %arg7[%mul3A_69, %dma_wait3A_153] : memref<327680x128xf32, #tpu.memory_space<hbm>> -> memref<128x128xf32, #tpu.memory_space<hbm>>
      %dma_wait3A_155 = arith.constant 128 : i32
      %dma_wait3A_156 = arith.constant 0 : i32
      %dma_wait3A_157 = tpu.memref_slice %arg9[%dma_wait3A_155, %dma_wait3A_156] : memref<256x128xf32, #tpu.memory_space<vmem>> -> memref<128x128xf32, #tpu.memory_space<vmem>>
      tpu.wait_dma2 semaphore(%run_scoped3A_137 : memref<!tpu.dma_semaphore, #tpu.memory_space<semaphore_mem>>) src(%dma_wait3A_157 : memref<128x128xf32, #tpu.memory_space<vmem>>) dst(%dma_wait3A_154 : memref<128x128xf32, #tpu.memory_space<hbm>>)
      tpu.yield
    }) : () -> ()
    %barrier3A_70 = arith.constant 0 : index
    tpu.barrier barrier_id(%barrier3A_70)
    %eq3A = arith.constant 0 : i32
    %eq3A_71 = arith.cmpi eq, %arg0, %eq3A : i32
    %lt3A = arith.constant 8 : i32
    %lt3A_72 = arith.cmpi slt, %arg1, %lt3A : i32
    %ne3A = arith.xori %eq3A_71, %lt3A_72 : i1
    %convert_element_type3A = arith.extui %ne3A : i1 to i32
    %cond3A = arith.constant 0 : i32
    %cond3A_73 = arith.cmpi ne, %convert_element_type3A, %cond3A : i32
    scf.if %cond3A_73 {
      "tpu.region"() ({
        %run_scoped3A_137 = tpu.sem_alloc : memref<!tpu.dma_semaphore, #tpu.memory_space<semaphore_mem>>
        %dma_start3A_138 = arith.constant 0 : i32
        %dma_start3A_139 = tpu.memref_slice %arg10[%mul3A_4, %dma_start3A_138] : memref<10112x128xf32, #tpu.memory_space<vmem_shared>> -> memref<632x128xf32, #tpu.memory_space<vmem_shared>>
        tpu.enqueue_dma source(%arg5 : memref<632x128xf32, #tpu.memory_space<hbm>>) target(%dma_start3A_139 : memref<632x128xf32, #tpu.memory_space<vmem_shared>>) target_semaphore(%run_scoped3A_137 : memref<!tpu.dma_semaphore, #tpu.memory_space<semaphore_mem>>)
        %dma_wait3A_140 = arith.constant 0 : i32
        %dma_wait3A_141 = tpu.memref_slice %arg10[%mul3A_4, %dma_wait3A_140] : memref<10112x128xf32, #tpu.memory_space<vmem_shared>> -> memref<632x128xf32, #tpu.memory_space<vmem_shared>>
        tpu.wait_dma2 semaphore(%run_scoped3A_137 : memref<!tpu.dma_semaphore, #tpu.memory_space<semaphore_mem>>) src(%arg5 : memref<632x128xf32, #tpu.memory_space<hbm>>) dst(%dma_wait3A_141 : memref<632x128xf32, #tpu.memory_space<vmem_shared>>)
        tpu.yield
      }) : () -> ()
    } else {
    }
    %barrier3A_74 = arith.constant 0 : index
    tpu.barrier barrier_id(%barrier3A_74)
    %add3A_75 = arith.constant 0 : i32
    %add3A_76 = arith.addi %mul3A_2, %add3A_75 : i32
    "tpu.region"() ({
      %run_scoped3A_137 = tpu.sem_alloc : memref<!tpu.dma_semaphore, #tpu.memory_space<semaphore_mem>>
      %dma_start3A_138 = arith.constant 0 : i32
      %dma_start3A_139 = tpu.memref_slice %arg3[%add3A_76, %dma_start3A_138] : memref<2560x128xi32, #tpu.memory_space<hbm>> -> memref<80x128xi32, #tpu.memory_space<hbm>>
      %dma_start3A_140 = arith.constant 0 : i32
      %dma_start3A_141 = tpu.memref_slice %arg3[%add3A_76, %dma_start3A_140] : memref<2560x128xi32, #tpu.memory_space<hbm>> -> memref<80x128xi32, #tpu.memory_space<hbm>>
      tpu.enqueue_dma source(%dma_start3A_141 : memref<80x128xi32, #tpu.memory_space<hbm>>) target(%arg8 : memref<80x128xi32, #tpu.memory_space<vmem>>) target_semaphore(%run_scoped3A_137 : memref<!tpu.dma_semaphore, #tpu.memory_space<semaphore_mem>>)
      %dma_wait3A_142 = arith.constant 0 : i32
      %dma_wait3A_143 = tpu.memref_slice %arg3[%add3A_76, %dma_wait3A_142] : memref<2560x128xi32, #tpu.memory_space<hbm>> -> memref<80x128xi32, #tpu.memory_space<hbm>>
      %dma_wait3A_144 = arith.constant 0 : i32
      %dma_wait3A_145 = tpu.memref_slice %arg3[%add3A_76, %dma_wait3A_144] : memref<2560x128xi32, #tpu.memory_space<hbm>> -> memref<80x128xi32, #tpu.memory_space<hbm>>
      tpu.wait_dma2 semaphore(%run_scoped3A_137 : memref<!tpu.dma_semaphore, #tpu.memory_space<semaphore_mem>>) src(%dma_wait3A_145 : memref<80x128xi32, #tpu.memory_space<hbm>>) dst(%arg8 : memref<80x128xi32, #tpu.memory_space<vmem>>)
      tpu.yield
    }) : () -> ()
    %add3A_77 = arith.constant 0 : i32
    %add3A_78 = arith.addi %add3A_76, %add3A_77 : i32
    %mul3A_79 = arith.constant 128 : i32
    %mul3A_80 = arith.muli %add3A_78, %mul3A_79 : i32
    %dma_start3A_81 = arith.constant 0 : i32
    %dma_start3A_82 = arith.constant 0 : i32
    %dma_start3A_83 = tpu.memref_slice %arg9[%dma_start3A_81, %dma_start3A_82] : memref<256x128xf32, #tpu.memory_space<vmem>> -> memref<128x128xf32, #tpu.memory_space<vmem>>
    %dma_start3A_84 = arith.constant 0 : i32
    %dma_start3A_85 = tpu.memref_slice %arg7[%mul3A_80, %dma_start3A_84] : memref<327680x128xf32, #tpu.memory_space<hbm>> -> memref<128x128xf32, #tpu.memory_space<hbm>>
    %dma_start3A_86 = arith.constant 0 : i32
    %dma_start3A_87 = arith.constant 0 : i32
    %dma_start3A_88 = tpu.memref_slice %arg9[%dma_start3A_86, %dma_start3A_87] : memref<256x128xf32, #tpu.memory_space<vmem>> -> memref<128x128xf32, #tpu.memory_space<vmem>>
    %dma_start3A_89 = arith.constant 0 : i32
    %dma_start3A_90 = tpu.memref_slice %arg7[%mul3A_80, %dma_start3A_89] : memref<327680x128xf32, #tpu.memory_space<hbm>> -> memref<128x128xf32, #tpu.memory_space<hbm>>
    tpu.enqueue_dma source(%dma_start3A_90 : memref<128x128xf32, #tpu.memory_space<hbm>>) target(%dma_start3A_88 : memref<128x128xf32, #tpu.memory_space<vmem>>) target_semaphore(%arg11 : memref<!tpu.dma_semaphore, #tpu.memory_space<semaphore_mem>>)
    %add3A_91 = arith.constant 1 : i32
    %add3A_92 = arith.addi %add3A_76, %add3A_91 : i32
    %mul3A_93 = arith.constant 128 : i32
    %mul3A_94 = arith.muli %add3A_92, %mul3A_93 : i32
    %dma_start3A_95 = arith.constant 128 : i32
    %dma_start3A_96 = arith.constant 0 : i32
    %dma_start3A_97 = tpu.memref_slice %arg9[%dma_start3A_95, %dma_start3A_96] : memref<256x128xf32, #tpu.memory_space<vmem>> -> memref<128x128xf32, #tpu.memory_space<vmem>>
    %dma_start3A_98 = arith.constant 0 : i32
    %dma_start3A_99 = tpu.memref_slice %arg7[%mul3A_94, %dma_start3A_98] : memref<327680x128xf32, #tpu.memory_space<hbm>> -> memref<128x128xf32, #tpu.memory_space<hbm>>
    %dma_start3A_100 = arith.constant 128 : i32
    %dma_start3A_101 = arith.constant 0 : i32
    %dma_start3A_102 = tpu.memref_slice %arg9[%dma_start3A_100, %dma_start3A_101] : memref<256x128xf32, #tpu.memory_space<vmem>> -> memref<128x128xf32, #tpu.memory_space<vmem>>
    %dma_start3A_103 = arith.constant 0 : i32
    %dma_start3A_104 = tpu.memref_slice %arg7[%mul3A_94, %dma_start3A_103] : memref<327680x128xf32, #tpu.memory_space<hbm>> -> memref<128x128xf32, #tpu.memory_space<hbm>>
    tpu.enqueue_dma source(%dma_start3A_104 : memref<128x128xf32, #tpu.memory_space<hbm>>) target(%dma_start3A_102 : memref<128x128xf32, #tpu.memory_space<vmem>>) target_semaphore(%arg12 : memref<!tpu.dma_semaphore, #tpu.memory_space<semaphore_mem>>)
    %scan3A_105 = arith.constant 0 : i32
    %scan3A_106 = arith.constant 0 : i32
    %scan3A_107 = arith.constant 39 : i32
    %scan3A_108 = arith.addi %scan3A_106, %scan3A_107 : i32
    %scan3A_109 = arith.constant 1 : i32
    scf.for %scan3A_137 = %scan3A_106 to %scan3A_108 step %scan3A_109  : i32 {
      %mul3A_138 = arith.constant 2 : i32
      %mul3A_139 = arith.muli %mul3A_138, %scan3A_137 : i32
      %dma_wait3A_140 = arith.constant 0 : i32
      %dma_wait3A_141 = arith.constant 0 : i32
      %dma_wait3A_142 = tpu.memref_slice %arg9[%dma_wait3A_140, %dma_wait3A_141] : memref<256x128xf32, #tpu.memory_space<vmem>> -> memref<128x128xf32, #tpu.memory_space<vmem>>
      %dma_wait3A_143 = arith.constant 0 : i32
      %dma_wait3A_144 = arith.constant 0 : i32
      %dma_wait3A_145 = tpu.memref_slice %arg7[%dma_wait3A_143, %dma_wait3A_144] : memref<327680x128xf32, #tpu.memory_space<hbm>> -> memref<128x128xf32, #tpu.memory_space<hbm>>
      %dma_wait3A_146 = arith.constant 0 : i32
      %dma_wait3A_147 = arith.constant 0 : i32
      %dma_wait3A_148 = tpu.memref_slice %arg9[%dma_wait3A_146, %dma_wait3A_147] : memref<256x128xf32, #tpu.memory_space<vmem>> -> memref<128x128xf32, #tpu.memory_space<vmem>>
      %dma_wait3A_149 = arith.constant 0 : i32
      %dma_wait3A_150 = arith.constant 0 : i32
      %dma_wait3A_151 = tpu.memref_slice %arg7[%dma_wait3A_149, %dma_wait3A_150] : memref<327680x128xf32, #tpu.memory_space<hbm>> -> memref<128x128xf32, #tpu.memory_space<hbm>>
      tpu.wait_dma2 semaphore(%arg11 : memref<!tpu.dma_semaphore, #tpu.memory_space<semaphore_mem>>) src(%dma_wait3A_151 : memref<128x128xf32, #tpu.memory_space<hbm>>) dst(%dma_wait3A_148 : memref<128x128xf32, #tpu.memory_space<vmem>>)
      %add3A_152 = arith.constant 0 : i32
      %add3A_153 = arith.addi %mul3A_139, %add3A_152 : i32
      "tpu.region"() ({
        %run_scoped3A_202 = tpu.sem_alloc : memref<!tpu.dma_semaphore, #tpu.memory_space<semaphore_mem>>
        %dma_start3A_203 = arith.constant 0 : i32
        %dma_start3A_204 = arith.constant 0 : i32
        %dma_start3A_205 = tpu.memref_slice %arg9[%dma_start3A_203, %dma_start3A_204] : memref<256x128xf32, #tpu.memory_space<vmem>> -> memref<128x128xf32, #tpu.memory_space<vmem>>
        %dma_start3A_206 = arith.constant 0 : i32
        %dma_start3A_207 = tpu.memref_slice %arg8[%add3A_153, %dma_start3A_206] : memref<80x128xi32, #tpu.memory_space<vmem>> -> memref<1x128xi32, #tpu.memory_space<vmem>>
        %dma_start3A_208 = tpu.memref_squeeze %dma_start3A_207 : memref<1x128xi32, #tpu.memory_space<vmem>> -> memref<128xi32, #tpu.memory_space<vmem>>
        %dma_start3A_209 = arith.constant 0 : i32
        %dma_start3A_210 = arith.constant 0 : i32
        %dma_start3A_211 = tpu.memref_slice %arg10[%dma_start3A_209, %dma_start3A_210] : memref<10112x128xf32, #tpu.memory_space<vmem_shared>> -> memref<10112x128xf32, #tpu.memory_space<vmem_shared>>
        tpu.enqueue_indirect_dma source(%dma_start3A_205 : memref<128x128xf32, #tpu.memory_space<vmem>>) target(%dma_start3A_211 : memref<10112x128xf32, #tpu.memory_space<vmem_shared>>) offsets(%dma_start3A_208 : memref<128xi32, #tpu.memory_space<vmem>>) semaphore(%run_scoped3A_202 : memref<!tpu.dma_semaphore, #tpu.memory_space<semaphore_mem>>) {add = true}
        %dma_wait3A_212 = arith.constant 0 : i32
        %dma_wait3A_213 = arith.constant 0 : i32
        %dma_wait3A_214 = tpu.memref_slice %arg9[%dma_wait3A_212, %dma_wait3A_213] : memref<256x128xf32, #tpu.memory_space<vmem>> -> memref<128x128xf32, #tpu.memory_space<vmem>>
        %dma_wait3A_215 = arith.constant 0 : i32
        %dma_wait3A_216 = tpu.memref_slice %arg8[%add3A_153, %dma_wait3A_215] : memref<80x128xi32, #tpu.memory_space<vmem>> -> memref<1x128xi32, #tpu.memory_space<vmem>>
        %dma_wait3A_217 = tpu.memref_squeeze %dma_wait3A_216 : memref<1x128xi32, #tpu.memory_space<vmem>> -> memref<128xi32, #tpu.memory_space<vmem>>
        %dma_wait3A_218 = arith.constant 0 : i32
        %dma_wait3A_219 = arith.constant 0 : i32
        %dma_wait3A_220 = tpu.memref_slice %arg10[%dma_wait3A_218, %dma_wait3A_219] : memref<10112x128xf32, #tpu.memory_space<vmem_shared>> -> memref<10112x128xf32, #tpu.memory_space<vmem_shared>>
        tpu.wait_indirect_dma semaphore(%run_scoped3A_202 : memref<!tpu.dma_semaphore, #tpu.memory_space<semaphore_mem>>) src(%dma_wait3A_214 : memref<128x128xf32, #tpu.memory_space<vmem>>) dst(%dma_wait3A_220 : memref<10112x128xf32, #tpu.memory_space<vmem_shared>>)
        tpu.yield
      }) : () -> ()
      %add3A_154 = arith.constant 0 : i32
      %add3A_155 = arith.addi %mul3A_139, %add3A_154 : i32
      %add3A_156 = arith.constant 2 : i32
      %add3A_157 = arith.addi %add3A_155, %add3A_156 : i32
      %add3A_158 = arith.addi %add3A_76, %add3A_157 : i32
      %mul3A_159 = arith.constant 128 : i32
      %mul3A_160 = arith.muli %add3A_158, %mul3A_159 : i32
      %dma_start3A_161 = arith.constant 0 : i32
      %dma_start3A_162 = arith.constant 0 : i32
      %dma_start3A_163 = tpu.memref_slice %arg9[%dma_start3A_161, %dma_start3A_162] : memref<256x128xf32, #tpu.memory_space<vmem>> -> memref<128x128xf32, #tpu.memory_space<vmem>>
      %dma_start3A_164 = arith.constant 0 : i32
      %dma_start3A_165 = tpu.memref_slice %arg7[%mul3A_160, %dma_start3A_164] : memref<327680x128xf32, #tpu.memory_space<hbm>> -> memref<128x128xf32, #tpu.memory_space<hbm>>
      %dma_start3A_166 = arith.constant 0 : i32
      %dma_start3A_167 = arith.constant 0 : i32
      %dma_start3A_168 = tpu.memref_slice %arg9[%dma_start3A_166, %dma_start3A_167] : memref<256x128xf32, #tpu.memory_space<vmem>> -> memref<128x128xf32, #tpu.memory_space<vmem>>
      %dma_start3A_169 = arith.constant 0 : i32
      %dma_start3A_170 = tpu.memref_slice %arg7[%mul3A_160, %dma_start3A_169] : memref<327680x128xf32, #tpu.memory_space<hbm>> -> memref<128x128xf32, #tpu.memory_space<hbm>>
      tpu.enqueue_dma source(%dma_start3A_170 : memref<128x128xf32, #tpu.memory_space<hbm>>) target(%dma_start3A_168 : memref<128x128xf32, #tpu.memory_space<vmem>>) target_semaphore(%arg11 : memref<!tpu.dma_semaphore, #tpu.memory_space<semaphore_mem>>)
      %dma_wait3A_171 = arith.constant 128 : i32
      %dma_wait3A_172 = arith.constant 0 : i32
      %dma_wait3A_173 = tpu.memref_slice %arg9[%dma_wait3A_171, %dma_wait3A_172] : memref<256x128xf32, #tpu.memory_space<vmem>> -> memref<128x128xf32, #tpu.memory_space<vmem>>
      %dma_wait3A_174 = arith.constant 0 : i32
      %dma_wait3A_175 = arith.constant 0 : i32
      %dma_wait3A_176 = tpu.memref_slice %arg7[%dma_wait3A_174, %dma_wait3A_175] : memref<327680x128xf32, #tpu.memory_space<hbm>> -> memref<128x128xf32, #tpu.memory_space<hbm>>
      %dma_wait3A_177 = arith.constant 128 : i32
      %dma_wait3A_178 = arith.constant 0 : i32
      %dma_wait3A_179 = tpu.memref_slice %arg9[%dma_wait3A_177, %dma_wait3A_178] : memref<256x128xf32, #tpu.memory_space<vmem>> -> memref<128x128xf32, #tpu.memory_space<vmem>>
      %dma_wait3A_180 = arith.constant 0 : i32
      %dma_wait3A_181 = arith.constant 0 : i32
      %dma_wait3A_182 = tpu.memref_slice %arg7[%dma_wait3A_180, %dma_wait3A_181] : memref<327680x128xf32, #tpu.memory_space<hbm>> -> memref<128x128xf32, #tpu.memory_space<hbm>>
      tpu.wait_dma2 semaphore(%arg12 : memref<!tpu.dma_semaphore, #tpu.memory_space<semaphore_mem>>) src(%dma_wait3A_182 : memref<128x128xf32, #tpu.memory_space<hbm>>) dst(%dma_wait3A_179 : memref<128x128xf32, #tpu.memory_space<vmem>>)
      %add3A_183 = arith.constant 1 : i32
      %add3A_184 = arith.addi %mul3A_139, %add3A_183 : i32
      "tpu.region"() ({
        %run_scoped3A_202 = tpu.sem_alloc : memref<!tpu.dma_semaphore, #tpu.memory_space<semaphore_mem>>
        %dma_start3A_203 = arith.constant 128 : i32
        %dma_start3A_204 = arith.constant 0 : i32
        %dma_start3A_205 = tpu.memref_slice %arg9[%dma_start3A_203, %dma_start3A_204] : memref<256x128xf32, #tpu.memory_space<vmem>> -> memref<128x128xf32, #tpu.memory_space<vmem>>
        %dma_start3A_206 = arith.constant 0 : i32
        %dma_start3A_207 = tpu.memref_slice %arg8[%add3A_184, %dma_start3A_206] : memref<80x128xi32, #tpu.memory_space<vmem>> -> memref<1x128xi32, #tpu.memory_space<vmem>>
        %dma_start3A_208 = tpu.memref_squeeze %dma_start3A_207 : memref<1x128xi32, #tpu.memory_space<vmem>> -> memref<128xi32, #tpu.memory_space<vmem>>
        %dma_start3A_209 = arith.constant 0 : i32
        %dma_start3A_210 = arith.constant 0 : i32
        %dma_start3A_211 = tpu.memref_slice %arg10[%dma_start3A_209, %dma_start3A_210] : memref<10112x128xf32, #tpu.memory_space<vmem_shared>> -> memref<10112x128xf32, #tpu.memory_space<vmem_shared>>
        tpu.enqueue_indirect_dma source(%dma_start3A_205 : memref<128x128xf32, #tpu.memory_space<vmem>>) target(%dma_start3A_211 : memref<10112x128xf32, #tpu.memory_space<vmem_shared>>) offsets(%dma_start3A_208 : memref<128xi32, #tpu.memory_space<vmem>>) semaphore(%run_scoped3A_202 : memref<!tpu.dma_semaphore, #tpu.memory_space<semaphore_mem>>) {add = true}
        %dma_wait3A_212 = arith.constant 128 : i32
        %dma_wait3A_213 = arith.constant 0 : i32
        %dma_wait3A_214 = tpu.memref_slice %arg9[%dma_wait3A_212, %dma_wait3A_213] : memref<256x128xf32, #tpu.memory_space<vmem>> -> memref<128x128xf32, #tpu.memory_space<vmem>>
        %dma_wait3A_215 = arith.constant 0 : i32
        %dma_wait3A_216 = tpu.memref_slice %arg8[%add3A_184, %dma_wait3A_215] : memref<80x128xi32, #tpu.memory_space<vmem>> -> memref<1x128xi32, #tpu.memory_space<vmem>>
        %dma_wait3A_217 = tpu.memref_squeeze %dma_wait3A_216 : memref<1x128xi32, #tpu.memory_space<vmem>> -> memref<128xi32, #tpu.memory_space<vmem>>
        %dma_wait3A_218 = arith.constant 0 : i32
        %dma_wait3A_219 = arith.constant 0 : i32
        %dma_wait3A_220 = tpu.memref_slice %arg10[%dma_wait3A_218, %dma_wait3A_219] : memref<10112x128xf32, #tpu.memory_space<vmem_shared>> -> memref<10112x128xf32, #tpu.memory_space<vmem_shared>>
        tpu.wait_indirect_dma semaphore(%run_scoped3A_202 : memref<!tpu.dma_semaphore, #tpu.memory_space<semaphore_mem>>) src(%dma_wait3A_214 : memref<128x128xf32, #tpu.memory_space<vmem>>) dst(%dma_wait3A_220 : memref<10112x128xf32, #tpu.memory_space<vmem_shared>>)
        tpu.yield
      }) : () -> ()
      %add3A_185 = arith.constant 1 : i32
      %add3A_186 = arith.addi %mul3A_139, %add3A_185 : i32
      %add3A_187 = arith.constant 2 : i32
      %add3A_188 = arith.addi %add3A_186, %add3A_187 : i32
      %add3A_189 = arith.addi %add3A_76, %add3A_188 : i32
      %mul3A_190 = arith.constant 128 : i32
      %mul3A_191 = arith.muli %add3A_189, %mul3A_190 : i32
      %dma_start3A_192 = arith.constant 128 : i32
      %dma_start3A_193 = arith.constant 0 : i32
      %dma_start3A_194 = tpu.memref_slice %arg9[%dma_start3A_192, %dma_start3A_193] : memref<256x128xf32, #tpu.memory_space<vmem>> -> memref<128x128xf32, #tpu.memory_space<vmem>>
      %dma_start3A_195 = arith.constant 0 : i32
      %dma_start3A_196 = tpu.memref_slice %arg7[%mul3A_191, %dma_start3A_195] : memref<327680x128xf32, #tpu.memory_space<hbm>> -> memref<128x128xf32, #tpu.memory_space<hbm>>
      %dma_start3A_197 = arith.constant 128 : i32
      %dma_start3A_198 = arith.constant 0 : i32
      %dma_start3A_199 = tpu.memref_slice %arg9[%dma_start3A_197, %dma_start3A_198] : memref<256x128xf32, #tpu.memory_space<vmem>> -> memref<128x128xf32, #tpu.memory_space<vmem>>
      %dma_start3A_200 = arith.constant 0 : i32
      %dma_start3A_201 = tpu.memref_slice %arg7[%mul3A_191, %dma_start3A_200] : memref<327680x128xf32, #tpu.memory_space<hbm>> -> memref<128x128xf32, #tpu.memory_space<hbm>>
      tpu.enqueue_dma source(%dma_start3A_201 : memref<128x128xf32, #tpu.memory_space<hbm>>) target(%dma_start3A_199 : memref<128x128xf32, #tpu.memory_space<vmem>>) target_semaphore(%arg12 : memref<!tpu.dma_semaphore, #tpu.memory_space<semaphore_mem>>)
    }
    %scan3A_110 = arith.constant 39 : i32
    %dma_wait3A_111 = arith.constant 0 : i32
    %dma_wait3A_112 = arith.constant 0 : i32
    %dma_wait3A_113 = tpu.memref_slice %arg9[%dma_wait3A_111, %dma_wait3A_112] : memref<256x128xf32, #tpu.memory_space<vmem>> -> memref<128x128xf32, #tpu.memory_space<vmem>>
    %dma_wait3A_114 = arith.constant 0 : i32
    %dma_wait3A_115 = arith.constant 0 : i32
    %dma_wait3A_116 = tpu.memref_slice %arg7[%dma_wait3A_114, %dma_wait3A_115] : memref<327680x128xf32, #tpu.memory_space<hbm>> -> memref<128x128xf32, #tpu.memory_space<hbm>>
    %dma_wait3A_117 = arith.constant 0 : i32
    %dma_wait3A_118 = arith.constant 0 : i32
    %dma_wait3A_119 = tpu.memref_slice %arg9[%dma_wait3A_117, %dma_wait3A_118] : memref<256x128xf32, #tpu.memory_space<vmem>> -> memref<128x128xf32, #tpu.memory_space<vmem>>
    %dma_wait3A_120 = arith.constant 0 : i32
    %dma_wait3A_121 = arith.constant 0 : i32
    %dma_wait3A_122 = tpu.memref_slice %arg7[%dma_wait3A_120, %dma_wait3A_121] : memref<327680x128xf32, #tpu.memory_space<hbm>> -> memref<128x128xf32, #tpu.memory_space<hbm>>
    tpu.wait_dma2 semaphore(%arg11 : memref<!tpu.dma_semaphore, #tpu.memory_space<semaphore_mem>>) src(%dma_wait3A_122 : memref<128x128xf32, #tpu.memory_space<hbm>>) dst(%dma_wait3A_119 : memref<128x128xf32, #tpu.memory_space<vmem>>)
    %run_scoped3A = arith.constant 78 : i32
    "tpu.region"() ({
      %run_scoped3A_137 = tpu.sem_alloc : memref<!tpu.dma_semaphore, #tpu.memory_space<semaphore_mem>>
      %dma_start3A_138 = arith.constant 0 : i32
      %dma_start3A_139 = arith.constant 0 : i32
      %dma_start3A_140 = tpu.memref_slice %arg9[%dma_start3A_138, %dma_start3A_139] : memref<256x128xf32, #tpu.memory_space<vmem>> -> memref<128x128xf32, #tpu.memory_space<vmem>>
      %dma_start3A_141 = arith.constant 0 : i32
      %dma_start3A_142 = tpu.memref_slice %arg8[%run_scoped3A, %dma_start3A_141] : memref<80x128xi32, #tpu.memory_space<vmem>> -> memref<1x128xi32, #tpu.memory_space<vmem>>
      %dma_start3A_143 = tpu.memref_squeeze %dma_start3A_142 : memref<1x128xi32, #tpu.memory_space<vmem>> -> memref<128xi32, #tpu.memory_space<vmem>>
      %dma_start3A_144 = arith.constant 0 : i32
      %dma_start3A_145 = arith.constant 0 : i32
      %dma_start3A_146 = tpu.memref_slice %arg10[%dma_start3A_144, %dma_start3A_145] : memref<10112x128xf32, #tpu.memory_space<vmem_shared>> -> memref<10112x128xf32, #tpu.memory_space<vmem_shared>>
      tpu.enqueue_indirect_dma source(%dma_start3A_140 : memref<128x128xf32, #tpu.memory_space<vmem>>) target(%dma_start3A_146 : memref<10112x128xf32, #tpu.memory_space<vmem_shared>>) offsets(%dma_start3A_143 : memref<128xi32, #tpu.memory_space<vmem>>) semaphore(%run_scoped3A_137 : memref<!tpu.dma_semaphore, #tpu.memory_space<semaphore_mem>>) {add = true}
      %dma_wait3A_147 = arith.constant 0 : i32
      %dma_wait3A_148 = arith.constant 0 : i32
      %dma_wait3A_149 = tpu.memref_slice %arg9[%dma_wait3A_147, %dma_wait3A_148] : memref<256x128xf32, #tpu.memory_space<vmem>> -> memref<128x128xf32, #tpu.memory_space<vmem>>
      %dma_wait3A_150 = arith.constant 0 : i32
      %dma_wait3A_151 = tpu.memref_slice %arg8[%run_scoped3A, %dma_wait3A_150] : memref<80x128xi32, #tpu.memory_space<vmem>> -> memref<1x128xi32, #tpu.memory_space<vmem>>
      %dma_wait3A_152 = tpu.memref_squeeze %dma_wait3A_151 : memref<1x128xi32, #tpu.memory_space<vmem>> -> memref<128xi32, #tpu.memory_space<vmem>>
      %dma_wait3A_153 = arith.constant 0 : i32
      %dma_wait3A_154 = arith.constant 0 : i32
      %dma_wait3A_155 = tpu.memref_slice %arg10[%dma_wait3A_153, %dma_wait3A_154] : memref<10112x128xf32, #tpu.memory_space<vmem_shared>> -> memref<10112x128xf32, #tpu.memory_space<vmem_shared>>
      tpu.wait_indirect_dma semaphore(%run_scoped3A_137 : memref<!tpu.dma_semaphore, #tpu.memory_space<semaphore_mem>>) src(%dma_wait3A_149 : memref<128x128xf32, #tpu.memory_space<vmem>>) dst(%dma_wait3A_155 : memref<10112x128xf32, #tpu.memory_space<vmem_shared>>)
      tpu.yield
    }) : () -> ()
    %dma_wait3A_123 = arith.constant 128 : i32
    %dma_wait3A_124 = arith.constant 0 : i32
    %dma_wait3A_125 = tpu.memref_slice %arg9[%dma_wait3A_123, %dma_wait3A_124] : memref<256x128xf32, #tpu.memory_space<vmem>> -> memref<128x128xf32, #tpu.memory_space<vmem>>
    %dma_wait3A_126 = arith.constant 0 : i32
    %dma_wait3A_127 = arith.constant 0 : i32
    %dma_wait3A_128 = tpu.memref_slice %arg7[%dma_wait3A_126, %dma_wait3A_127] : memref<327680x128xf32, #tpu.memory_space<hbm>> -> memref<128x128xf32, #tpu.memory_space<hbm>>
    %dma_wait3A_129 = arith.constant 128 : i32
    %dma_wait3A_130 = arith.constant 0 : i32
    %dma_wait3A_131 = tpu.memref_slice %arg9[%dma_wait3A_129, %dma_wait3A_130] : memref<256x128xf32, #tpu.memory_space<vmem>> -> memref<128x128xf32, #tpu.memory_space<vmem>>
    %dma_wait3A_132 = arith.constant 0 : i32
    %dma_wait3A_133 = arith.constant 0 : i32
    %dma_wait3A_134 = tpu.memref_slice %arg7[%dma_wait3A_132, %dma_wait3A_133] : memref<327680x128xf32, #tpu.memory_space<hbm>> -> memref<128x128xf32, #tpu.memory_space<hbm>>
    tpu.wait_dma2 semaphore(%arg12 : memref<!tpu.dma_semaphore, #tpu.memory_space<semaphore_mem>>) src(%dma_wait3A_134 : memref<128x128xf32, #tpu.memory_space<hbm>>) dst(%dma_wait3A_131 : memref<128x128xf32, #tpu.memory_space<vmem>>)
    %run_scoped3A_135 = arith.constant 79 : i32
    "tpu.region"() ({
      %run_scoped3A_137 = tpu.sem_alloc : memref<!tpu.dma_semaphore, #tpu.memory_space<semaphore_mem>>
      %dma_start3A_138 = arith.constant 128 : i32
      %dma_start3A_139 = arith.constant 0 : i32
      %dma_start3A_140 = tpu.memref_slice %arg9[%dma_start3A_138, %dma_start3A_139] : memref<256x128xf32, #tpu.memory_space<vmem>> -> memref<128x128xf32, #tpu.memory_space<vmem>>
      %dma_start3A_141 = arith.constant 0 : i32
      %dma_start3A_142 = tpu.memref_slice %arg8[%run_scoped3A_135, %dma_start3A_141] : memref<80x128xi32, #tpu.memory_space<vmem>> -> memref<1x128xi32, #tpu.memory_space<vmem>>
      %dma_start3A_143 = tpu.memref_squeeze %dma_start3A_142 : memref<1x128xi32, #tpu.memory_space<vmem>> -> memref<128xi32, #tpu.memory_space<vmem>>
      %dma_start3A_144 = arith.constant 0 : i32
      %dma_start3A_145 = arith.constant 0 : i32
      %dma_start3A_146 = tpu.memref_slice %arg10[%dma_start3A_144, %dma_start3A_145] : memref<10112x128xf32, #tpu.memory_space<vmem_shared>> -> memref<10112x128xf32, #tpu.memory_space<vmem_shared>>
      tpu.enqueue_indirect_dma source(%dma_start3A_140 : memref<128x128xf32, #tpu.memory_space<vmem>>) target(%dma_start3A_146 : memref<10112x128xf32, #tpu.memory_space<vmem_shared>>) offsets(%dma_start3A_143 : memref<128xi32, #tpu.memory_space<vmem>>) semaphore(%run_scoped3A_137 : memref<!tpu.dma_semaphore, #tpu.memory_space<semaphore_mem>>) {add = true}
      %dma_wait3A_147 = arith.constant 128 : i32
      %dma_wait3A_148 = arith.constant 0 : i32
      %dma_wait3A_149 = tpu.memref_slice %arg9[%dma_wait3A_147, %dma_wait3A_148] : memref<256x128xf32, #tpu.memory_space<vmem>> -> memref<128x128xf32, #tpu.memory_space<vmem>>
      %dma_wait3A_150 = arith.constant 0 : i32
      %dma_wait3A_151 = tpu.memref_slice %arg8[%run_scoped3A_135, %dma_wait3A_150] : memref<80x128xi32, #tpu.memory_space<vmem>> -> memref<1x128xi32, #tpu.memory_space<vmem>>
      %dma_wait3A_152 = tpu.memref_squeeze %dma_wait3A_151 : memref<1x128xi32, #tpu.memory_space<vmem>> -> memref<128xi32, #tpu.memory_space<vmem>>
      %dma_wait3A_153 = arith.constant 0 : i32
      %dma_wait3A_154 = arith.constant 0 : i32
      %dma_wait3A_155 = tpu.memref_slice %arg10[%dma_wait3A_153, %dma_wait3A_154] : memref<10112x128xf32, #tpu.memory_space<vmem_shared>> -> memref<10112x128xf32, #tpu.memory_space<vmem_shared>>
      tpu.wait_indirect_dma semaphore(%run_scoped3A_137 : memref<!tpu.dma_semaphore, #tpu.memory_space<semaphore_mem>>) src(%dma_wait3A_149 : memref<128x128xf32, #tpu.memory_space<vmem>>) dst(%dma_wait3A_155 : memref<10112x128xf32, #tpu.memory_space<vmem_shared>>)
      tpu.yield
    }) : () -> ()
    %barrier3A_136 = arith.constant 0 : index
    tpu.barrier barrier_id(%barrier3A_136)
    "tpu.region"() ({
      %run_scoped3A_137 = tpu.sem_alloc : memref<!tpu.dma_semaphore, #tpu.memory_space<semaphore_mem>>
      %dma_start3A_138 = arith.constant 0 : i32
      %dma_start3A_139 = tpu.memref_slice %arg6[%arg0, %mul3A_4, %dma_start3A_138] : memref<2x10112x128xf32, #tpu.memory_space<hbm>> -> memref<1x632x128xf32, #tpu.memory_space<hbm>>
      %dma_start3A_140 = tpu.memref_squeeze %dma_start3A_139 : memref<1x632x128xf32, #tpu.memory_space<hbm>> -> memref<632x128xf32, #tpu.memory_space<hbm>>
      %dma_start3A_141 = arith.constant 0 : i32
      %dma_start3A_142 = tpu.memref_slice %arg10[%mul3A_4, %dma_start3A_141] : memref<10112x128xf32, #tpu.memory_space<vmem_shared>> -> memref<632x128xf32, #tpu.memory_space<vmem_shared>>
      tpu.enqueue_dma source(%dma_start3A_142 : memref<632x128xf32, #tpu.memory_space<vmem_shared>>) target(%dma_start3A_140 : memref<632x128xf32, #tpu.memory_space<hbm>>) target_semaphore(%run_scoped3A_137 : memref<!tpu.dma_semaphore, #tpu.memory_space<semaphore_mem>>)
      %dma_wait3A_143 = arith.constant 0 : i32
      %dma_wait3A_144 = tpu.memref_slice %arg6[%arg0, %mul3A_4, %dma_wait3A_143] : memref<2x10112x128xf32, #tpu.memory_space<hbm>> -> memref<1x632x128xf32, #tpu.memory_space<hbm>>
      %dma_wait3A_145 = tpu.memref_squeeze %dma_wait3A_144 : memref<1x632x128xf32, #tpu.memory_space<hbm>> -> memref<632x128xf32, #tpu.memory_space<hbm>>
      %dma_wait3A_146 = arith.constant 0 : i32
      %dma_wait3A_147 = tpu.memref_slice %arg10[%mul3A_4, %dma_wait3A_146] : memref<10112x128xf32, #tpu.memory_space<vmem_shared>> -> memref<632x128xf32, #tpu.memory_space<vmem_shared>>
      tpu.wait_dma2 semaphore(%run_scoped3A_137 : memref<!tpu.dma_semaphore, #tpu.memory_space<semaphore_mem>>) src(%dma_wait3A_147 : memref<632x128xf32, #tpu.memory_space<vmem_shared>>) dst(%dma_wait3A_145 : memref<632x128xf32, #tpu.memory_space<hbm>>)
      tpu.yield
    }) : () -> ()
    return
  }
}

module attributes {stable_mosaic.version = 14 : i64} {
  func.func @_mlp_body(%arg0: i32, %arg1: memref<2528x128xf32, #tpu.memory_space<vmem>>, %arg2: memref<2528x128xf32, #tpu.memory_space<vmem>>, %arg3: memref<128x128xf32, #tpu.memory_space<vmem>>, %arg4: memref<1x128xf32, #tpu.memory_space<vmem>>, %arg5: memref<128x128xf32, #tpu.memory_space<vmem>>, %arg6: memref<1x128xf32, #tpu.memory_space<vmem>>, %arg7: memref<1x128xf32, #tpu.memory_space<vmem>>, %arg8: memref<1x128xf32, #tpu.memory_space<vmem>>, %arg9: memref<2528x128xf32, #tpu.memory_space<vmem>>) attributes {dimension_semantics = [#tpu.dimension_semantics<arbitrary>], iteration_bounds = array<i64: 4>, scalar_prefetch = 0 : i64, scratch_operands = 0 : i64, tpu.core_type = #tpu.core_type<tc>, window_params = [{transform_indices = @transform_0, window_bounds = array<i64: 2528, 128>}, {transform_indices = @transform_1, window_bounds = array<i64: 2528, 128>}, {pipeline_mode = #tpu.pipeline_mode<synchronous>, transform_indices = @transform_2, window_bounds = array<i64: 128, 128>}, {pipeline_mode = #tpu.pipeline_mode<synchronous>, transform_indices = @transform_3, window_bounds = array<i64: 1, 128>}, {pipeline_mode = #tpu.pipeline_mode<synchronous>, transform_indices = @transform_4, window_bounds = array<i64: 128, 128>}, {pipeline_mode = #tpu.pipeline_mode<synchronous>, transform_indices = @transform_5, window_bounds = array<i64: 1, 128>}, {pipeline_mode = #tpu.pipeline_mode<synchronous>, transform_indices = @transform_6, window_bounds = array<i64: 1, 128>}, {pipeline_mode = #tpu.pipeline_mode<synchronous>, transform_indices = @transform_7, window_bounds = array<i64: 1, 128>}, {transform_indices = @transform_8, window_bounds = array<i64: 2528, 128>}]} {
    %get3A = arith.constant 0 : index
    %get3A_0 = arith.constant 0 : index
    %get3A_1 = vector.load %arg1[%get3A, %get3A_0] : memref<2528x128xf32, #tpu.memory_space<vmem>>, vector<2528x128xf32>
    %get3A_2 = arith.constant 0 : index
    %get3A_3 = arith.constant 0 : index
    %get3A_4 = vector.load %arg2[%get3A_2, %get3A_3] : memref<2528x128xf32, #tpu.memory_space<vmem>>, vector<2528x128xf32>
    %add3A = arith.addf %get3A_1, %get3A_4 : vector<2528x128xf32>
    %get3A_5 = arith.constant 0 : index
    %get3A_6 = arith.constant 0 : index
    %get3A_7 = vector.load %arg3[%get3A_5, %get3A_6] : memref<128x128xf32, #tpu.memory_space<vmem>>, vector<128x128xf32>
    %dot_general3A = arith.constant dense<0.000000e+00> : vector<2528x128xf32>
    %dot_general3A_8 = tpu.matmul %add3A, %get3A_7, %dot_general3A {dimension_numbers = #tpu.dot_dimension_numbers<[1], [0], [0], [1], [0, 0, 1, 1], [], []>, transpose_lhs_hint = false} : vector<2528x128xf32>, vector<128x128xf32>, vector<2528x128xf32> -> vector<2528x128xf32>
    %get3A_9 = arith.constant 0 : index
    %get3A_10 = arith.constant 0 : index
    %get3A_11 = vector.load %arg4[%get3A_9, %get3A_10] : memref<1x128xf32, #tpu.memory_space<vmem>>, vector<1x128xf32>
    %add3A_12 = vector.broadcast %get3A_11 : vector<1x128xf32> to vector<2528x128xf32>
    %add3A_13 = arith.addf %dot_general3A_8, %add3A_12 : vector<2528x128xf32>
    %max3A = arith.constant 0.000000e+00 : f32
    %max3A_14 = vector.broadcast %max3A : f32 to vector<2528x128xf32>
    %max3A_15 = arith.maximumf %add3A_13, %max3A_14 : vector<2528x128xf32>
    %get3A_16 = arith.constant 0 : index
    %get3A_17 = arith.constant 0 : index
    %get3A_18 = vector.load %arg5[%get3A_16, %get3A_17] : memref<128x128xf32, #tpu.memory_space<vmem>>, vector<128x128xf32>
    %dot_general3A_19 = arith.constant dense<0.000000e+00> : vector<2528x128xf32>
    %dot_general3A_20 = tpu.matmul %max3A_15, %get3A_18, %dot_general3A_19 {dimension_numbers = #tpu.dot_dimension_numbers<[1], [0], [0], [1], [0, 0, 1, 1], [], []>, transpose_lhs_hint = false} : vector<2528x128xf32>, vector<128x128xf32>, vector<2528x128xf32> -> vector<2528x128xf32>
    %get3A_21 = arith.constant 0 : index
    %get3A_22 = arith.constant 0 : index
    %get3A_23 = vector.load %arg6[%get3A_21, %get3A_22] : memref<1x128xf32, #tpu.memory_space<vmem>>, vector<1x128xf32>
    %add3A_24 = vector.broadcast %get3A_23 : vector<1x128xf32> to vector<2528x128xf32>
    %add3A_25 = arith.addf %dot_general3A_20, %add3A_24 : vector<2528x128xf32>
    %get3A_26 = arith.constant 0 : index
    %get3A_27 = arith.constant 0 : index
    %get3A_28 = vector.load %arg7[%get3A_26, %get3A_27] : memref<1x128xf32, #tpu.memory_space<vmem>>, vector<1x128xf32>
    %mul3A = vector.broadcast %get3A_28 : vector<1x128xf32> to vector<2528x128xf32>
    %mul3A_29 = arith.mulf %add3A_25, %mul3A : vector<2528x128xf32>
    %get3A_30 = arith.constant 0 : index
    %get3A_31 = arith.constant 0 : index
    %get3A_32 = vector.load %arg8[%get3A_30, %get3A_31] : memref<1x128xf32, #tpu.memory_space<vmem>>, vector<1x128xf32>
    %add3A_33 = vector.broadcast %get3A_32 : vector<1x128xf32> to vector<2528x128xf32>
    %add3A_34 = arith.addf %mul3A_29, %add3A_33 : vector<2528x128xf32>
    %max3A_35 = arith.constant 0.000000e+00 : f32
    %max3A_36 = vector.broadcast %max3A_35 : f32 to vector<2528x128xf32>
    %max3A_37 = arith.maximumf %add3A_34, %max3A_36 : vector<2528x128xf32>
    %swap3A = arith.constant 0 : index
    %swap3A_38 = arith.constant 0 : index
    %swap3A_39 = vector.load %arg9[%swap3A, %swap3A_38] : memref<2528x128xf32, #tpu.memory_space<vmem>>, vector<2528x128xf32>
    tpu.vector_store %arg9[%swap3A, %swap3A_38], %max3A_37 {strides = array<i32>} : memref<2528x128xf32, #tpu.memory_space<vmem>>, vector<2528x128xf32>,
    return
  }
  func.func @transform_0(%arg0: i32) -> (i32, i32) {
    %c0_i32 = arith.constant 0 : i32
    %c0_i32_0 = arith.constant 0 : i32
    return %arg0, %c0_i32 : i32, i32
  }
  func.func @transform_1(%arg0: i32) -> (i32, i32) {
    %c0_i32 = arith.constant 0 : i32
    %c0_i32_0 = arith.constant 0 : i32
    return %arg0, %c0_i32 : i32, i32
  }
  func.func @transform_2(%arg0: i32) -> (i32, i32) {
    %c0_i32 = arith.constant 0 : i32
    %c0_i32_0 = arith.constant 0 : i32
    %c0_i32_1 = arith.constant 0 : i32
    return %c0_i32, %c0_i32_0 : i32, i32
  }
  func.func @transform_3(%arg0: i32) -> (i32, i32) {
    %c0_i32 = arith.constant 0 : i32
    %c0_i32_0 = arith.constant 0 : i32
    %c0_i32_1 = arith.constant 0 : i32
    return %c0_i32, %c0_i32_0 : i32, i32
  }
  func.func @transform_4(%arg0: i32) -> (i32, i32) {
    %c0_i32 = arith.constant 0 : i32
    %c0_i32_0 = arith.constant 0 : i32
    %c0_i32_1 = arith.constant 0 : i32
    return %c0_i32, %c0_i32_0 : i32, i32
  }
  func.func @transform_5(%arg0: i32) -> (i32, i32) {
    %c0_i32 = arith.constant 0 : i32
    %c0_i32_0 = arith.constant 0 : i32
    %c0_i32_1 = arith.constant 0 : i32
    return %c0_i32, %c0_i32_0 : i32, i32
  }
  func.func @transform_6(%arg0: i32) -> (i32, i32) {
    %c0_i32 = arith.constant 0 : i32
    %c0_i32_0 = arith.constant 0 : i32
    %c0_i32_1 = arith.constant 0 : i32
    return %c0_i32, %c0_i32_0 : i32, i32
  }
  func.func @transform_7(%arg0: i32) -> (i32, i32) {
    %c0_i32 = arith.constant 0 : i32
    %c0_i32_0 = arith.constant 0 : i32
    %c0_i32_1 = arith.constant 0 : i32
    return %c0_i32, %c0_i32_0 : i32, i32
  }
  func.func @transform_8(%arg0: i32) -> (i32, i32) {
    %c0_i32 = arith.constant 0 : i32
    %c0_i32_0 = arith.constant 0 : i32
    return %arg0, %c0_i32 : i32, i32
  }
}

module attributes {stable_mosaic.version = 14 : i64} {
  func.func @_mlp_final_body(%arg0: i32, %arg1: memref<2528x128xf32, #tpu.memory_space<vmem>>, %arg2: memref<2528x128xf32, #tpu.memory_space<vmem>>, %arg3: memref<128x128xf32, #tpu.memory_space<vmem>>, %arg4: memref<1x128xf32, #tpu.memory_space<vmem>>, %arg5: memref<128x128xf32, #tpu.memory_space<vmem>>, %arg6: memref<1x128xf32, #tpu.memory_space<vmem>>, %arg7: memref<1x128xf32, #tpu.memory_space<vmem>>, %arg8: memref<1x128xf32, #tpu.memory_space<vmem>>, %arg9: memref<128x128xf32, #tpu.memory_space<vmem>>, %arg10: memref<1x128xf32, #tpu.memory_space<vmem>>, %arg11: memref<2528x128xf32, #tpu.memory_space<vmem>>, %arg12: memref<2528x128xf32, #tpu.memory_space<vmem>>) attributes {dimension_semantics = [#tpu.dimension_semantics<arbitrary>], iteration_bounds = array<i64: 4>, scalar_prefetch = 0 : i64, scratch_operands = 0 : i64, tpu.core_type = #tpu.core_type<tc>, window_params = [{transform_indices = @transform_0, window_bounds = array<i64: 2528, 128>}, {transform_indices = @transform_1, window_bounds = array<i64: 2528, 128>}, {pipeline_mode = #tpu.pipeline_mode<synchronous>, transform_indices = @transform_2, window_bounds = array<i64: 128, 128>}, {pipeline_mode = #tpu.pipeline_mode<synchronous>, transform_indices = @transform_3, window_bounds = array<i64: 1, 128>}, {pipeline_mode = #tpu.pipeline_mode<synchronous>, transform_indices = @transform_4, window_bounds = array<i64: 128, 128>}, {pipeline_mode = #tpu.pipeline_mode<synchronous>, transform_indices = @transform_5, window_bounds = array<i64: 1, 128>}, {pipeline_mode = #tpu.pipeline_mode<synchronous>, transform_indices = @transform_6, window_bounds = array<i64: 1, 128>}, {pipeline_mode = #tpu.pipeline_mode<synchronous>, transform_indices = @transform_7, window_bounds = array<i64: 1, 128>}, {pipeline_mode = #tpu.pipeline_mode<synchronous>, transform_indices = @transform_8, window_bounds = array<i64: 128, 128>}, {pipeline_mode = #tpu.pipeline_mode<synchronous>, transform_indices = @transform_9, window_bounds = array<i64: 1, 128>}, {transform_indices = @transform_10, window_bounds = array<i64: 2528, 128>}, {transform_indices = @transform_11, window_bounds = array<i64: 2528, 128>}]} {
    %get3A = arith.constant 0 : index
    %get3A_0 = arith.constant 0 : index
    %get3A_1 = vector.load %arg1[%get3A, %get3A_0] : memref<2528x128xf32, #tpu.memory_space<vmem>>, vector<2528x128xf32>
    %get3A_2 = arith.constant 0 : index
    %get3A_3 = arith.constant 0 : index
    %get3A_4 = vector.load %arg2[%get3A_2, %get3A_3] : memref<2528x128xf32, #tpu.memory_space<vmem>>, vector<2528x128xf32>
    %add3A = arith.addf %get3A_1, %get3A_4 : vector<2528x128xf32>
    %get3A_5 = arith.constant 0 : index
    %get3A_6 = arith.constant 0 : index
    %get3A_7 = vector.load %arg3[%get3A_5, %get3A_6] : memref<128x128xf32, #tpu.memory_space<vmem>>, vector<128x128xf32>
    %dot_general3A = arith.constant dense<0.000000e+00> : vector<2528x128xf32>
    %dot_general3A_8 = tpu.matmul %add3A, %get3A_7, %dot_general3A {dimension_numbers = #tpu.dot_dimension_numbers<[1], [0], [0], [1], [0, 0, 1, 1], [], []>, transpose_lhs_hint = false} : vector<2528x128xf32>, vector<128x128xf32>, vector<2528x128xf32> -> vector<2528x128xf32>
    %get3A_9 = arith.constant 0 : index
    %get3A_10 = arith.constant 0 : index
    %get3A_11 = vector.load %arg4[%get3A_9, %get3A_10] : memref<1x128xf32, #tpu.memory_space<vmem>>, vector<1x128xf32>
    %add3A_12 = vector.broadcast %get3A_11 : vector<1x128xf32> to vector<2528x128xf32>
    %add3A_13 = arith.addf %dot_general3A_8, %add3A_12 : vector<2528x128xf32>
    %max3A = arith.constant 0.000000e+00 : f32
    %max3A_14 = vector.broadcast %max3A : f32 to vector<2528x128xf32>
    %max3A_15 = arith.maximumf %add3A_13, %max3A_14 : vector<2528x128xf32>
    %get3A_16 = arith.constant 0 : index
    %get3A_17 = arith.constant 0 : index
    %get3A_18 = vector.load %arg5[%get3A_16, %get3A_17] : memref<128x128xf32, #tpu.memory_space<vmem>>, vector<128x128xf32>
    %dot_general3A_19 = arith.constant dense<0.000000e+00> : vector<2528x128xf32>
    %dot_general3A_20 = tpu.matmul %max3A_15, %get3A_18, %dot_general3A_19 {dimension_numbers = #tpu.dot_dimension_numbers<[1], [0], [0], [1], [0, 0, 1, 1], [], []>, transpose_lhs_hint = false} : vector<2528x128xf32>, vector<128x128xf32>, vector<2528x128xf32> -> vector<2528x128xf32>
    %get3A_21 = arith.constant 0 : index
    %get3A_22 = arith.constant 0 : index
    %get3A_23 = vector.load %arg6[%get3A_21, %get3A_22] : memref<1x128xf32, #tpu.memory_space<vmem>>, vector<1x128xf32>
    %add3A_24 = vector.broadcast %get3A_23 : vector<1x128xf32> to vector<2528x128xf32>
    %add3A_25 = arith.addf %dot_general3A_20, %add3A_24 : vector<2528x128xf32>
    %get3A_26 = arith.constant 0 : index
    %get3A_27 = arith.constant 0 : index
    %get3A_28 = vector.load %arg7[%get3A_26, %get3A_27] : memref<1x128xf32, #tpu.memory_space<vmem>>, vector<1x128xf32>
    %mul3A = vector.broadcast %get3A_28 : vector<1x128xf32> to vector<2528x128xf32>
    %mul3A_29 = arith.mulf %add3A_25, %mul3A : vector<2528x128xf32>
    %get3A_30 = arith.constant 0 : index
    %get3A_31 = arith.constant 0 : index
    %get3A_32 = vector.load %arg8[%get3A_30, %get3A_31] : memref<1x128xf32, #tpu.memory_space<vmem>>, vector<1x128xf32>
    %add3A_33 = vector.broadcast %get3A_32 : vector<1x128xf32> to vector<2528x128xf32>
    %add3A_34 = arith.addf %mul3A_29, %add3A_33 : vector<2528x128xf32>
    %max3A_35 = arith.constant 0.000000e+00 : f32
    %max3A_36 = vector.broadcast %max3A_35 : f32 to vector<2528x128xf32>
    %max3A_37 = arith.maximumf %add3A_34, %max3A_36 : vector<2528x128xf32>
    %swap3A = arith.constant 0 : index
    %swap3A_38 = arith.constant 0 : index
    %swap3A_39 = vector.load %arg11[%swap3A, %swap3A_38] : memref<2528x128xf32, #tpu.memory_space<vmem>>, vector<2528x128xf32>
    tpu.vector_store %arg11[%swap3A, %swap3A_38], %max3A_37 {strides = array<i32>} : memref<2528x128xf32, #tpu.memory_space<vmem>>, vector<2528x128xf32>,
    %get3A_40 = arith.constant 0 : index
    %get3A_41 = arith.constant 0 : index
    %get3A_42 = vector.load %arg11[%get3A_40, %get3A_41] : memref<2528x128xf32, #tpu.memory_space<vmem>>, vector<2528x128xf32>
    %get3A_43 = arith.constant 0 : index
    %get3A_44 = arith.constant 0 : index
    %get3A_45 = vector.load %arg9[%get3A_43, %get3A_44] : memref<128x128xf32, #tpu.memory_space<vmem>>, vector<128x128xf32>
    %dot_general3A_46 = arith.constant dense<0.000000e+00> : vector<2528x128xf32>
    %dot_general3A_47 = tpu.matmul %get3A_42, %get3A_45, %dot_general3A_46 {dimension_numbers = #tpu.dot_dimension_numbers<[1], [0], [0], [1], [0, 0, 1, 1], [], []>, transpose_lhs_hint = false} : vector<2528x128xf32>, vector<128x128xf32>, vector<2528x128xf32> -> vector<2528x128xf32>
    %get3A_48 = arith.constant 0 : index
    %get3A_49 = arith.constant 0 : index
    %get3A_50 = vector.load %arg10[%get3A_48, %get3A_49] : memref<1x128xf32, #tpu.memory_space<vmem>>, vector<1x128xf32>
    %add3A_51 = vector.broadcast %get3A_50 : vector<1x128xf32> to vector<2528x128xf32>
    %add3A_52 = arith.addf %dot_general3A_47, %add3A_51 : vector<2528x128xf32>
    %swap3A_53 = arith.constant 0 : index
    %swap3A_54 = arith.constant 0 : index
    %swap3A_55 = vector.load %arg12[%swap3A_53, %swap3A_54] : memref<2528x128xf32, #tpu.memory_space<vmem>>, vector<2528x128xf32>
    tpu.vector_store %arg12[%swap3A_53, %swap3A_54], %add3A_52 {strides = array<i32>} : memref<2528x128xf32, #tpu.memory_space<vmem>>, vector<2528x128xf32>,
    return
  }
  func.func @transform_0(%arg0: i32) -> (i32, i32) {
    %c0_i32 = arith.constant 0 : i32
    %c0_i32_0 = arith.constant 0 : i32
    return %arg0, %c0_i32 : i32, i32
  }
  func.func @transform_1(%arg0: i32) -> (i32, i32) {
    %c0_i32 = arith.constant 0 : i32
    %c0_i32_0 = arith.constant 0 : i32
    return %arg0, %c0_i32 : i32, i32
  }
  func.func @transform_2(%arg0: i32) -> (i32, i32) {
    %c0_i32 = arith.constant 0 : i32
    %c0_i32_0 = arith.constant 0 : i32
    %c0_i32_1 = arith.constant 0 : i32
    return %c0_i32, %c0_i32_0 : i32, i32
  }
  func.func @transform_3(%arg0: i32) -> (i32, i32) {
    %c0_i32 = arith.constant 0 : i32
    %c0_i32_0 = arith.constant 0 : i32
    %c0_i32_1 = arith.constant 0 : i32
    return %c0_i32, %c0_i32_0 : i32, i32
  }
  func.func @transform_4(%arg0: i32) -> (i32, i32) {
    %c0_i32 = arith.constant 0 : i32
    %c0_i32_0 = arith.constant 0 : i32
    %c0_i32_1 = arith.constant 0 : i32
    return %c0_i32, %c0_i32_0 : i32, i32
  }
  func.func @transform_5(%arg0: i32) -> (i32, i32) {
    %c0_i32 = arith.constant 0 : i32
    %c0_i32_0 = arith.constant 0 : i32
    %c0_i32_1 = arith.constant 0 : i32
    return %c0_i32, %c0_i32_0 : i32, i32
  }
  func.func @transform_6(%arg0: i32) -> (i32, i32) {
    %c0_i32 = arith.constant 0 : i32
    %c0_i32_0 = arith.constant 0 : i32
    %c0_i32_1 = arith.constant 0 : i32
    return %c0_i32, %c0_i32_0 : i32, i32
  }
  func.func @transform_7(%arg0: i32) -> (i32, i32) {
    %c0_i32 = arith.constant 0 : i32
    %c0_i32_0 = arith.constant 0 : i32
    %c0_i32_1 = arith.constant 0 : i32
    return %c0_i32, %c0_i32_0 : i32, i32
  }
  func.func @transform_8(%arg0: i32) -> (i32, i32) {
    %c0_i32 = arith.constant 0 : i32
    %c0_i32_0 = arith.constant 0 : i32
    %c0_i32_1 = arith.constant 0 : i32
    return %c0_i32, %c0_i32_0 : i32, i32
  }
  func.func @transform_9(%arg0: i32) -> (i32, i32) {
    %c0_i32 = arith.constant 0 : i32
    %c0_i32_0 = arith.constant 0 : i32
    %c0_i32_1 = arith.constant 0 : i32
    return %c0_i32, %c0_i32_0 : i32, i32
  }
  func.func @transform_10(%arg0: i32) -> (i32, i32) {
    %c0_i32 = arith.constant 0 : i32
    %c0_i32_0 = arith.constant 0 : i32
    return %arg0, %c0_i32 : i32, i32
  }
  func.func @transform_11(%arg0: i32) -> (i32, i32) {
    %c0_i32 = arith.constant 0 : i32
    %c0_i32_0 = arith.constant 0 : i32
    return %arg0, %c0_i32 : i32, i32
  }
}

</mosaic_0001>

<sc_bundles>
// kernel: kernel.11.cloned.1.call-start
scs
__scs_entry_jumppad:
0x0: {  	(pc) =	sbr.rel $0x88, $3  }
0x1: {  	(tag) =	ssettag $0x0;
	lr =	simm.s32 $0x1  }
0x2: {  	[smem:$0x3F85] =	sst lr;
	_ =	strace $0xD0000000  }
0x3: {  	_ = 	snop  }
0x4: {  	_ = 	snop  }
0x5: {  	_ = 	snop  }
0x6: {  	_ = 	snop  }
0x7: {  	_ = 	snop  }
__scs_overlays_trampoline_lowered:
0x8: {  	[smem:$0x3F94] =	sst s0  }
0x9: {  	[smem:$0x3F95] =	sst s1  }
0xa: {  	[smem:$0x3F96] =	sst s2  }
0xb: {  	[smem:$0x3F97] =	sst s3  }
0xc: {  	[smem:$0x3F98] =	sst s4  }
0xd: {  	[smem:$0x3F99] =	sst s5  }
0xe: {  	[smem:$0x3F9A] =	sst s6  }
0xf: {  	[smem:$0x3F9B] =	sst s7  }
0x10: {  	[smem:$0x3F9C] =	sst s8  }
0x11: {  	[smem:$0x3F9D] =	sst s9;
	s0 =	simm.s32 @!p0 $0x0  }
0x12: {  	s1 =	sld [smem:$0x3F83];
	s0 =	simm.s32 @p0 $0x1  }
0x13: {  	[smem:$0x3F9E] =	sst s0;
	s0 =	simm.s32 @!p1 $0x0  }
0x14: {  	s2 =	sld [smem:$0x3F82];
	s0 =	simm.s32 @p1 $0x1  }
0x15: {  	[smem:$0x3F9F] =	sst s0;
	s0 =	simm.s32 @!p2 $0x0  }
0x16: {  	s3 =	sld [smem:$0x3FDB];
	s0 =	simm.s32 @p2 $0x1  }
0x17: {  	s4 =	simm.s32 $0x1BF5;
	[smem:$0x3FA1] =	sst s0  }
0x18: {  	s0 =	sld [smem:$0x3F84];
	_ =	swait.ge [sflag:s4], $0x0  }
0x19: {  	s7 =	sld [smem:$0x3F85]  }
0x1a: {  	s8 =	sadd.s32 $0xFFFFE003, lr  }
0x1b: {  	s9 =	sadd.s32 $0xFFFFFEF7, lr;
	s5 =	simm.s32 $0xFFFFFFFF;
	p2 =	slt.u32 s8, $0xFFFFF086  }
0x1c: {  	p1 =	slt.u32 s9, $0xF7A;
	s5 =	simm.s32 @!p2 $0x0  }
0x1d: {  	s5 =	simm.s32 @p1 $0x1;
	p0 =	seq.s32 s7, s2  }
0x1e: {  	s7 =	smul.u32 @!p0 $0xF7A, s2;
	p2 =	seq.s32 @!p0 s5, $0x0  }
0x1f: {  	s9 =	smul.u32 $0xF7A, s1;
	s8 =	simm.s32 @!p0 $0x1BF5;
	p2 =	por !p2, p0  }
0x20: {  	[sflag:s8] =	ssyncset.s32 @!p0 $0xFFFFF086;
	s6 =	sadd.s32 @!p0 s3, s7;
	s7 =	simm.s32 @!p0 $0x108  }
0x21: {  	s3 =	sadd.s32 s3, s9;
	s6 =	sadd.s32 @!p0 $0x88, s6;
	s7 =	simm.s32 @p2 $0x1082  }
0x22: {  	[simem:s7], [sflag:s8] =	dma.local @!p0 [hbm:s6], $0xF7A  }
0x23: {  	s9 =	sor.u32 $0xD0000000, s2;
	s6 =	simm.s32 $0x108;
	_ =	swait.ge @!p0 [sflag:s8], $0x0  }
0x24: {  	s3 =	sadd.s32 $0x88, s3;
	s6 =	simm.s32 @!p1 $0x1082;
	[sflag:s4] =	ssyncset.s32 $0xFFFFF086  }
0x25: {  	[simem:s6], [sflag:s4] =	dma.local [hbm:s3], $0xF7A  }
0x26: {  	[smem:$0x3F85] =	sst s1;
	(tag) =	ssettag s2;
	_ =	strace s9  }
0x27: {  	s1 =	sld [smem:$0x3F95]  }
0x28: {  	s2 =	sld [smem:$0x3F96]  }
0x29: {  	s4 =	sld [smem:$0x3F98]  }
0x2a: {  	p0 =	seq.s32 s5, $0x0;
	s5 =	sld [smem:$0x3F99]  }
0x2b: {  	s6 =	sld [smem:$0x3F9A]  }
0x2c: {  	s7 =	sld [smem:$0x3F9B]  }
0x2d: {  	s3 =	simm.s32 $0x108;
	s8 =	sld [smem:$0x3F9C]  }
0x2e: {  	s3 =	simm.s32 @!p0 $0x1082;
	s9 =	sld [smem:$0x3F9D]  }
0x2f: {  	lr =	sadd.s32 s0, s3;
	s0 =	sld [smem:$0x3F94]  }
0x30: {  	s3 =	sld [smem:$0x3F97]  }
0x31: {  	[smem:$0x3FA0] =	sst s10  }
0x32: {  	s10 =	sld [smem:$0x3F9E];
	_ =	sdelay $0x3  }
0x33: {  	p0 =	seq.s32 s10, $0x1;
	s10 =	sld [smem:$0x3FA0];
	_ =	sdelay $0x3  }
0x34: {  	[smem:$0x3FA0] =	sst s10  }
0x35: {  	s10 =	sld [smem:$0x3F9F];
	_ =	sdelay $0x3  }
0x36: {  	p1 =	seq.s32 s10, $0x1;
	s10 =	sld [smem:$0x3FA0];
	_ =	sdelay $0x3  }
0x37: {  	[smem:$0x3FA0] =	sst s10  }
0x38: {  	s10 =	sld [smem:$0x3FA1]  }
0x39: {  	_ = 	snop;
	(pc) =	sbr.ind lr, $3  }
0x3a: {  	_ = 	snop  }
0x3b: {  	_ = 	snop  }
0x3c: {  	p2 =	seq.s32 s10, $0x1;
	s10 =	sld [smem:$0x3FA0]  }
0x3d: {  	_ =	shalt  }
0x3e: {  	_ =	shalt  }
0x3f: {  	_ =	shalt  }
0x40: {  	_ =	shalt  }
0x41: {  	_ =	shalt  }
0x42: {  	_ =	shalt  }
0x43: {  	_ =	shalt  }
0x44: {  	_ =	shalt  }
0x45: {  	_ =	shalt  }
0x46: {  	_ =	shalt  }
0x47: {  	_ =	shalt  }
0x48: {  	_ =	shalt  }
0x49: {  	_ =	shalt  }
0x4a: {  	_ =	shalt  }
0x4b: {  	_ =	shalt  }
0x4c: {  	_ =	shalt  }
0x4d: {  	_ =	shalt  }
0x4e: {  	_ =	shalt  }
0x4f: {  	_ =	shalt  }
0x50: {  	_ =	shalt  }
0x51: {  	_ =	shalt  }
0x52: {  	_ =	shalt  }
0x53: {  	_ =	shalt  }
0x54: {  	_ =	shalt  }
0x55: {  	_ =	shalt  }
0x56: {  	_ =	shalt  }
0x57: {  	_ =	shalt  }
0x58: {  	_ =	shalt  }
0x59: {  	_ =	shalt  }
0x5a: {  	_ =	shalt  }
0x5b: {  	_ =	shalt  }
0x5c: {  	_ =	shalt  }
0x5d: {  	_ =	shalt  }
0x5e: {  	_ =	shalt  }
0x5f: {  	_ =	shalt  }
0x60: {  	_ =	shalt  }
0x61: {  	_ =	shalt  }
0x62: {  	_ =	shalt  }
0x63: {  	_ =	shalt  }
0x64: {  	_ =	shalt  }
0x65: {  	_ =	shalt  }
0x66: {  	_ =	shalt  }
0x67: {  	_ =	shalt  }
0x68: {  	_ =	shalt  }
0x69: {  	_ =	shalt  }
0x6a: {  	_ =	shalt  }
0x6b: {  	_ =	shalt  }
0x6c: {  	_ =	shalt  }
0x6d: {  	_ =	shalt  }
0x6e: {  	_ =	shalt  }
0x6f: {  	_ =	shalt  }
0x70: {  	_ =	shalt  }
0x71: {  	_ =	shalt  }
0x72: {  	_ =	shalt  }
0x73: {  	_ =	shalt  }
0x74: {  	_ =	shalt  }
0x75: {  	_ =	shalt  }
0x76: {  	_ =	shalt  }
0x77: {  	_ =	shalt  }
0x78: {  	_ =	shalt  }
0x79: {  	_ =	shalt  }
0x7a: {  	_ =	shalt  }
0x7b: {  	_ =	shalt  }
0x7c: {  	_ =	shalt  }
0x7d: {  	_ =	shalt  }
0x7e: {  	_ =	shalt  }
0x7f: {  	_ =	shalt  }
0x80: {  	_ =	shalt  }
0x81: {  	_ =	shalt  }
0x82: {  	_ =	shalt  }
0x83: {  	_ =	shalt  }
0x84: {  	_ =	shalt  }
0x85: {  	_ =	shalt  }
0x86: {  	_ =	shalt  }
0x87: {  	_ =	shalt  }
.Lfunc_end0:
.L_simem_size_0:
called_computation.1_lowered:
.L_overlay_start_0:
0x88: {  	s2 =	sld [smem:$0x3FD9]  }
0x89: {  	s3 =	sld [smem:$0x3FFE];
	_ =	sdelay $0x1  }
0x8a: {  	s1 =	srdreg.scid  }
0x8b: {  	s0 =	sand.u32 $0x1, s1  }
0x8c: {  	s17 =	sshll.u32 s0, $0xA;
	s2 =	sadd.s32 s3, s2  }
0x8d: {  	s2 =	sadd.s32 s2, s17  }
0x8e: {  	[smem:$0x3FAC] =	sst s2  }
0x8f: {  	_ = 	snop  }
0x90: {  	s2 =	sld [smem:$0x3FD0];
	(tm) =	ssettm $0x1  }
0x91: {  	s18 =	sld [smem:$0x3FFB];
	_ =	sdelay $0x3  }
0x92: {  	_ =	strace s18  }
0x93: {  	s3 =	sld [smem:$0x3FFC];
	_ =	sdelay $0x3  }
0x94: {  	_ =	strace s3  }
0x95: {  	s3 =	sld [smem:$0x3FFD];
	_ =	sdelay $0x3  }
0x96: {  	_ =	strace s3  }
0x97: {  	_ =	strace $0x8FFFFFFF  }
0x98: {  	s19 =	sld [smem:$0x3FDB];
	_ =	sdelay $0x1  }
0x99: {  	s4 =	simm.s32 $_scs_section_size  }
0x9a: {  	s5 =	simm.s32 $_size__tile_overlayer_lowered;
	s6 =	simm.s32 $_tile_overlayer_lowered  }
0x9b: {  	s22 =	simm.s32 $0x1BFF;
	s21 =	sshll.u32 s6, $0x1;
	s3 =	sadd.s32 s4, s19  }
0x9c: {  	s7 =	simm.s32 $0x0;
	s20 =	sshll.u32 s5, $0x1;
	s5 =	sadd.s32 s21, s3  }
0x9d: {  	[timem:s7], [sflag:s22] =	dma.local [hbm:s5], s20  }
0x9e: {  	_ =	swait.ge [sflag:s22], s20  }
0x9f: {  	s4 =	ssub.s32 $0x0, s20;
	[sflag:s22] =	ssyncset.done $0x0  }
0xa0: {  	[sflag:s22] =	ssyncadd.s32 s4;
	_ =	sdelay $0x1  }
0xa1: {  	s23 =	simm.s32 $0x1B8B  }
0xa2: {  	_ =	swait.ge [sflag:s23], $0x1  }
0xa3: {  	[sflag:s23] =	ssyncset.done $0x0  }
0xa4: {  	s25 =	simm.s32 $0x1B8E;
	s24 =	sld [smem:$0x3FFE];
	[sflag:s23] =	ssyncadd.s32 $0xFFFFFFFF  }
0xa5: {  	s26 =	simm.s32 $execute0_lowered;
	[smem:$0x3FD2] =	sst s25  }
0xa6: {  	s5 =	sshll.u32 s26, $0x1;
	_ =	strace $0x80000049;
	[dreg:$0x1] =	wrdreg $0xFFFFFFFF  }
0xa7: {  	s28 =	simm.s32 $_size_execute0_lowered;
	s3 =	sadd.s32 s3, s5;
	[dreg:$0x0] =	wrdreg $0x0  }
0xa8: {  	s5 =	sshll.u32 s28, $0x1;
	[dreg:$0x2] =	wrdreg s3  }
0xa9: {  	[dreg:$0x3] =	wrdreg s5  }
0xaa: {  	[dreg:$0x4] =	wrdreg $0xC0  }
0xab: {  	_ =	task [dreg:s7], $0x5FFFF  }
0xac: {  	[dreg:$0x1] =	wrdreg $0xFFFFFFFF  }
0xad: {  	[dreg:$0x0] =	wrdreg $0x60  }
0xae: {  	[dreg:$0x2] =	wrdreg s24  }
0xaf: {  	[dreg:$0x3] =	wrdreg s2  }
0xb0: {  	[dreg:$0x4] =	wrdreg $0xA8000  }
0xb1: {  	[dreg:$0x5] =	wrdreg $0x9  }
0xb2: {  	_ =	task.clear_ibuf [dreg:s7], $0x6FFFF;
	_ =	strace $0x90000049  }
0xb3: {  	s29 =	simm.s32 $0x9;
	_ =	strace $0x8000004B  }
0xb4: {  	_ =	swait.ge [sflag:s29], $0x1  }
0xb5: {  	[sflag:s29] =	ssyncadd.s32 $0xFFFFFFFF  }
0xb6: {  	_ =	strace $0x9000004B  }
0xb7: {  	_ =	sfence  }
0xb8: {  	s30 =	sld [smem:$0x0];
	_ =	sdelay $0x2  }
0xb9: {  	s31 =	sshll.u32 s1, $0xD;
	s1 =	sshrl.u32 s1, $0x2  }
0xba: {  	s3 =	sand.u32 $0x4000, s31;
	s1 =	sadd.s32 s1, s30  }
0xbb: {  	s0 =	sor.u32 s3, s0;
	s1 =	sshll.u32 s1, $0x11  }
0xbc: {  	s0 =	sor.u32 s1, s0  }
0xbd: {  	s0 =	sadd.s32 $0x8F2B, s0  }
0xbe: {  	[sflag:s0] =	ssyncadd.remote.s32 $0x1  }
0xbf: {  	_ =	sfence.sel $0xFFFF  }
0xc0: {  	[dreg:$0x0] =	wrdreg $0xFFFFFFFF;
	(pc) =	sbr.abs _section_cstart, $3  }
0xc1: {  	[dreg:$0x1] =	wrdreg $0xFFFFFFFF  }
0xc2: {  	_ =	task.clear_ibuf [dreg:s7], $0x2FFFF;
	_ =	strace $0x9FFFFFFF  }
0xc3: {  	(tm) =	ssettm $0x7FFFFFFF  }
tec
execute0_lowered:
.L_overlay_start_1:
0x0: {  	(tag) =	ssettag $0x1  }
0x1: {  	s18 =	stileid.u32  }
0x2: {  	s0 =	srdreg.scid;
	s6 =	smul.u32 $0x13C00, s18  }
0x3: {  	s1 =	rddreg [dreg:$0x0];
	s25 =	smul.u32 $0x4F000, s18  }
0x4: {  	s3 =	rddreg [dreg:$0x2];
	s4 =	simm.s32 $0x0;
	s14 =	smul.u32 $0xA0, s18  }
0x5: {  	s28 =	simm.s32 $0x2;
	s0 =	sand.u32 $0x1, s0;
	s30 =	smul.u32 $0x50000, s18  }
0x6: {  	s31 =	simm.s32 $0x0;
	s2 =	sshll.u32 s18, $0x1;
	s7 =	smul.u32 $0x13C000, s0  }
0x7: {  	[smem:$0x7FF] =	sst s4;
	s2 =	sor.u32 s0, s2;
	s17 =	smul.u32 $0x50, s0  }
0x8: {  	s26 =	ssub.s32 $0x2, s0;
	p2 =	seq.s32 s0, $0x0;
	s0 =	smul.u32 $0x28000, s0  }
0x9: {  	p1 =	slt.u32 s18, $0x8;
	_ =	strace $0x8000004A;
	s5 =	smul.u32 $0x500, s2  }
0xa: {  	p0 =	por !p1, !p1;
	s22 =	sshrl.u32 s6, $0x3;
	s9 =	smul.u32 $0x140000, s2  }
0xb: {  	s8 =	sshrl.u32 s26, $0x1;
	s2 =	smul.u32 $0x28000, s2;
	p0 =	por @!p2 p1, p1  }
0xc: {  	s6 =	sadd.s32 s6, s7;
	s23 =	sadd.s32 s22, s1;
	s16 =	ssub.s32 s26, s8  }
0xd: {  	s29 =	sadd.s32 s17, s14;
	s22 =	simm.s32 $0x3;
	s26 =	simm.s32 $0x6800  }
0xe: {  	s12 =	sadd.s32 s5, s1;
	s24 =	sshrl.u32 s6, $0x3;
	s6 =	sshrl.u32 s25, $0x2  }
0xf: {  	s7 =	sadd.s32 $0x19400, s23;
	s10 =	sshrl.u32 s9, $0x3;
	s16 =	smax.u32 s16, $0x1  }
0x10: {  	s23 =	simm.s32 $0x1;
	s25 =	simm.s32 $0x2800;
	s15 =	sadd.s32 s24, s1  }
0x11: {  	s1 =	sadd.s32 $0x40C00, s1;
	s5 =	sadd.s32 s6, s3;
	s6 =	sshll.u32 s18, $0x6  }
0x12: {  	s9 =	sadd.s32 $0xF400, s12;
	s12 =	sadd.s32 $0x5400, s12;
	s24 =	simm.s32 $0x80  }
0x13: {  	s8 =	sor.u32 $0x1C01, s6;
	s11 =	sadd.s32 s1, s10;
	s13 =	sadd.s32 s1, s2  }
0x14: {  	s2 =	sshll.u32 s29, $0xB;
	s15 =	sadd.s32 $0x540C00, s15;
	s21 =	sshrl.u32 s5, $0x3  }
0x15: {  	s10 =	sadd.s32 $0x27000, s11;
	s11 =	sadd.s32 $0x27800, s11;
	s2 =	sadd.s32 s2, s1  }
0x16: {  	s14 =	sadd.s32 $0x800, s13;
	s1 =	sadd.s32 s30, s1;
	s17 =	sadd.s32 $0x800, s2  }
0x17: {  	s18 =	sadd.s32 s0, s1;
	s19 =	sadd.s32 $0x1800, s2;
	s20 =	sadd.s32 $0x1000, s2  }
.LBB2_1:
0x18: {  	[spmem:s21], [sflag:s8] =	dma.local [hbm:s7], $0x2780  }
0x19: {  	[tilespmem:s4], [sflag:$0x3] =	stream.linear.gather [hbm4b:s9+s4], $0x2800, $0x38;
	[tilespmem:$0x1E400] =	vst v63  }
0x1a: {  	_ =	swait.ge [sflag:s22], $0x2800  }
0x1b: {  	[sflag:s22] =	ssyncset.done $0x0  }
0x1c: {  	[sflag:s22] =	ssyncadd.s32 $0xFFFFD800  }
0x1d: {  	_ =	swait.ge [sflag:s23], $0x2780  }
0x1e: {  	[sflag:s23] =	ssyncset.done $0x0  }
0x1f: {  	[sflag:s23] =	ssyncadd.s32 $0xFFFFD880  }
0x20: {  	[bflag:$0x0] =	sbarrier.arrive $0xFFFF  }
0x21: {  	[tilespmem:s25], [sflag:$0x1] =	stream.indirect.gather [spmem:s3], $0x80, s4, s24, $0xb8;
	[tilespmem:$0x1E400] =	vst v63  }
0x22: {  	_ = 	snop  }
0x23: {  	[tilespmem:s26], [sflag:$0x2] =	stream.indirect.gather [spmem:s3], $0x80, s24, s24, $0xb8;
	[tilespmem:$0x1E400] =	vst v63  }
0x24: {  	_ =	swait.ge [sflag:s23], $0x4000  }
0x25: {  	[sflag:s23] =	ssyncset.done $0x0  }
0x26: {  	s0 =	sadd.s32 $0x0, s18;
	[sflag:s23] =	ssyncadd.s32 $0xFFFFC000  }
0x27: {  	[hbm4b:s0+s4] =	stream.linear.scatter [tilespmem:s25], [sflag:$0x3], $0x4000, $0x38;
	[tilespmem:$0x1E400] =	vst v63  }
0x28: {  	_ =	swait.ge [sflag:s22], $0x4000  }
0x29: {  	[sflag:s22] =	ssyncset.done $0x0  }
0x2a: {  	s29 =	simm.s32 $0x100;
	[sflag:s22] =	ssyncadd.s32 $0xFFFFC000  }
0x2b: {  	[tilespmem:s25], [sflag:$0x1] =	stream.indirect.gather [spmem:s3], $0x80, s29, s24, $0xb8;
	[tilespmem:$0x1E400] =	vst v63  }
0x2c: {  	_ =	swait.ge [sflag:s28], $0x4000  }
0x2d: {  	[sflag:s28] =	ssyncset.done $0x0  }
0x2e: {  	s30 =	sadd.s32 $0x0, s17;
	[sflag:s28] =	ssyncadd.s32 $0xFFFFC000  }
0x2f: {  	[hbm4b:s30+s4] =	stream.linear.scatter [tilespmem:s26], [sflag:$0x3], $0x4000, $0x38;
	[tilespmem:$0x1E400] =	vst v63  }
0x30: {  	_ =	swait.ge [sflag:s22], $0x4000  }
0x31: {  	s1 =	simm.s32 $0x180;
	[sflag:s22] =	ssyncset.done $0x0  }
0x32: {  	s2 =	simm.s32 $0x1000;
	s0 =	simm.s32 $0x280;
	[sflag:s22] =	ssyncadd.s32 $0xFFFFC000  }
.LBB2_2:
0x33: {  	[tilespmem:s26], [sflag:$0x2] =	stream.indirect.gather [spmem:s3], $0x80, s1, s24, $0xb8;
	[tilespmem:$0x1E400] =	vst v63  }
0x34: {  	s29 =	smov.u32 s2;
	s1 =	smov.u32 s0  }
0x35: {  	p1 =	sne.s32 s2, $0x26000;
	s2 =	sadd.s32 $0x1000, s2;
	_ =	swait.ge [sflag:s23], $0x4000  }
0x36: {  	[sflag:s23] =	ssyncset.done $0x0  }
0x37: {  	s30 =	sadd.s32 s29, s18;
	[sflag:s23] =	ssyncadd.s32 $0xFFFFC000  }
0x38: {  	[hbm4b:s30+s4] =	stream.linear.scatter [tilespmem:s25], [sflag:$0x3], $0x4000, $0x38;
	[tilespmem:$0x1E400] =	vst v63  }
0x39: {  	_ =	swait.ge [sflag:s22], $0x4000  }
0x3a: {  	[sflag:s22] =	ssyncset.done $0x0  }
0x3b: {  	s30 =	sadd.s32 $0xFFFFFF80, s0;
	[sflag:s22] =	ssyncadd.s32 $0xFFFFC000  }
0x3c: {  	[tilespmem:s25], [sflag:$0x1] =	stream.indirect.gather [spmem:s3], $0x80, s30, s24, $0xb8;
	[tilespmem:$0x1E400] =	vst v63  }
0x3d: {  	_ =	swait.ge [sflag:s28], $0x4000  }
0x3e: {  	[sflag:s28] =	ssyncset.done $0x0  }
.Ltmp0:
0x3f: {  	s29 =	sadd.s32 s29, s17;
	[sflag:s28] =	ssyncadd.s32 $0xFFFFC000;
	(pc) =	sbr.rel @p1 .LBB2_2-.Ltmp0, $4  }
0x40: {  	[hbm4b:s29+s4] =	stream.linear.scatter [tilespmem:s26], [sflag:$0x3], $0x4000, $0x38;
	[tilespmem:$0x1E400] =	vst v63  }
0x41: {  	_ =	swait.ge [sflag:s22], $0x4000  }
0x42: {  	[sflag:s22] =	ssyncset.done $0x0  }
0x43: {  	s0 =	sadd.s32 $0x100, s0;
	[sflag:s22] =	ssyncadd.s32 $0xFFFFC000  }
0x44: {  	[tilespmem:s26], [sflag:$0x2] =	stream.indirect.gather [spmem:s3], $0x80, s1, s24, $0xb8;
	[tilespmem:$0x1E400] =	vst v63  }
0x45: {  	_ =	swait.ge [sflag:s23], $0x4000  }
0x46: {  	[sflag:s23] =	ssyncset.done $0x0  }
0x47: {  	[sflag:s23] =	ssyncadd.s32 $0xFFFFC000  }
0x48: {  	[hbm4b:s10+s4] =	stream.linear.scatter [tilespmem:s25], [sflag:$0x3], $0x4000, $0x38;
	[tilespmem:$0x1E400] =	vst v63  }
0x49: {  	_ =	swait.ge [sflag:s22], $0x4000  }
0x4a: {  	[sflag:s22] =	ssyncset.done $0x0  }
0x4b: {  	[sflag:s22] =	ssyncadd.s32 $0xFFFFC000  }
0x4c: {  	_ =	swait.ge [sflag:s28], $0x4000  }
0x4d: {  	[sflag:s28] =	ssyncset.done $0x0  }
0x4e: {  	[sflag:s28] =	ssyncadd.s32 $0xFFFFC000  }
0x4f: {  	[hbm4b:s11+s4] =	stream.linear.scatter [tilespmem:s26], [sflag:$0x3], $0x4000, $0x38;
	[tilespmem:$0x1E400] =	vst v63  }
0x50: {  	_ =	swait.ge [sflag:s22], $0x4000  }
0x51: {  	[sflag:s22] =	ssyncset.done $0x0  }
0x52: {  	s0 =	stileid.u32;
	[sflag:s22] =	ssyncadd.s32 $0xFFFFC000  }
0x53: {  	s0 =	sshll.u32 @p0 s0, $0x6;
	[bflag:$0x0] =	sbarrier.arrive $0xFFFF  }
0x54: {  	s1 =	sshrl.u32 @p0 s5, $0x3;
	s0 =	sor.u32 @p0 $0x1C03, s0;
	s2 =	rddreg [dreg:$0x1]  }
0x55: {  	[spmem:s1], [sflag:s0] =	dma.local @p0 [hbm:s2], $0x2780  }
0x56: {  	s0 =	simm.s32 @p0 $0x3  }
0x57: {  	_ =	swait.ge @p0 [sflag:s0], $0x2780  }
0x58: {  	[sflag:s0] =	ssyncset.done @p0 $0x0  }
0x59: {  	[sflag:s0] =	ssyncadd.s32 @p0 $0xFFFFD880  }
0x5a: {  	s1 =	simm.s32 $0x0;
	[bflag:$0x0] =	sbarrier.arrive $0xFFFF  }
0x5b: {  	[tilespmem:s1], [sflag:$0x3] =	stream.linear.gather [hbm4b:s12+s1], $0x2800, $0x38;
	[tilespmem:$0x1E400] =	vst v63  }
0x5c: {  	_ =	swait.ge [sflag:s22], $0x2800  }
0x5d: {  	[sflag:s22] =	ssyncset.done $0x0  }
0x5e: {  	[sflag:s22] =	ssyncadd.s32 $0xFFFFD800  }
0x5f: {  	[tilespmem:s25], [sflag:$0x1] =	stream.linear.gather [hbm4b:s13+s1], $0x4000, $0x38;
	[tilespmem:$0x1E400] =	vst v63  }
0x60: {  	_ = 	snop  }
0x61: {  	[tilespmem:s26], [sflag:$0x2] =	stream.linear.gather [hbm4b:s14+s1], $0x4000, $0x38;
	[tilespmem:$0x1E400] =	vst v63  }
0x62: {  	_ =	swait.ge [sflag:s23], $0x4000  }
0x63: {  	[sflag:s23] =	ssyncset.done $0x0  }
0x64: {  	s2 =	simm.s32 $0x0;
	[sflag:s23] =	ssyncadd.s32 $0xFFFFC000  }
0x65: {  	[spmem:s3] =	stream.indirect.scatter.add.f32 [tilespmem:s25], [sflag:$0x3], $0x80, s2, s24, $0xb8;
	[tilespmem:$0x1E400] =	vst v63  }
0x66: {  	_ =	swait.ge [sflag:s22], $0x4000  }
0x67: {  	[sflag:s22] =	ssyncset.done $0x0  }
0x68: {  	s29 =	sadd.s32 $0x0, s20;
	[sflag:s22] =	ssyncadd.s32 $0xFFFFC000  }
0x69: {  	[tilespmem:s25], [sflag:$0x1] =	stream.linear.gather [hbm4b:s29+s4], $0x4000, $0x38;
	[tilespmem:$0x1E400] =	vst v63  }
0x6a: {  	_ =	swait.ge [sflag:s28], $0x4000  }
0x6b: {  	[sflag:s28] =	ssyncset.done $0x0  }
0x6c: {  	s30 =	simm.s32 $0x80;
	[sflag:s28] =	ssyncadd.s32 $0xFFFFC000  }
0x6d: {  	[spmem:s3] =	stream.indirect.scatter.add.f32 [tilespmem:s26], [sflag:$0x3], $0x80, s30, s24, $0xb8;
	[tilespmem:$0x1E400] =	vst v63  }
0x6e: {  	_ =	swait.ge [sflag:s22], $0x4000  }
0x6f: {  	s0 =	simm.s32 $0x180;
	[sflag:s22] =	ssyncset.done $0x0  }
0x70: {  	s1 =	simm.s32 $0x1000;
	s2 =	sadd.s32 $0x0, s19;
	[sflag:s22] =	ssyncadd.s32 $0xFFFFC000  }
.LBB2_4:
0x71: {  	[tilespmem:s26], [sflag:$0x2] =	stream.linear.gather [hbm4b:s2+s4], $0x4000, $0x38;
	[tilespmem:$0x1E400] =	vst v63  }
0x72: {  	s2 =	smov.u32 s1  }
0x73: {  	p1 =	sne.s32 s1, $0x26000;
	s1 =	sadd.s32 $0x1000, s1;
	_ =	swait.ge [sflag:s23], $0x4000  }
0x74: {  	[sflag:s23] =	ssyncset.done $0x0  }
0x75: {  	s29 =	sadd.s32 $0xFFFFFF80, s0;
	[sflag:s23] =	ssyncadd.s32 $0xFFFFC000  }
0x76: {  	[spmem:s3] =	stream.indirect.scatter.add.f32 [tilespmem:s25], [sflag:$0x3], $0x80, s29, s24, $0xb8;
	[tilespmem:$0x1E400] =	vst v63  }
0x77: {  	_ =	swait.ge [sflag:s22], $0x4000  }
0x78: {  	[sflag:s22] =	ssyncset.done $0x0  }
0x79: {  	s29 =	sadd.s32 s2, s20;
	[sflag:s22] =	ssyncadd.s32 $0xFFFFC000  }
0x7a: {  	[tilespmem:s25], [sflag:$0x1] =	stream.linear.gather [hbm4b:s29+s4], $0x4000, $0x38;
	[tilespmem:$0x1E400] =	vst v63  }
0x7b: {  	_ =	swait.ge [sflag:s28], $0x4000  }
0x7c: {  	[sflag:s28] =	ssyncset.done $0x0  }
.Ltmp1:
0x7d: {  	[sflag:s28] =	ssyncadd.s32 $0xFFFFC000;
	(pc) =	sbr.rel @p1 .LBB2_4-.Ltmp1, $4  }
0x7e: {  	[spmem:s3] =	stream.indirect.scatter.add.f32 [tilespmem:s26], [sflag:$0x3], $0x80, s0, s24, $0xb8;
	[tilespmem:$0x1E400] =	vst v63  }
0x7f: {  	_ =	swait.ge [sflag:s22], $0x4000  }
0x80: {  	[sflag:s22] =	ssyncset.done $0x0  }
0x81: {  	s2 =	sadd.s32 s2, s19;
	s0 =	sadd.s32 $0x100, s0;
	[sflag:s22] =	ssyncadd.s32 $0xFFFFC000  }
0x82: {  	[tilespmem:s26], [sflag:$0x2] =	stream.linear.gather [hbm4b:s2+s4], $0x4000, $0x38;
	[tilespmem:$0x1E400] =	vst v63  }
0x83: {  	_ =	swait.ge [sflag:s23], $0x4000  }
0x84: {  	[sflag:s23] =	ssyncset.done $0x0  }
0x85: {  	s0 =	simm.s32 $0x2700;
	[sflag:s23] =	ssyncadd.s32 $0xFFFFC000  }
0x86: {  	[spmem:s3] =	stream.indirect.scatter.add.f32 [tilespmem:s25], [sflag:$0x3], $0x80, s0, s24, $0xb8;
	[tilespmem:$0x1E400] =	vst v63  }
0x87: {  	_ =	swait.ge [sflag:s22], $0x4000  }
0x88: {  	[sflag:s22] =	ssyncset.done $0x0  }
0x89: {  	[sflag:s22] =	ssyncadd.s32 $0xFFFFC000  }
0x8a: {  	_ =	swait.ge [sflag:s28], $0x4000  }
0x8b: {  	[sflag:s28] =	ssyncset.done $0x0  }
0x8c: {  	s29 =	simm.s32 $0x2780;
	[sflag:s28] =	ssyncadd.s32 $0xFFFFC000  }
0x8d: {  	[spmem:s3] =	stream.indirect.scatter.add.f32 [tilespmem:s26], [sflag:$0x3], $0x80, s29, s24, $0xb8;
	[tilespmem:$0x1E400] =	vst v63  }
0x8e: {  	_ =	swait.ge [sflag:s22], $0x4000  }
0x8f: {  	s31 =	sadd.s32 $0x1, s31;
	[sflag:s22] =	ssyncset.done $0x0  }
0x90: {  	p1 =	sne.s32 s31, s16;
	[sflag:s22] =	ssyncadd.s32 $0xFFFFC000  }
.Ltmp2:
0x91: {  	s30 =	sor.u32 $0x1C03, s6;
	[bflag:$0x0] =	sbarrier.arrive $0xFFFF;
	(pc) =	sbr.rel @p1 .LBB2_1-.Ltmp2, $4  }
0x92: {  	[hbm:s15], [sflag:s30] =	dma.local [spmem:s21], $0x2780  }
0x93: {  	_ =	swait.ge [sflag:s22], $0x2780  }
0x94: {  	[sflag:s22] =	ssyncset.done $0x0  }
0x95: {  	[sflag:s22] =	ssyncadd.s32 $0xFFFFD880  }
0x96: {  	_ =	sfence.sel $0x180000  }
0x97: {  	[bflag:$0x0] =	sbarrier.arrive $0xFFFF  }
0x98: {  	_ =	strace $0x9000004A  }
0x99: {  	s0 =	stileid.u32;
	[bflag:$0x2] =	sbarrier.arrive $0xFFFF  }
0x9a: {  	p0 =	sne.s32 s0, $0x0;
	s0 =	rddreg [dreg:$0x3]  }
0x9b: {  	s0 =	sadd.s32 @!p0 $0x100000, s0  }
0x9c: {  	[sflag:s0] =	ssyncadd.tile.s32 @!p0 $0x1;
	_ =	shalt  }
.Lfunc_end2:
_tile_overlayer_lowered:
.L_overlay_start_2:
0x9d: {  	(tag) =	ssettag $0x2  }
0x9e: {  	s0 =	rddreg [dreg:$0x0];
	s2 =	stileid.u32  }
0x9f: {  	s1 =	rddreg [dreg:$0x1];
	p0 =	sne.s32 s2, $0x0  }
0xa0: {  	s3 =	rddreg [dreg:$0x2];
	[bflag:$0x3] =	sbarrier.arrive $0xFFFF;
	s2 =	simm.s32 @!p0 $0x1C03  }
0xa1: {  	[timem:s3], [sflag:s2] =	dma.local @!p0 [hbm:s0], s1  }
0xa2: {  	s0 =	simm.s32 @!p0 $0x3  }
0xa3: {  	_ =	swait.ge @!p0 [sflag:s0], s1  }
0xa4: {  	s1 =	ssub.s32 @!p0 $0x0, s1;
	[sflag:s0] =	ssyncset.done @!p0 $0x0  }
0xa5: {  	[sflag:s0] =	ssyncadd.s32 @!p0 s1  }
0xa6: {  	[bflag:$0x3] =	sbarrier.arrive $0xFFFF  }
0xa7: {  	_ =	shalt  }

// kernel: kernel.14.cloned.1.call-start
scs
__scs_entry_jumppad:
0x0: {  	(pc) =	sbr.rel $0x88, $3  }
0x1: {  	(tag) =	ssettag $0x0;
	lr =	simm.s32 $0x1  }
0x2: {  	[smem:$0x3F85] =	sst lr;
	_ =	strace $0xD0000000  }
0x3: {  	_ = 	snop  }
0x4: {  	_ = 	snop  }
0x5: {  	_ = 	snop  }
0x6: {  	_ = 	snop  }
0x7: {  	_ = 	snop  }
__scs_overlays_trampoline_lowered:
0x8: {  	[smem:$0x3F94] =	sst s0  }
0x9: {  	[smem:$0x3F95] =	sst s1  }
0xa: {  	[smem:$0x3F96] =	sst s2  }
0xb: {  	[smem:$0x3F97] =	sst s3  }
0xc: {  	[smem:$0x3F98] =	sst s4  }
0xd: {  	[smem:$0x3F99] =	sst s5  }
0xe: {  	[smem:$0x3F9A] =	sst s6  }
0xf: {  	[smem:$0x3F9B] =	sst s7  }
0x10: {  	[smem:$0x3F9C] =	sst s8  }
0x11: {  	[smem:$0x3F9D] =	sst s9;
	s0 =	simm.s32 @!p0 $0x0  }
0x12: {  	s1 =	sld [smem:$0x3F83];
	s0 =	simm.s32 @p0 $0x1  }
0x13: {  	[smem:$0x3F9E] =	sst s0;
	s0 =	simm.s32 @!p1 $0x0  }
0x14: {  	s2 =	sld [smem:$0x3F82];
	s0 =	simm.s32 @p1 $0x1  }
0x15: {  	[smem:$0x3F9F] =	sst s0;
	s0 =	simm.s32 @!p2 $0x0  }
0x16: {  	s3 =	sld [smem:$0x3FDB];
	s0 =	simm.s32 @p2 $0x1  }
0x17: {  	s4 =	simm.s32 $0x1BF5;
	[smem:$0x3FA1] =	sst s0  }
0x18: {  	s0 =	sld [smem:$0x3F84];
	_ =	swait.ge [sflag:s4], $0x0  }
0x19: {  	s7 =	sld [smem:$0x3F85]  }
0x1a: {  	s8 =	sadd.s32 $0xFFFFE003, lr  }
0x1b: {  	s9 =	sadd.s32 $0xFFFFFEF7, lr;
	s5 =	simm.s32 $0xFFFFFFFF;
	p2 =	slt.u32 s8, $0xFFFFF086  }
0x1c: {  	p1 =	slt.u32 s9, $0xF7A;
	s5 =	simm.s32 @!p2 $0x0  }
0x1d: {  	s5 =	simm.s32 @p1 $0x1;
	p0 =	seq.s32 s7, s2  }
0x1e: {  	s7 =	smul.u32 @!p0 $0xF7A, s2;
	p2 =	seq.s32 @!p0 s5, $0x0  }
0x1f: {  	s9 =	smul.u32 $0xF7A, s1;
	s8 =	simm.s32 @!p0 $0x1BF5;
	p2 =	por !p2, p0  }
0x20: {  	[sflag:s8] =	ssyncset.s32 @!p0 $0xFFFFF086;
	s6 =	sadd.s32 @!p0 s3, s7;
	s7 =	simm.s32 @!p0 $0x108  }
0x21: {  	s3 =	sadd.s32 s3, s9;
	s6 =	sadd.s32 @!p0 $0x88, s6;
	s7 =	simm.s32 @p2 $0x1082  }
0x22: {  	[simem:s7], [sflag:s8] =	dma.local @!p0 [hbm:s6], $0xF7A  }
0x23: {  	s9 =	sor.u32 $0xD0000000, s2;
	s6 =	simm.s32 $0x108;
	_ =	swait.ge @!p0 [sflag:s8], $0x0  }
0x24: {  	s3 =	sadd.s32 $0x88, s3;
	s6 =	simm.s32 @!p1 $0x1082;
	[sflag:s4] =	ssyncset.s32 $0xFFFFF086  }
0x25: {  	[simem:s6], [sflag:s4] =	dma.local [hbm:s3], $0xF7A  }
0x26: {  	[smem:$0x3F85] =	sst s1;
	(tag) =	ssettag s2;
	_ =	strace s9  }
0x27: {  	s1 =	sld [smem:$0x3F95]  }
0x28: {  	s2 =	sld [smem:$0x3F96]  }
0x29: {  	s4 =	sld [smem:$0x3F98]  }
0x2a: {  	p0 =	seq.s32 s5, $0x0;
	s5 =	sld [smem:$0x3F99]  }
0x2b: {  	s6 =	sld [smem:$0x3F9A]  }
0x2c: {  	s7 =	sld [smem:$0x3F9B]  }
0x2d: {  	s3 =	simm.s32 $0x108;
	s8 =	sld [smem:$0x3F9C]  }
0x2e: {  	s3 =	simm.s32 @!p0 $0x1082;
	s9 =	sld [smem:$0x3F9D]  }
0x2f: {  	lr =	sadd.s32 s0, s3;
	s0 =	sld [smem:$0x3F94]  }
0x30: {  	s3 =	sld [smem:$0x3F97]  }
0x31: {  	[smem:$0x3FA0] =	sst s10  }
0x32: {  	s10 =	sld [smem:$0x3F9E];
	_ =	sdelay $0x3  }
0x33: {  	p0 =	seq.s32 s10, $0x1;
	s10 =	sld [smem:$0x3FA0];
	_ =	sdelay $0x3  }
0x34: {  	[smem:$0x3FA0] =	sst s10  }
0x35: {  	s10 =	sld [smem:$0x3F9F];
	_ =	sdelay $0x3  }
0x36: {  	p1 =	seq.s32 s10, $0x1;
	s10 =	sld [smem:$0x3FA0];
	_ =	sdelay $0x3  }
0x37: {  	[smem:$0x3FA0] =	sst s10  }
0x38: {  	s10 =	sld [smem:$0x3FA1]  }
0x39: {  	_ = 	snop;
	(pc) =	sbr.ind lr, $3  }
0x3a: {  	_ = 	snop  }
0x3b: {  	_ = 	snop  }
0x3c: {  	p2 =	seq.s32 s10, $0x1;
	s10 =	sld [smem:$0x3FA0]  }
0x3d: {  	_ =	shalt  }
0x3e: {  	_ =	shalt  }
0x3f: {  	_ =	shalt  }
0x40: {  	_ =	shalt  }
0x41: {  	_ =	shalt  }
0x42: {  	_ =	shalt  }
0x43: {  	_ =	shalt  }
0x44: {  	_ =	shalt  }
0x45: {  	_ =	shalt  }
0x46: {  	_ =	shalt  }
0x47: {  	_ =	shalt  }
0x48: {  	_ =	shalt  }
0x49: {  	_ =	shalt  }
0x4a: {  	_ =	shalt  }
0x4b: {  	_ =	shalt  }
0x4c: {  	_ =	shalt  }
0x4d: {  	_ =	shalt  }
0x4e: {  	_ =	shalt  }
0x4f: {  	_ =	shalt  }
0x50: {  	_ =	shalt  }
0x51: {  	_ =	shalt  }
0x52: {  	_ =	shalt  }
0x53: {  	_ =	shalt  }
0x54: {  	_ =	shalt  }
0x55: {  	_ =	shalt  }
0x56: {  	_ =	shalt  }
0x57: {  	_ =	shalt  }
0x58: {  	_ =	shalt  }
0x59: {  	_ =	shalt  }
0x5a: {  	_ =	shalt  }
0x5b: {  	_ =	shalt  }
0x5c: {  	_ =	shalt  }
0x5d: {  	_ =	shalt  }
0x5e: {  	_ =	shalt  }
0x5f: {  	_ =	shalt  }
0x60: {  	_ =	shalt  }
0x61: {  	_ =	shalt  }
0x62: {  	_ =	shalt  }
0x63: {  	_ =	shalt  }
0x64: {  	_ =	shalt  }
0x65: {  	_ =	shalt  }
0x66: {  	_ =	shalt  }
0x67: {  	_ =	shalt  }
0x68: {  	_ =	shalt  }
0x69: {  	_ =	shalt  }
0x6a: {  	_ =	shalt  }
0x6b: {  	_ =	shalt  }
0x6c: {  	_ =	shalt  }
0x6d: {  	_ =	shalt  }
0x6e: {  	_ =	shalt  }
0x6f: {  	_ =	shalt  }
0x70: {  	_ =	shalt  }
0x71: {  	_ =	shalt  }
0x72: {  	_ =	shalt  }
0x73: {  	_ =	shalt  }
0x74: {  	_ =	shalt  }
0x75: {  	_ =	shalt  }
0x76: {  	_ =	shalt  }
0x77: {  	_ =	shalt  }
0x78: {  	_ =	shalt  }
0x79: {  	_ =	shalt  }
0x7a: {  	_ =	shalt  }
0x7b: {  	_ =	shalt  }
0x7c: {  	_ =	shalt  }
0x7d: {  	_ =	shalt  }
0x7e: {  	_ =	shalt  }
0x7f: {  	_ =	shalt  }
0x80: {  	_ =	shalt  }
0x81: {  	_ =	shalt  }
0x82: {  	_ =	shalt  }
0x83: {  	_ =	shalt  }
0x84: {  	_ =	shalt  }
0x85: {  	_ =	shalt  }
0x86: {  	_ =	shalt  }
0x87: {  	_ =	shalt  }
.Lfunc_end0:
.L_simem_size_0:
called_computation.2_lowered:
.L_overlay_start_0:
0x88: {  	s2 =	sld [smem:$0x3FD9]  }
0x89: {  	s3 =	sld [smem:$0x3FFE];
	_ =	sdelay $0x1  }
0x8a: {  	s1 =	srdreg.scid  }
0x8b: {  	s0 =	sand.u32 $0x1, s1  }
0x8c: {  	s17 =	sshll.u32 s0, $0xA;
	s2 =	sadd.s32 s3, s2  }
0x8d: {  	s2 =	sadd.s32 s2, s17  }
0x8e: {  	[smem:$0x3FAC] =	sst s2  }
0x8f: {  	_ = 	snop  }
0x90: {  	s2 =	sld [smem:$0x3FD0];
	(tm) =	ssettm $0x1  }
0x91: {  	s18 =	sld [smem:$0x3FFB];
	_ =	sdelay $0x3  }
0x92: {  	_ =	strace s18  }
0x93: {  	s3 =	sld [smem:$0x3FFC];
	_ =	sdelay $0x3  }
0x94: {  	_ =	strace s3  }
0x95: {  	s3 =	sld [smem:$0x3FFD];
	_ =	sdelay $0x3  }
0x96: {  	_ =	strace s3  }
0x97: {  	_ =	strace $0x8FFFFFFF  }
0x98: {  	s19 =	sld [smem:$0x3FDB];
	_ =	sdelay $0x1  }
0x99: {  	s4 =	simm.s32 $_scs_section_size  }
0x9a: {  	s5 =	simm.s32 $_size__tile_overlayer_lowered;
	s6 =	simm.s32 $_tile_overlayer_lowered  }
0x9b: {  	s22 =	simm.s32 $0x1BFF;
	s21 =	sshll.u32 s6, $0x1;
	s3 =	sadd.s32 s4, s19  }
0x9c: {  	s7 =	simm.s32 $0x0;
	s20 =	sshll.u32 s5, $0x1;
	s5 =	sadd.s32 s21, s3  }
0x9d: {  	[timem:s7], [sflag:s22] =	dma.local [hbm:s5], s20  }
0x9e: {  	_ =	swait.ge [sflag:s22], s20  }
0x9f: {  	s4 =	ssub.s32 $0x0, s20;
	[sflag:s22] =	ssyncset.done $0x0  }
0xa0: {  	[sflag:s22] =	ssyncadd.s32 s4;
	_ =	sdelay $0x1  }
0xa1: {  	s23 =	simm.s32 $0x1B8B  }
0xa2: {  	_ =	swait.ge [sflag:s23], $0x1  }
0xa3: {  	[sflag:s23] =	ssyncset.done $0x0  }
0xa4: {  	s25 =	simm.s32 $0x1B8E;
	s24 =	sld [smem:$0x3FFE];
	[sflag:s23] =	ssyncadd.s32 $0xFFFFFFFF  }
0xa5: {  	s26 =	simm.s32 $execute0_lowered;
	[smem:$0x3FD2] =	sst s25  }
0xa6: {  	s5 =	sshll.u32 s26, $0x1;
	_ =	strace $0x8000004C;
	[dreg:$0x1] =	wrdreg $0xFFFFFFFF  }
0xa7: {  	s28 =	simm.s32 $_size_execute0_lowered;
	s3 =	sadd.s32 s3, s5;
	[dreg:$0x0] =	wrdreg $0x0  }
0xa8: {  	s5 =	sshll.u32 s28, $0x1;
	[dreg:$0x2] =	wrdreg s3  }
0xa9: {  	[dreg:$0x3] =	wrdreg s5  }
0xaa: {  	[dreg:$0x4] =	wrdreg $0xC0  }
0xab: {  	_ =	task [dreg:s7], $0x5FFFF  }
0xac: {  	[dreg:$0x1] =	wrdreg $0xFFFFFFFF  }
0xad: {  	[dreg:$0x0] =	wrdreg $0x60  }
0xae: {  	[dreg:$0x2] =	wrdreg s24  }
0xaf: {  	[dreg:$0x3] =	wrdreg s2  }
0xb0: {  	[dreg:$0x4] =	wrdreg $0xA8000  }
0xb1: {  	[dreg:$0x5] =	wrdreg $0x9  }
0xb2: {  	_ =	task.clear_ibuf [dreg:s7], $0x6FFFF;
	_ =	strace $0x9000004C  }
0xb3: {  	s29 =	simm.s32 $0x9;
	_ =	strace $0x8000004E  }
0xb4: {  	_ =	swait.ge [sflag:s29], $0x1  }
0xb5: {  	[sflag:s29] =	ssyncadd.s32 $0xFFFFFFFF  }
0xb6: {  	_ =	strace $0x9000004E  }
0xb7: {  	_ =	sfence  }
0xb8: {  	s30 =	sld [smem:$0x0];
	_ =	sdelay $0x2  }
0xb9: {  	s31 =	sshll.u32 s1, $0xD;
	s1 =	sshrl.u32 s1, $0x2  }
0xba: {  	s3 =	sand.u32 $0x4000, s31;
	s1 =	sadd.s32 s1, s30  }
0xbb: {  	s0 =	sor.u32 s3, s0;
	s1 =	sshll.u32 s1, $0x11  }
0xbc: {  	s0 =	sor.u32 s1, s0  }
0xbd: {  	s0 =	sadd.s32 $0x8F2B, s0  }
0xbe: {  	[sflag:s0] =	ssyncadd.remote.s32 $0x1  }
0xbf: {  	_ =	sfence.sel $0xFFFF  }
0xc0: {  	[dreg:$0x0] =	wrdreg $0xFFFFFFFF;
	(pc) =	sbr.abs _section_cstart, $3  }
0xc1: {  	[dreg:$0x1] =	wrdreg $0xFFFFFFFF  }
0xc2: {  	_ =	task.clear_ibuf [dreg:s7], $0x2FFFF;
	_ =	strace $0x9FFFFFFF  }
0xc3: {  	(tm) =	ssettm $0x7FFFFFFF  }
tec
execute0_lowered:
.L_overlay_start_1:
0x0: {  	(tag) =	ssettag $0x1  }
0x1: {  	s18 =	stileid.u32  }
0x2: {  	s0 =	srdreg.scid;
	s6 =	smul.u32 $0x13C00, s18  }
0x3: {  	s1 =	rddreg [dreg:$0x0];
	s25 =	smul.u32 $0x4F000, s18  }
0x4: {  	s3 =	rddreg [dreg:$0x2];
	s4 =	simm.s32 $0x0;
	s14 =	smul.u32 $0xA0, s18  }
0x5: {  	s28 =	simm.s32 $0x2;
	s0 =	sand.u32 $0x1, s0;
	s30 =	smul.u32 $0x50000, s18  }
0x6: {  	s31 =	simm.s32 $0x0;
	s2 =	sshll.u32 s18, $0x1;
	s7 =	smul.u32 $0x13C000, s0  }
0x7: {  	[smem:$0x7FF] =	sst s4;
	s2 =	sor.u32 s0, s2;
	s17 =	smul.u32 $0x50, s0  }
0x8: {  	s26 =	ssub.s32 $0x2, s0;
	p2 =	seq.s32 s0, $0x0;
	s0 =	smul.u32 $0x28000, s0  }
0x9: {  	p1 =	slt.u32 s18, $0x8;
	_ =	strace $0x8000004D;
	s5 =	smul.u32 $0x500, s2  }
0xa: {  	p0 =	por !p1, !p1;
	s22 =	sshrl.u32 s6, $0x3;
	s9 =	smul.u32 $0x140000, s2  }
0xb: {  	s8 =	sshrl.u32 s26, $0x1;
	s2 =	smul.u32 $0x28000, s2;
	p0 =	por @!p2 p1, p1  }
0xc: {  	s6 =	sadd.s32 s6, s7;
	s23 =	sadd.s32 s22, s1;
	s16 =	ssub.s32 s26, s8  }
0xd: {  	s29 =	sadd.s32 s17, s14;
	s22 =	simm.s32 $0x3;
	s26 =	simm.s32 $0x6800  }
0xe: {  	s12 =	sadd.s32 s5, s1;
	s24 =	sshrl.u32 s6, $0x3;
	s6 =	sshrl.u32 s25, $0x2  }
0xf: {  	s7 =	sadd.s32 $0x19400, s23;
	s10 =	sshrl.u32 s9, $0x3;
	s16 =	smax.u32 s16, $0x1  }
0x10: {  	s23 =	simm.s32 $0x1;
	s25 =	simm.s32 $0x2800;
	s15 =	sadd.s32 s24, s1  }
0x11: {  	s1 =	sadd.s32 $0x40C00, s1;
	s5 =	sadd.s32 s6, s3;
	s6 =	sshll.u32 s18, $0x6  }
0x12: {  	s9 =	sadd.s32 $0xF400, s12;
	s12 =	sadd.s32 $0x5400, s12;
	s24 =	simm.s32 $0x80  }
0x13: {  	s8 =	sor.u32 $0x1C01, s6;
	s11 =	sadd.s32 s1, s10;
	s13 =	sadd.s32 s1, s2  }
0x14: {  	s2 =	sshll.u32 s29, $0xB;
	s15 =	sadd.s32 $0x540C00, s15;
	s21 =	sshrl.u32 s5, $0x3  }
0x15: {  	s10 =	sadd.s32 $0x27000, s11;
	s11 =	sadd.s32 $0x27800, s11;
	s2 =	sadd.s32 s2, s1  }
0x16: {  	s14 =	sadd.s32 $0x800, s13;
	s1 =	sadd.s32 s30, s1;
	s17 =	sadd.s32 $0x800, s2  }
0x17: {  	s18 =	sadd.s32 s0, s1;
	s19 =	sadd.s32 $0x1800, s2;
	s20 =	sadd.s32 $0x1000, s2  }
.LBB2_1:
0x18: {  	[spmem:s21], [sflag:s8] =	dma.local [hbm:s7], $0x2780  }
0x19: {  	[tilespmem:s4], [sflag:$0x3] =	stream.linear.gather [hbm4b:s9+s4], $0x2800, $0x38;
	[tilespmem:$0x1E400] =	vst v63  }
0x1a: {  	_ =	swait.ge [sflag:s22], $0x2800  }
0x1b: {  	[sflag:s22] =	ssyncset.done $0x0  }
0x1c: {  	[sflag:s22] =	ssyncadd.s32 $0xFFFFD800  }
0x1d: {  	_ =	swait.ge [sflag:s23], $0x2780  }
0x1e: {  	[sflag:s23] =	ssyncset.done $0x0  }
0x1f: {  	[sflag:s23] =	ssyncadd.s32 $0xFFFFD880  }
0x20: {  	[bflag:$0x0] =	sbarrier.arrive $0xFFFF  }
0x21: {  	[tilespmem:s25], [sflag:$0x1] =	stream.indirect.gather [spmem:s3], $0x80, s4, s24, $0xb8;
	[tilespmem:$0x1E400] =	vst v63  }
0x22: {  	_ = 	snop  }
0x23: {  	[tilespmem:s26], [sflag:$0x2] =	stream.indirect.gather [spmem:s3], $0x80, s24, s24, $0xb8;
	[tilespmem:$0x1E400] =	vst v63  }
0x24: {  	_ =	swait.ge [sflag:s23], $0x4000  }
0x25: {  	[sflag:s23] =	ssyncset.done $0x0  }
0x26: {  	s0 =	sadd.s32 $0x0, s18;
	[sflag:s23] =	ssyncadd.s32 $0xFFFFC000  }
0x27: {  	[hbm4b:s0+s4] =	stream.linear.scatter [tilespmem:s25], [sflag:$0x3], $0x4000, $0x38;
	[tilespmem:$0x1E400] =	vst v63  }
0x28: {  	_ =	swait.ge [sflag:s22], $0x4000  }
0x29: {  	[sflag:s22] =	ssyncset.done $0x0  }
0x2a: {  	s29 =	simm.s32 $0x100;
	[sflag:s22] =	ssyncadd.s32 $0xFFFFC000  }
0x2b: {  	[tilespmem:s25], [sflag:$0x1] =	stream.indirect.gather [spmem:s3], $0x80, s29, s24, $0xb8;
	[tilespmem:$0x1E400] =	vst v63  }
0x2c: {  	_ =	swait.ge [sflag:s28], $0x4000  }
0x2d: {  	[sflag:s28] =	ssyncset.done $0x0  }
0x2e: {  	s30 =	sadd.s32 $0x0, s17;
	[sflag:s28] =	ssyncadd.s32 $0xFFFFC000  }
0x2f: {  	[hbm4b:s30+s4] =	stream.linear.scatter [tilespmem:s26], [sflag:$0x3], $0x4000, $0x38;
	[tilespmem:$0x1E400] =	vst v63  }
0x30: {  	_ =	swait.ge [sflag:s22], $0x4000  }
0x31: {  	s1 =	simm.s32 $0x180;
	[sflag:s22] =	ssyncset.done $0x0  }
0x32: {  	s2 =	simm.s32 $0x1000;
	s0 =	simm.s32 $0x280;
	[sflag:s22] =	ssyncadd.s32 $0xFFFFC000  }
.LBB2_2:
0x33: {  	[tilespmem:s26], [sflag:$0x2] =	stream.indirect.gather [spmem:s3], $0x80, s1, s24, $0xb8;
	[tilespmem:$0x1E400] =	vst v63  }
0x34: {  	s29 =	smov.u32 s2;
	s1 =	smov.u32 s0  }
0x35: {  	p1 =	sne.s32 s2, $0x26000;
	s2 =	sadd.s32 $0x1000, s2;
	_ =	swait.ge [sflag:s23], $0x4000  }
0x36: {  	[sflag:s23] =	ssyncset.done $0x0  }
0x37: {  	s30 =	sadd.s32 s29, s18;
	[sflag:s23] =	ssyncadd.s32 $0xFFFFC000  }
0x38: {  	[hbm4b:s30+s4] =	stream.linear.scatter [tilespmem:s25], [sflag:$0x3], $0x4000, $0x38;
	[tilespmem:$0x1E400] =	vst v63  }
0x39: {  	_ =	swait.ge [sflag:s22], $0x4000  }
0x3a: {  	[sflag:s22] =	ssyncset.done $0x0  }
0x3b: {  	s30 =	sadd.s32 $0xFFFFFF80, s0;
	[sflag:s22] =	ssyncadd.s32 $0xFFFFC000  }
0x3c: {  	[tilespmem:s25], [sflag:$0x1] =	stream.indirect.gather [spmem:s3], $0x80, s30, s24, $0xb8;
	[tilespmem:$0x1E400] =	vst v63  }
0x3d: {  	_ =	swait.ge [sflag:s28], $0x4000  }
0x3e: {  	[sflag:s28] =	ssyncset.done $0x0  }
.Ltmp0:
0x3f: {  	s29 =	sadd.s32 s29, s17;
	[sflag:s28] =	ssyncadd.s32 $0xFFFFC000;
	(pc) =	sbr.rel @p1 .LBB2_2-.Ltmp0, $4  }
0x40: {  	[hbm4b:s29+s4] =	stream.linear.scatter [tilespmem:s26], [sflag:$0x3], $0x4000, $0x38;
	[tilespmem:$0x1E400] =	vst v63  }
0x41: {  	_ =	swait.ge [sflag:s22], $0x4000  }
0x42: {  	[sflag:s22] =	ssyncset.done $0x0  }
0x43: {  	s0 =	sadd.s32 $0x100, s0;
	[sflag:s22] =	ssyncadd.s32 $0xFFFFC000  }
0x44: {  	[tilespmem:s26], [sflag:$0x2] =	stream.indirect.gather [spmem:s3], $0x80, s1, s24, $0xb8;
	[tilespmem:$0x1E400] =	vst v63  }
0x45: {  	_ =	swait.ge [sflag:s23], $0x4000  }
0x46: {  	[sflag:s23] =	ssyncset.done $0x0  }
0x47: {  	[sflag:s23] =	ssyncadd.s32 $0xFFFFC000  }
0x48: {  	[hbm4b:s10+s4] =	stream.linear.scatter [tilespmem:s25], [sflag:$0x3], $0x4000, $0x38;
	[tilespmem:$0x1E400] =	vst v63  }
0x49: {  	_ =	swait.ge [sflag:s22], $0x4000  }
0x4a: {  	[sflag:s22] =	ssyncset.done $0x0  }
0x4b: {  	[sflag:s22] =	ssyncadd.s32 $0xFFFFC000  }
0x4c: {  	_ =	swait.ge [sflag:s28], $0x4000  }
0x4d: {  	[sflag:s28] =	ssyncset.done $0x0  }
0x4e: {  	[sflag:s28] =	ssyncadd.s32 $0xFFFFC000  }
0x4f: {  	[hbm4b:s11+s4] =	stream.linear.scatter [tilespmem:s26], [sflag:$0x3], $0x4000, $0x38;
	[tilespmem:$0x1E400] =	vst v63  }
0x50: {  	_ =	swait.ge [sflag:s22], $0x4000  }
0x51: {  	[sflag:s22] =	ssyncset.done $0x0  }
0x52: {  	s0 =	stileid.u32;
	[sflag:s22] =	ssyncadd.s32 $0xFFFFC000  }
0x53: {  	s0 =	sshll.u32 @p0 s0, $0x6;
	[bflag:$0x0] =	sbarrier.arrive $0xFFFF  }
0x54: {  	s1 =	sshrl.u32 @p0 s5, $0x3;
	s0 =	sor.u32 @p0 $0x1C03, s0;
	s2 =	rddreg [dreg:$0x1]  }
0x55: {  	[spmem:s1], [sflag:s0] =	dma.local @p0 [hbm:s2], $0x2780  }
0x56: {  	s0 =	simm.s32 @p0 $0x3  }
0x57: {  	_ =	swait.ge @p0 [sflag:s0], $0x2780  }
0x58: {  	[sflag:s0] =	ssyncset.done @p0 $0x0  }
0x59: {  	[sflag:s0] =	ssyncadd.s32 @p0 $0xFFFFD880  }
0x5a: {  	s1 =	simm.s32 $0x0;
	[bflag:$0x0] =	sbarrier.arrive $0xFFFF  }
0x5b: {  	[tilespmem:s1], [sflag:$0x3] =	stream.linear.gather [hbm4b:s12+s1], $0x2800, $0x38;
	[tilespmem:$0x1E400] =	vst v63  }
0x5c: {  	_ =	swait.ge [sflag:s22], $0x2800  }
0x5d: {  	[sflag:s22] =	ssyncset.done $0x0  }
0x5e: {  	[sflag:s22] =	ssyncadd.s32 $0xFFFFD800  }
0x5f: {  	[tilespmem:s25], [sflag:$0x1] =	stream.linear.gather [hbm4b:s13+s1], $0x4000, $0x38;
	[tilespmem:$0x1E400] =	vst v63  }
0x60: {  	_ = 	snop  }
0x61: {  	[tilespmem:s26], [sflag:$0x2] =	stream.linear.gather [hbm4b:s14+s1], $0x4000, $0x38;
	[tilespmem:$0x1E400] =	vst v63  }
0x62: {  	_ =	swait.ge [sflag:s23], $0x4000  }
0x63: {  	[sflag:s23] =	ssyncset.done $0x0  }
0x64: {  	s2 =	simm.s32 $0x0;
	[sflag:s23] =	ssyncadd.s32 $0xFFFFC000  }
0x65: {  	[spmem:s3] =	stream.indirect.scatter.add.f32 [tilespmem:s25], [sflag:$0x3], $0x80, s2, s24, $0xb8;
	[tilespmem:$0x1E400] =	vst v63  }
0x66: {  	_ =	swait.ge [sflag:s22], $0x4000  }
0x67: {  	[sflag:s22] =	ssyncset.done $0x0  }
0x68: {  	s29 =	sadd.s32 $0x0, s20;
	[sflag:s22] =	ssyncadd.s32 $0xFFFFC000  }
0x69: {  	[tilespmem:s25], [sflag:$0x1] =	stream.linear.gather [hbm4b:s29+s4], $0x4000, $0x38;
	[tilespmem:$0x1E400] =	vst v63  }
0x6a: {  	_ =	swait.ge [sflag:s28], $0x4000  }
0x6b: {  	[sflag:s28] =	ssyncset.done $0x0  }
0x6c: {  	s30 =	simm.s32 $0x80;
	[sflag:s28] =	ssyncadd.s32 $0xFFFFC000  }
0x6d: {  	[spmem:s3] =	stream.indirect.scatter.add.f32 [tilespmem:s26], [sflag:$0x3], $0x80, s30, s24, $0xb8;
	[tilespmem:$0x1E400] =	vst v63  }
0x6e: {  	_ =	swait.ge [sflag:s22], $0x4000  }
0x6f: {  	s0 =	simm.s32 $0x180;
	[sflag:s22] =	ssyncset.done $0x0  }
0x70: {  	s1 =	simm.s32 $0x1000;
	s2 =	sadd.s32 $0x0, s19;
	[sflag:s22] =	ssyncadd.s32 $0xFFFFC000  }
.LBB2_4:
0x71: {  	[tilespmem:s26], [sflag:$0x2] =	stream.linear.gather [hbm4b:s2+s4], $0x4000, $0x38;
	[tilespmem:$0x1E400] =	vst v63  }
0x72: {  	s2 =	smov.u32 s1  }
0x73: {  	p1 =	sne.s32 s1, $0x26000;
	s1 =	sadd.s32 $0x1000, s1;
	_ =	swait.ge [sflag:s23], $0x4000  }
0x74: {  	[sflag:s23] =	ssyncset.done $0x0  }
0x75: {  	s29 =	sadd.s32 $0xFFFFFF80, s0;
	[sflag:s23] =	ssyncadd.s32 $0xFFFFC000  }
0x76: {  	[spmem:s3] =	stream.indirect.scatter.add.f32 [tilespmem:s25], [sflag:$0x3], $0x80, s29, s24, $0xb8;
	[tilespmem:$0x1E400] =	vst v63  }
0x77: {  	_ =	swait.ge [sflag:s22], $0x4000  }
0x78: {  	[sflag:s22] =	ssyncset.done $0x0  }
0x79: {  	s29 =	sadd.s32 s2, s20;
	[sflag:s22] =	ssyncadd.s32 $0xFFFFC000  }
0x7a: {  	[tilespmem:s25], [sflag:$0x1] =	stream.linear.gather [hbm4b:s29+s4], $0x4000, $0x38;
	[tilespmem:$0x1E400] =	vst v63  }
0x7b: {  	_ =	swait.ge [sflag:s28], $0x4000  }
0x7c: {  	[sflag:s28] =	ssyncset.done $0x0  }
.Ltmp1:
0x7d: {  	[sflag:s28] =	ssyncadd.s32 $0xFFFFC000;
	(pc) =	sbr.rel @p1 .LBB2_4-.Ltmp1, $4  }
0x7e: {  	[spmem:s3] =	stream.indirect.scatter.add.f32 [tilespmem:s26], [sflag:$0x3], $0x80, s0, s24, $0xb8;
	[tilespmem:$0x1E400] =	vst v63  }
0x7f: {  	_ =	swait.ge [sflag:s22], $0x4000  }
0x80: {  	[sflag:s22] =	ssyncset.done $0x0  }
0x81: {  	s2 =	sadd.s32 s2, s19;
	s0 =	sadd.s32 $0x100, s0;
	[sflag:s22] =	ssyncadd.s32 $0xFFFFC000  }
0x82: {  	[tilespmem:s26], [sflag:$0x2] =	stream.linear.gather [hbm4b:s2+s4], $0x4000, $0x38;
	[tilespmem:$0x1E400] =	vst v63  }
0x83: {  	_ =	swait.ge [sflag:s23], $0x4000  }
0x84: {  	[sflag:s23] =	ssyncset.done $0x0  }
0x85: {  	s0 =	simm.s32 $0x2700;
	[sflag:s23] =	ssyncadd.s32 $0xFFFFC000  }
0x86: {  	[spmem:s3] =	stream.indirect.scatter.add.f32 [tilespmem:s25], [sflag:$0x3], $0x80, s0, s24, $0xb8;
	[tilespmem:$0x1E400] =	vst v63  }
0x87: {  	_ =	swait.ge [sflag:s22], $0x4000  }
0x88: {  	[sflag:s22] =	ssyncset.done $0x0  }
0x89: {  	[sflag:s22] =	ssyncadd.s32 $0xFFFFC000  }
0x8a: {  	_ =	swait.ge [sflag:s28], $0x4000  }
0x8b: {  	[sflag:s28] =	ssyncset.done $0x0  }
0x8c: {  	s29 =	simm.s32 $0x2780;
	[sflag:s28] =	ssyncadd.s32 $0xFFFFC000  }
0x8d: {  	[spmem:s3] =	stream.indirect.scatter.add.f32 [tilespmem:s26], [sflag:$0x3], $0x80, s29, s24, $0xb8;
	[tilespmem:$0x1E400] =	vst v63  }
0x8e: {  	_ =	swait.ge [sflag:s22], $0x4000  }
0x8f: {  	s31 =	sadd.s32 $0x1, s31;
	[sflag:s22] =	ssyncset.done $0x0  }
0x90: {  	p1 =	sne.s32 s31, s16;
	[sflag:s22] =	ssyncadd.s32 $0xFFFFC000  }
.Ltmp2:
0x91: {  	s30 =	sor.u32 $0x1C03, s6;
	[bflag:$0x0] =	sbarrier.arrive $0xFFFF;
	(pc) =	sbr.rel @p1 .LBB2_1-.Ltmp2, $4  }
0x92: {  	[hbm:s15], [sflag:s30] =	dma.local [spmem:s21], $0x2780  }
0x93: {  	_ =	swait.ge [sflag:s22], $0x2780  }
0x94: {  	[sflag:s22] =	ssyncset.done $0x0  }
0x95: {  	[sflag:s22] =	ssyncadd.s32 $0xFFFFD880  }
0x96: {  	_ =	sfence.sel $0x180000  }
0x97: {  	[bflag:$0x0] =	sbarrier.arrive $0xFFFF  }
0x98: {  	_ =	strace $0x9000004D  }
0x99: {  	s0 =	stileid.u32;
	[bflag:$0x2] =	sbarrier.arrive $0xFFFF  }
0x9a: {  	p0 =	sne.s32 s0, $0x0;
	s0 =	rddreg [dreg:$0x3]  }
0x9b: {  	s0 =	sadd.s32 @!p0 $0x100000, s0  }
0x9c: {  	[sflag:s0] =	ssyncadd.tile.s32 @!p0 $0x1;
	_ =	shalt  }
.Lfunc_end2:
_tile_overlayer_lowered:
.L_overlay_start_2:
0x9d: {  	(tag) =	ssettag $0x2  }
0x9e: {  	s0 =	rddreg [dreg:$0x0];
	s2 =	stileid.u32  }
0x9f: {  	s1 =	rddreg [dreg:$0x1];
	p0 =	sne.s32 s2, $0x0  }
0xa0: {  	s3 =	rddreg [dreg:$0x2];
	[bflag:$0x3] =	sbarrier.arrive $0xFFFF;
	s2 =	simm.s32 @!p0 $0x1C03  }
0xa1: {  	[timem:s3], [sflag:s2] =	dma.local @!p0 [hbm:s0], s1  }
0xa2: {  	s0 =	simm.s32 @!p0 $0x3  }
0xa3: {  	_ =	swait.ge @!p0 [sflag:s0], s1  }
0xa4: {  	s1 =	ssub.s32 @!p0 $0x0, s1;
	[sflag:s0] =	ssyncset.done @!p0 $0x0  }
0xa5: {  	[sflag:s0] =	ssyncadd.s32 @!p0 s1  }
0xa6: {  	[bflag:$0x3] =	sbarrier.arrive $0xFFFF  }
0xa7: {  	_ =	shalt  }

// kernel: kernel.8.cloned.1.call-start
scs
__scs_entry_jumppad:
0x0: {  	(pc) =	sbr.rel $0x88, $3  }
0x1: {  	(tag) =	ssettag $0x0;
	lr =	simm.s32 $0x1  }
0x2: {  	[smem:$0x3F85] =	sst lr;
	_ =	strace $0xD0000000  }
0x3: {  	_ = 	snop  }
0x4: {  	_ = 	snop  }
0x5: {  	_ = 	snop  }
0x6: {  	_ = 	snop  }
0x7: {  	_ = 	snop  }
__scs_overlays_trampoline_lowered:
0x8: {  	[smem:$0x3F94] =	sst s0  }
0x9: {  	[smem:$0x3F95] =	sst s1  }
0xa: {  	[smem:$0x3F96] =	sst s2  }
0xb: {  	[smem:$0x3F97] =	sst s3  }
0xc: {  	[smem:$0x3F98] =	sst s4  }
0xd: {  	[smem:$0x3F99] =	sst s5  }
0xe: {  	[smem:$0x3F9A] =	sst s6  }
0xf: {  	[smem:$0x3F9B] =	sst s7  }
0x10: {  	[smem:$0x3F9C] =	sst s8  }
0x11: {  	[smem:$0x3F9D] =	sst s9;
	s0 =	simm.s32 @!p0 $0x0  }
0x12: {  	s1 =	sld [smem:$0x3F83];
	s0 =	simm.s32 @p0 $0x1  }
0x13: {  	[smem:$0x3F9E] =	sst s0;
	s0 =	simm.s32 @!p1 $0x0  }
0x14: {  	s2 =	sld [smem:$0x3F82];
	s0 =	simm.s32 @p1 $0x1  }
0x15: {  	[smem:$0x3F9F] =	sst s0;
	s0 =	simm.s32 @!p2 $0x0  }
0x16: {  	s3 =	sld [smem:$0x3FDB];
	s0 =	simm.s32 @p2 $0x1  }
0x17: {  	s4 =	simm.s32 $0x1BF5;
	[smem:$0x3FA1] =	sst s0  }
0x18: {  	s0 =	sld [smem:$0x3F84];
	_ =	swait.ge [sflag:s4], $0x0  }
0x19: {  	s7 =	sld [smem:$0x3F85]  }
0x1a: {  	s8 =	sadd.s32 $0xFFFFE003, lr  }
0x1b: {  	s9 =	sadd.s32 $0xFFFFFEF7, lr;
	s5 =	simm.s32 $0xFFFFFFFF;
	p2 =	slt.u32 s8, $0xFFFFF086  }
0x1c: {  	p1 =	slt.u32 s9, $0xF7A;
	s5 =	simm.s32 @!p2 $0x0  }
0x1d: {  	s5 =	simm.s32 @p1 $0x1;
	p0 =	seq.s32 s7, s2  }
0x1e: {  	s7 =	smul.u32 @!p0 $0xF7A, s2;
	p2 =	seq.s32 @!p0 s5, $0x0  }
0x1f: {  	s9 =	smul.u32 $0xF7A, s1;
	s8 =	simm.s32 @!p0 $0x1BF5;
	p2 =	por !p2, p0  }
0x20: {  	[sflag:s8] =	ssyncset.s32 @!p0 $0xFFFFF086;
	s6 =	sadd.s32 @!p0 s3, s7;
	s7 =	simm.s32 @!p0 $0x108  }
0x21: {  	s3 =	sadd.s32 s3, s9;
	s6 =	sadd.s32 @!p0 $0x88, s6;
	s7 =	simm.s32 @p2 $0x1082  }
0x22: {  	[simem:s7], [sflag:s8] =	dma.local @!p0 [hbm:s6], $0xF7A  }
0x23: {  	s9 =	sor.u32 $0xD0000000, s2;
	s6 =	simm.s32 $0x108;
	_ =	swait.ge @!p0 [sflag:s8], $0x0  }
0x24: {  	s3 =	sadd.s32 $0x88, s3;
	s6 =	simm.s32 @!p1 $0x1082;
	[sflag:s4] =	ssyncset.s32 $0xFFFFF086  }
0x25: {  	[simem:s6], [sflag:s4] =	dma.local [hbm:s3], $0xF7A  }
0x26: {  	[smem:$0x3F85] =	sst s1;
	(tag) =	ssettag s2;
	_ =	strace s9  }
0x27: {  	s1 =	sld [smem:$0x3F95]  }
0x28: {  	s2 =	sld [smem:$0x3F96]  }
0x29: {  	s4 =	sld [smem:$0x3F98]  }
0x2a: {  	p0 =	seq.s32 s5, $0x0;
	s5 =	sld [smem:$0x3F99]  }
0x2b: {  	s6 =	sld [smem:$0x3F9A]  }
0x2c: {  	s7 =	sld [smem:$0x3F9B]  }
0x2d: {  	s3 =	simm.s32 $0x108;
	s8 =	sld [smem:$0x3F9C]  }
0x2e: {  	s3 =	simm.s32 @!p0 $0x1082;
	s9 =	sld [smem:$0x3F9D]  }
0x2f: {  	lr =	sadd.s32 s0, s3;
	s0 =	sld [smem:$0x3F94]  }
0x30: {  	s3 =	sld [smem:$0x3F97]  }
0x31: {  	[smem:$0x3FA0] =	sst s10  }
0x32: {  	s10 =	sld [smem:$0x3F9E];
	_ =	sdelay $0x3  }
0x33: {  	p0 =	seq.s32 s10, $0x1;
	s10 =	sld [smem:$0x3FA0];
	_ =	sdelay $0x3  }
0x34: {  	[smem:$0x3FA0] =	sst s10  }
0x35: {  	s10 =	sld [smem:$0x3F9F];
	_ =	sdelay $0x3  }
0x36: {  	p1 =	seq.s32 s10, $0x1;
	s10 =	sld [smem:$0x3FA0];
	_ =	sdelay $0x3  }
0x37: {  	[smem:$0x3FA0] =	sst s10  }
0x38: {  	s10 =	sld [smem:$0x3FA1]  }
0x39: {  	_ = 	snop;
	(pc) =	sbr.ind lr, $3  }
0x3a: {  	_ = 	snop  }
0x3b: {  	_ = 	snop  }
0x3c: {  	p2 =	seq.s32 s10, $0x1;
	s10 =	sld [smem:$0x3FA0]  }
0x3d: {  	_ =	shalt  }
0x3e: {  	_ =	shalt  }
0x3f: {  	_ =	shalt  }
0x40: {  	_ =	shalt  }
0x41: {  	_ =	shalt  }
0x42: {  	_ =	shalt  }
0x43: {  	_ =	shalt  }
0x44: {  	_ =	shalt  }
0x45: {  	_ =	shalt  }
0x46: {  	_ =	shalt  }
0x47: {  	_ =	shalt  }
0x48: {  	_ =	shalt  }
0x49: {  	_ =	shalt  }
0x4a: {  	_ =	shalt  }
0x4b: {  	_ =	shalt  }
0x4c: {  	_ =	shalt  }
0x4d: {  	_ =	shalt  }
0x4e: {  	_ =	shalt  }
0x4f: {  	_ =	shalt  }
0x50: {  	_ =	shalt  }
0x51: {  	_ =	shalt  }
0x52: {  	_ =	shalt  }
0x53: {  	_ =	shalt  }
0x54: {  	_ =	shalt  }
0x55: {  	_ =	shalt  }
0x56: {  	_ =	shalt  }
0x57: {  	_ =	shalt  }
0x58: {  	_ =	shalt  }
0x59: {  	_ =	shalt  }
0x5a: {  	_ =	shalt  }
0x5b: {  	_ =	shalt  }
0x5c: {  	_ =	shalt  }
0x5d: {  	_ =	shalt  }
0x5e: {  	_ =	shalt  }
0x5f: {  	_ =	shalt  }
0x60: {  	_ =	shalt  }
0x61: {  	_ =	shalt  }
0x62: {  	_ =	shalt  }
0x63: {  	_ =	shalt  }
0x64: {  	_ =	shalt  }
0x65: {  	_ =	shalt  }
0x66: {  	_ =	shalt  }
0x67: {  	_ =	shalt  }
0x68: {  	_ =	shalt  }
0x69: {  	_ =	shalt  }
0x6a: {  	_ =	shalt  }
0x6b: {  	_ =	shalt  }
0x6c: {  	_ =	shalt  }
0x6d: {  	_ =	shalt  }
0x6e: {  	_ =	shalt  }
0x6f: {  	_ =	shalt  }
0x70: {  	_ =	shalt  }
0x71: {  	_ =	shalt  }
0x72: {  	_ =	shalt  }
0x73: {  	_ =	shalt  }
0x74: {  	_ =	shalt  }
0x75: {  	_ =	shalt  }
0x76: {  	_ =	shalt  }
0x77: {  	_ =	shalt  }
0x78: {  	_ =	shalt  }
0x79: {  	_ =	shalt  }
0x7a: {  	_ =	shalt  }
0x7b: {  	_ =	shalt  }
0x7c: {  	_ =	shalt  }
0x7d: {  	_ =	shalt  }
0x7e: {  	_ =	shalt  }
0x7f: {  	_ =	shalt  }
0x80: {  	_ =	shalt  }
0x81: {  	_ =	shalt  }
0x82: {  	_ =	shalt  }
0x83: {  	_ =	shalt  }
0x84: {  	_ =	shalt  }
0x85: {  	_ =	shalt  }
0x86: {  	_ =	shalt  }
0x87: {  	_ =	shalt  }
.Lfunc_end0:
.L_simem_size_0:
called_computation_lowered:
.L_overlay_start_0:
0x88: {  	s2 =	sld [smem:$0x3FD9]  }
0x89: {  	s3 =	sld [smem:$0x3FFE];
	_ =	sdelay $0x1  }
0x8a: {  	s1 =	srdreg.scid  }
0x8b: {  	s0 =	sand.u32 $0x1, s1  }
0x8c: {  	s17 =	sshll.u32 s0, $0xA;
	s2 =	sadd.s32 s3, s2  }
0x8d: {  	s2 =	sadd.s32 s2, s17  }
0x8e: {  	[smem:$0x3FAC] =	sst s2  }
0x8f: {  	_ = 	snop  }
0x90: {  	s2 =	sld [smem:$0x3FD0];
	(tm) =	ssettm $0x1  }
0x91: {  	s18 =	sld [smem:$0x3FFB];
	_ =	sdelay $0x3  }
0x92: {  	_ =	strace s18  }
0x93: {  	s3 =	sld [smem:$0x3FFC];
	_ =	sdelay $0x3  }
0x94: {  	_ =	strace s3  }
0x95: {  	s3 =	sld [smem:$0x3FFD];
	_ =	sdelay $0x3  }
0x96: {  	_ =	strace s3  }
0x97: {  	_ =	strace $0x8FFFFFFF  }
0x98: {  	s19 =	sld [smem:$0x3FDB];
	_ =	sdelay $0x1  }
0x99: {  	s4 =	simm.s32 $_scs_section_size  }
0x9a: {  	s5 =	simm.s32 $_size__tile_overlayer_lowered;
	s6 =	simm.s32 $_tile_overlayer_lowered  }
0x9b: {  	s22 =	simm.s32 $0x1BFF;
	s21 =	sshll.u32 s6, $0x1;
	s3 =	sadd.s32 s4, s19  }
0x9c: {  	s7 =	simm.s32 $0x0;
	s20 =	sshll.u32 s5, $0x1;
	s5 =	sadd.s32 s21, s3  }
0x9d: {  	[timem:s7], [sflag:s22] =	dma.local [hbm:s5], s20  }
0x9e: {  	_ =	swait.ge [sflag:s22], s20  }
0x9f: {  	s4 =	ssub.s32 $0x0, s20;
	[sflag:s22] =	ssyncset.done $0x0  }
0xa0: {  	[sflag:s22] =	ssyncadd.s32 s4;
	_ =	sdelay $0x1  }
0xa1: {  	s23 =	simm.s32 $0x1B8B  }
0xa2: {  	_ =	swait.ge [sflag:s23], $0x1  }
0xa3: {  	[sflag:s23] =	ssyncset.done $0x0  }
0xa4: {  	s25 =	simm.s32 $0x1B8E;
	s24 =	sld [smem:$0x3FFE];
	[sflag:s23] =	ssyncadd.s32 $0xFFFFFFFF  }
0xa5: {  	s26 =	simm.s32 $execute0_lowered;
	[smem:$0x3FD2] =	sst s25  }
0xa6: {  	s5 =	sshll.u32 s26, $0x1;
	_ =	strace $0x80000046;
	[dreg:$0x1] =	wrdreg $0xFFFFFFFF  }
0xa7: {  	s28 =	simm.s32 $_size_execute0_lowered;
	s3 =	sadd.s32 s3, s5;
	[dreg:$0x0] =	wrdreg $0x0  }
0xa8: {  	s5 =	sshll.u32 s28, $0x1;
	[dreg:$0x2] =	wrdreg s3  }
0xa9: {  	[dreg:$0x3] =	wrdreg s5  }
0xaa: {  	[dreg:$0x4] =	wrdreg $0xC0  }
0xab: {  	_ =	task [dreg:s7], $0x5FFFF  }
0xac: {  	[dreg:$0x1] =	wrdreg $0xFFFFFFFF  }
0xad: {  	[dreg:$0x0] =	wrdreg $0x60  }
0xae: {  	[dreg:$0x2] =	wrdreg s24  }
0xaf: {  	[dreg:$0x3] =	wrdreg s2  }
0xb0: {  	[dreg:$0x4] =	wrdreg $0xA8000  }
0xb1: {  	[dreg:$0x5] =	wrdreg $0x9  }
0xb2: {  	_ =	task.clear_ibuf [dreg:s7], $0x6FFFF;
	_ =	strace $0x90000046  }
0xb3: {  	s29 =	simm.s32 $0x9;
	_ =	strace $0x80000048  }
0xb4: {  	_ =	swait.ge [sflag:s29], $0x1  }
0xb5: {  	[sflag:s29] =	ssyncadd.s32 $0xFFFFFFFF  }
0xb6: {  	_ =	strace $0x90000048  }
0xb7: {  	_ =	sfence  }
0xb8: {  	s30 =	sld [smem:$0x0];
	_ =	sdelay $0x2  }
0xb9: {  	s31 =	sshll.u32 s1, $0xD;
	s1 =	sshrl.u32 s1, $0x2  }
0xba: {  	s3 =	sand.u32 $0x4000, s31;
	s1 =	sadd.s32 s1, s30  }
0xbb: {  	s0 =	sor.u32 s3, s0;
	s1 =	sshll.u32 s1, $0x11  }
0xbc: {  	s0 =	sor.u32 s1, s0  }
0xbd: {  	s0 =	sadd.s32 $0x8F2B, s0  }
0xbe: {  	[sflag:s0] =	ssyncadd.remote.s32 $0x1  }
0xbf: {  	_ =	sfence.sel $0xFFFF  }
0xc0: {  	[dreg:$0x0] =	wrdreg $0xFFFFFFFF;
	(pc) =	sbr.abs _section_cstart, $3  }
0xc1: {  	[dreg:$0x1] =	wrdreg $0xFFFFFFFF  }
0xc2: {  	_ =	task.clear_ibuf [dreg:s7], $0x2FFFF;
	_ =	strace $0x9FFFFFFF  }
0xc3: {  	(tm) =	ssettm $0x7FFFFFFF  }
tec
execute0_lowered:
.L_overlay_start_1:
0x0: {  	(tag) =	ssettag $0x1  }
0x1: {  	s18 =	stileid.u32  }
0x2: {  	s0 =	srdreg.scid;
	s6 =	smul.u32 $0x13C00, s18  }
0x3: {  	s1 =	rddreg [dreg:$0x0];
	s25 =	smul.u32 $0x4F000, s18  }
0x4: {  	s3 =	rddreg [dreg:$0x2];
	s4 =	simm.s32 $0x0;
	s14 =	smul.u32 $0xA0, s18  }
0x5: {  	s28 =	simm.s32 $0x2;
	s0 =	sand.u32 $0x1, s0;
	s30 =	smul.u32 $0x50000, s18  }
0x6: {  	s31 =	simm.s32 $0x0;
	s2 =	sshll.u32 s18, $0x1;
	s7 =	smul.u32 $0x13C000, s0  }
0x7: {  	[smem:$0x7FF] =	sst s4;
	s2 =	sor.u32 s0, s2;
	s17 =	smul.u32 $0x50, s0  }
0x8: {  	s26 =	ssub.s32 $0x2, s0;
	p2 =	seq.s32 s0, $0x0;
	s0 =	smul.u32 $0x28000, s0  }
0x9: {  	p1 =	slt.u32 s18, $0x8;
	_ =	strace $0x80000047;
	s5 =	smul.u32 $0x500, s2  }
0xa: {  	p0 =	por !p1, !p1;
	s22 =	sshrl.u32 s6, $0x3;
	s9 =	smul.u32 $0x140000, s2  }
0xb: {  	s8 =	sshrl.u32 s26, $0x1;
	s2 =	smul.u32 $0x28000, s2;
	p0 =	por @!p2 p1, p1  }
0xc: {  	s6 =	sadd.s32 s6, s7;
	s23 =	sadd.s32 s22, s1;
	s16 =	ssub.s32 s26, s8  }
0xd: {  	s29 =	sadd.s32 s17, s14;
	s22 =	simm.s32 $0x3;
	s26 =	simm.s32 $0x6800  }
0xe: {  	s12 =	sadd.s32 s5, s1;
	s24 =	sshrl.u32 s6, $0x3;
	s6 =	sshrl.u32 s25, $0x2  }
0xf: {  	s7 =	sadd.s32 $0x19400, s23;
	s10 =	sshrl.u32 s9, $0x3;
	s16 =	smax.u32 s16, $0x1  }
0x10: {  	s23 =	simm.s32 $0x1;
	s25 =	simm.s32 $0x2800;
	s15 =	sadd.s32 s24, s1  }
0x11: {  	s1 =	sadd.s32 $0x40C00, s1;
	s5 =	sadd.s32 s6, s3;
	s6 =	sshll.u32 s18, $0x6  }
0x12: {  	s9 =	sadd.s32 $0xF400, s12;
	s12 =	sadd.s32 $0x5400, s12;
	s24 =	simm.s32 $0x80  }
0x13: {  	s8 =	sor.u32 $0x1C01, s6;
	s11 =	sadd.s32 s1, s10;
	s13 =	sadd.s32 s1, s2  }
0x14: {  	s2 =	sshll.u32 s29, $0xB;
	s15 =	sadd.s32 $0x540C00, s15;
	s21 =	sshrl.u32 s5, $0x3  }
0x15: {  	s10 =	sadd.s32 $0x27000, s11;
	s11 =	sadd.s32 $0x27800, s11;
	s2 =	sadd.s32 s2, s1  }
0x16: {  	s14 =	sadd.s32 $0x800, s13;
	s1 =	sadd.s32 s30, s1;
	s17 =	sadd.s32 $0x800, s2  }
0x17: {  	s18 =	sadd.s32 s0, s1;
	s19 =	sadd.s32 $0x1800, s2;
	s20 =	sadd.s32 $0x1000, s2  }
.LBB2_1:
0x18: {  	[spmem:s21], [sflag:s8] =	dma.local [hbm:s7], $0x2780  }
0x19: {  	[tilespmem:s4], [sflag:$0x3] =	stream.linear.gather [hbm4b:s9+s4], $0x2800, $0x38;
	[tilespmem:$0x1E400] =	vst v63  }
0x1a: {  	_ =	swait.ge [sflag:s22], $0x2800  }
0x1b: {  	[sflag:s22] =	ssyncset.done $0x0  }
0x1c: {  	[sflag:s22] =	ssyncadd.s32 $0xFFFFD800  }
0x1d: {  	_ =	swait.ge [sflag:s23], $0x2780  }
0x1e: {  	[sflag:s23] =	ssyncset.done $0x0  }
0x1f: {  	[sflag:s23] =	ssyncadd.s32 $0xFFFFD880  }
0x20: {  	[bflag:$0x0] =	sbarrier.arrive $0xFFFF  }
0x21: {  	[tilespmem:s25], [sflag:$0x1] =	stream.indirect.gather [spmem:s3], $0x80, s4, s24, $0xb8;
	[tilespmem:$0x1E400] =	vst v63  }
0x22: {  	_ = 	snop  }
0x23: {  	[tilespmem:s26], [sflag:$0x2] =	stream.indirect.gather [spmem:s3], $0x80, s24, s24, $0xb8;
	[tilespmem:$0x1E400] =	vst v63  }
0x24: {  	_ =	swait.ge [sflag:s23], $0x4000  }
0x25: {  	[sflag:s23] =	ssyncset.done $0x0  }
0x26: {  	s0 =	sadd.s32 $0x0, s18;
	[sflag:s23] =	ssyncadd.s32 $0xFFFFC000  }
0x27: {  	[hbm4b:s0+s4] =	stream.linear.scatter [tilespmem:s25], [sflag:$0x3], $0x4000, $0x38;
	[tilespmem:$0x1E400] =	vst v63  }
0x28: {  	_ =	swait.ge [sflag:s22], $0x4000  }
0x29: {  	[sflag:s22] =	ssyncset.done $0x0  }
0x2a: {  	s29 =	simm.s32 $0x100;
	[sflag:s22] =	ssyncadd.s32 $0xFFFFC000  }
0x2b: {  	[tilespmem:s25], [sflag:$0x1] =	stream.indirect.gather [spmem:s3], $0x80, s29, s24, $0xb8;
	[tilespmem:$0x1E400] =	vst v63  }
0x2c: {  	_ =	swait.ge [sflag:s28], $0x4000  }
0x2d: {  	[sflag:s28] =	ssyncset.done $0x0  }
0x2e: {  	s30 =	sadd.s32 $0x0, s17;
	[sflag:s28] =	ssyncadd.s32 $0xFFFFC000  }
0x2f: {  	[hbm4b:s30+s4] =	stream.linear.scatter [tilespmem:s26], [sflag:$0x3], $0x4000, $0x38;
	[tilespmem:$0x1E400] =	vst v63  }
0x30: {  	_ =	swait.ge [sflag:s22], $0x4000  }
0x31: {  	s1 =	simm.s32 $0x180;
	[sflag:s22] =	ssyncset.done $0x0  }
0x32: {  	s2 =	simm.s32 $0x1000;
	s0 =	simm.s32 $0x280;
	[sflag:s22] =	ssyncadd.s32 $0xFFFFC000  }
.LBB2_2:
0x33: {  	[tilespmem:s26], [sflag:$0x2] =	stream.indirect.gather [spmem:s3], $0x80, s1, s24, $0xb8;
	[tilespmem:$0x1E400] =	vst v63  }
0x34: {  	s29 =	smov.u32 s2;
	s1 =	smov.u32 s0  }
0x35: {  	p1 =	sne.s32 s2, $0x26000;
	s2 =	sadd.s32 $0x1000, s2;
	_ =	swait.ge [sflag:s23], $0x4000  }
0x36: {  	[sflag:s23] =	ssyncset.done $0x0  }
0x37: {  	s30 =	sadd.s32 s29, s18;
	[sflag:s23] =	ssyncadd.s32 $0xFFFFC000  }
0x38: {  	[hbm4b:s30+s4] =	stream.linear.scatter [tilespmem:s25], [sflag:$0x3], $0x4000, $0x38;
	[tilespmem:$0x1E400] =	vst v63  }
0x39: {  	_ =	swait.ge [sflag:s22], $0x4000  }
0x3a: {  	[sflag:s22] =	ssyncset.done $0x0  }
0x3b: {  	s30 =	sadd.s32 $0xFFFFFF80, s0;
	[sflag:s22] =	ssyncadd.s32 $0xFFFFC000  }
0x3c: {  	[tilespmem:s25], [sflag:$0x1] =	stream.indirect.gather [spmem:s3], $0x80, s30, s24, $0xb8;
	[tilespmem:$0x1E400] =	vst v63  }
0x3d: {  	_ =	swait.ge [sflag:s28], $0x4000  }
0x3e: {  	[sflag:s28] =	ssyncset.done $0x0  }
.Ltmp0:
0x3f: {  	s29 =	sadd.s32 s29, s17;
	[sflag:s28] =	ssyncadd.s32 $0xFFFFC000;
	(pc) =	sbr.rel @p1 .LBB2_2-.Ltmp0, $4  }
0x40: {  	[hbm4b:s29+s4] =	stream.linear.scatter [tilespmem:s26], [sflag:$0x3], $0x4000, $0x38;
	[tilespmem:$0x1E400] =	vst v63  }
0x41: {  	_ =	swait.ge [sflag:s22], $0x4000  }
0x42: {  	[sflag:s22] =	ssyncset.done $0x0  }
0x43: {  	s0 =	sadd.s32 $0x100, s0;
	[sflag:s22] =	ssyncadd.s32 $0xFFFFC000  }
0x44: {  	[tilespmem:s26], [sflag:$0x2] =	stream.indirect.gather [spmem:s3], $0x80, s1, s24, $0xb8;
	[tilespmem:$0x1E400] =	vst v63  }
0x45: {  	_ =	swait.ge [sflag:s23], $0x4000  }
0x46: {  	[sflag:s23] =	ssyncset.done $0x0  }
0x47: {  	[sflag:s23] =	ssyncadd.s32 $0xFFFFC000  }
0x48: {  	[hbm4b:s10+s4] =	stream.linear.scatter [tilespmem:s25], [sflag:$0x3], $0x4000, $0x38;
	[tilespmem:$0x1E400] =	vst v63  }
0x49: {  	_ =	swait.ge [sflag:s22], $0x4000  }
0x4a: {  	[sflag:s22] =	ssyncset.done $0x0  }
0x4b: {  	[sflag:s22] =	ssyncadd.s32 $0xFFFFC000  }
0x4c: {  	_ =	swait.ge [sflag:s28], $0x4000  }
0x4d: {  	[sflag:s28] =	ssyncset.done $0x0  }
0x4e: {  	[sflag:s28] =	ssyncadd.s32 $0xFFFFC000  }
0x4f: {  	[hbm4b:s11+s4] =	stream.linear.scatter [tilespmem:s26], [sflag:$0x3], $0x4000, $0x38;
	[tilespmem:$0x1E400] =	vst v63  }
0x50: {  	_ =	swait.ge [sflag:s22], $0x4000  }
0x51: {  	[sflag:s22] =	ssyncset.done $0x0  }
0x52: {  	s0 =	stileid.u32;
	[sflag:s22] =	ssyncadd.s32 $0xFFFFC000  }
0x53: {  	s0 =	sshll.u32 @p0 s0, $0x6;
	[bflag:$0x0] =	sbarrier.arrive $0xFFFF  }
0x54: {  	s1 =	sshrl.u32 @p0 s5, $0x3;
	s0 =	sor.u32 @p0 $0x1C03, s0;
	s2 =	rddreg [dreg:$0x1]  }
0x55: {  	[spmem:s1], [sflag:s0] =	dma.local @p0 [hbm:s2], $0x2780  }
0x56: {  	s0 =	simm.s32 @p0 $0x3  }
0x57: {  	_ =	swait.ge @p0 [sflag:s0], $0x2780  }
0x58: {  	[sflag:s0] =	ssyncset.done @p0 $0x0  }
0x59: {  	[sflag:s0] =	ssyncadd.s32 @p0 $0xFFFFD880  }
0x5a: {  	s1 =	simm.s32 $0x0;
	[bflag:$0x0] =	sbarrier.arrive $0xFFFF  }
0x5b: {  	[tilespmem:s1], [sflag:$0x3] =	stream.linear.gather [hbm4b:s12+s1], $0x2800, $0x38;
	[tilespmem:$0x1E400] =	vst v63  }
0x5c: {  	_ =	swait.ge [sflag:s22], $0x2800  }
0x5d: {  	[sflag:s22] =	ssyncset.done $0x0  }
0x5e: {  	[sflag:s22] =	ssyncadd.s32 $0xFFFFD800  }
0x5f: {  	[tilespmem:s25], [sflag:$0x1] =	stream.linear.gather [hbm4b:s13+s1], $0x4000, $0x38;
	[tilespmem:$0x1E400] =	vst v63  }
0x60: {  	_ = 	snop  }
0x61: {  	[tilespmem:s26], [sflag:$0x2] =	stream.linear.gather [hbm4b:s14+s1], $0x4000, $0x38;
	[tilespmem:$0x1E400] =	vst v63  }
0x62: {  	_ =	swait.ge [sflag:s23], $0x4000  }
0x63: {  	[sflag:s23] =	ssyncset.done $0x0  }
0x64: {  	s2 =	simm.s32 $0x0;
	[sflag:s23] =	ssyncadd.s32 $0xFFFFC000  }
0x65: {  	[spmem:s3] =	stream.indirect.scatter.add.f32 [tilespmem:s25], [sflag:$0x3], $0x80, s2, s24, $0xb8;
	[tilespmem:$0x1E400] =	vst v63  }
0x66: {  	_ =	swait.ge [sflag:s22], $0x4000  }
0x67: {  	[sflag:s22] =	ssyncset.done $0x0  }
0x68: {  	s29 =	sadd.s32 $0x0, s20;
	[sflag:s22] =	ssyncadd.s32 $0xFFFFC000  }
0x69: {  	[tilespmem:s25], [sflag:$0x1] =	stream.linear.gather [hbm4b:s29+s4], $0x4000, $0x38;
	[tilespmem:$0x1E400] =	vst v63  }
0x6a: {  	_ =	swait.ge [sflag:s28], $0x4000  }
0x6b: {  	[sflag:s28] =	ssyncset.done $0x0  }
0x6c: {  	s30 =	simm.s32 $0x80;
	[sflag:s28] =	ssyncadd.s32 $0xFFFFC000  }
0x6d: {  	[spmem:s3] =	stream.indirect.scatter.add.f32 [tilespmem:s26], [sflag:$0x3], $0x80, s30, s24, $0xb8;
	[tilespmem:$0x1E400] =	vst v63  }
0x6e: {  	_ =	swait.ge [sflag:s22], $0x4000  }
0x6f: {  	s0 =	simm.s32 $0x180;
	[sflag:s22] =	ssyncset.done $0x0  }
0x70: {  	s1 =	simm.s32 $0x1000;
	s2 =	sadd.s32 $0x0, s19;
	[sflag:s22] =	ssyncadd.s32 $0xFFFFC000  }
.LBB2_4:
0x71: {  	[tilespmem:s26], [sflag:$0x2] =	stream.linear.gather [hbm4b:s2+s4], $0x4000, $0x38;
	[tilespmem:$0x1E400] =	vst v63  }
0x72: {  	s2 =	smov.u32 s1  }
0x73: {  	p1 =	sne.s32 s1, $0x26000;
	s1 =	sadd.s32 $0x1000, s1;
	_ =	swait.ge [sflag:s23], $0x4000  }
0x74: {  	[sflag:s23] =	ssyncset.done $0x0  }
0x75: {  	s29 =	sadd.s32 $0xFFFFFF80, s0;
	[sflag:s23] =	ssyncadd.s32 $0xFFFFC000  }
0x76: {  	[spmem:s3] =	stream.indirect.scatter.add.f32 [tilespmem:s25], [sflag:$0x3], $0x80, s29, s24, $0xb8;
	[tilespmem:$0x1E400] =	vst v63  }
0x77: {  	_ =	swait.ge [sflag:s22], $0x4000  }
0x78: {  	[sflag:s22] =	ssyncset.done $0x0  }
0x79: {  	s29 =	sadd.s32 s2, s20;
	[sflag:s22] =	ssyncadd.s32 $0xFFFFC000  }
0x7a: {  	[tilespmem:s25], [sflag:$0x1] =	stream.linear.gather [hbm4b:s29+s4], $0x4000, $0x38;
	[tilespmem:$0x1E400] =	vst v63  }
0x7b: {  	_ =	swait.ge [sflag:s28], $0x4000  }
0x7c: {  	[sflag:s28] =	ssyncset.done $0x0  }
.Ltmp1:
0x7d: {  	[sflag:s28] =	ssyncadd.s32 $0xFFFFC000;
	(pc) =	sbr.rel @p1 .LBB2_4-.Ltmp1, $4  }
0x7e: {  	[spmem:s3] =	stream.indirect.scatter.add.f32 [tilespmem:s26], [sflag:$0x3], $0x80, s0, s24, $0xb8;
	[tilespmem:$0x1E400] =	vst v63  }
0x7f: {  	_ =	swait.ge [sflag:s22], $0x4000  }
0x80: {  	[sflag:s22] =	ssyncset.done $0x0  }
0x81: {  	s2 =	sadd.s32 s2, s19;
	s0 =	sadd.s32 $0x100, s0;
	[sflag:s22] =	ssyncadd.s32 $0xFFFFC000  }
0x82: {  	[tilespmem:s26], [sflag:$0x2] =	stream.linear.gather [hbm4b:s2+s4], $0x4000, $0x38;
	[tilespmem:$0x1E400] =	vst v63  }
0x83: {  	_ =	swait.ge [sflag:s23], $0x4000  }
0x84: {  	[sflag:s23] =	ssyncset.done $0x0  }
0x85: {  	s0 =	simm.s32 $0x2700;
	[sflag:s23] =	ssyncadd.s32 $0xFFFFC000  }
0x86: {  	[spmem:s3] =	stream.indirect.scatter.add.f32 [tilespmem:s25], [sflag:$0x3], $0x80, s0, s24, $0xb8;
	[tilespmem:$0x1E400] =	vst v63  }
0x87: {  	_ =	swait.ge [sflag:s22], $0x4000  }
0x88: {  	[sflag:s22] =	ssyncset.done $0x0  }
0x89: {  	[sflag:s22] =	ssyncadd.s32 $0xFFFFC000  }
0x8a: {  	_ =	swait.ge [sflag:s28], $0x4000  }
0x8b: {  	[sflag:s28] =	ssyncset.done $0x0  }
0x8c: {  	s29 =	simm.s32 $0x2780;
	[sflag:s28] =	ssyncadd.s32 $0xFFFFC000  }
0x8d: {  	[spmem:s3] =	stream.indirect.scatter.add.f32 [tilespmem:s26], [sflag:$0x3], $0x80, s29, s24, $0xb8;
	[tilespmem:$0x1E400] =	vst v63  }
0x8e: {  	_ =	swait.ge [sflag:s22], $0x4000  }
0x8f: {  	s31 =	sadd.s32 $0x1, s31;
	[sflag:s22] =	ssyncset.done $0x0  }
0x90: {  	p1 =	sne.s32 s31, s16;
	[sflag:s22] =	ssyncadd.s32 $0xFFFFC000  }
.Ltmp2:
0x91: {  	s30 =	sor.u32 $0x1C03, s6;
	[bflag:$0x0] =	sbarrier.arrive $0xFFFF;
	(pc) =	sbr.rel @p1 .LBB2_1-.Ltmp2, $4  }
0x92: {  	[hbm:s15], [sflag:s30] =	dma.local [spmem:s21], $0x2780  }
0x93: {  	_ =	swait.ge [sflag:s22], $0x2780  }
0x94: {  	[sflag:s22] =	ssyncset.done $0x0  }
0x95: {  	[sflag:s22] =	ssyncadd.s32 $0xFFFFD880  }
0x96: {  	_ =	sfence.sel $0x180000  }
0x97: {  	[bflag:$0x0] =	sbarrier.arrive $0xFFFF  }
0x98: {  	_ =	strace $0x90000047  }
0x99: {  	s0 =	stileid.u32;
	[bflag:$0x2] =	sbarrier.arrive $0xFFFF  }
0x9a: {  	p0 =	sne.s32 s0, $0x0;
	s0 =	rddreg [dreg:$0x3]  }
0x9b: {  	s0 =	sadd.s32 @!p0 $0x100000, s0  }
0x9c: {  	[sflag:s0] =	ssyncadd.tile.s32 @!p0 $0x1;
	_ =	shalt  }
.Lfunc_end2:
_tile_overlayer_lowered:
.L_overlay_start_2:
0x9d: {  	(tag) =	ssettag $0x2  }
0x9e: {  	s0 =	rddreg [dreg:$0x0];
	s2 =	stileid.u32  }
0x9f: {  	s1 =	rddreg [dreg:$0x1];
	p0 =	sne.s32 s2, $0x0  }
0xa0: {  	s3 =	rddreg [dreg:$0x2];
	[bflag:$0x3] =	sbarrier.arrive $0xFFFF;
	s2 =	simm.s32 @!p0 $0x1C03  }
0xa1: {  	[timem:s3], [sflag:s2] =	dma.local @!p0 [hbm:s0], s1  }
0xa2: {  	s0 =	simm.s32 @!p0 $0x3  }
0xa3: {  	_ =	swait.ge @!p0 [sflag:s0], s1  }
0xa4: {  	s1 =	ssub.s32 @!p0 $0x0, s1;
	[sflag:s0] =	ssyncset.done @!p0 $0x0  }
0xa5: {  	[sflag:s0] =	ssyncadd.s32 @!p0 s1  }
0xa6: {  	[bflag:$0x3] =	sbarrier.arrive $0xFFFF  }
0xa7: {  	_ =	shalt  }

</sc_bundles>
